<compile_context>
chip_gen: v7x
topology: tpu7x:2x2x1
jax: 0.10.2.dev20260603
libtpu: 0.0.44.dev20260713+nightly
codegen_flags: <defaults>
</compile_context>

<pallas_src>
import dataclasses
import functools

import jax
import jax.numpy as jnp
from jax import lax
from jax.experimental import pallas as pl
from jax.experimental.pallas import tpu as pltpu
from jax.experimental.pallas import tpu_sc as plsc

N = 10000
E = 320000
K = 128
NUM_WORKERS = 32
CPW = 80
E_PAD = NUM_WORKERS * CPW * K
NCHUNKS = E_PAD // K
ROWS_PER_SUBCORE = 624
ACC_ROWS = N + 8


HALF = CPW // 2


def _sc_agg_body(sup_hbm, idx_hbm, zeros_hbm, out_hbm,
                 idxall, rows0, rows1, acc, sg0, sg1):
    cid = lax.axis_index("c")
    sid = lax.axis_index("s")
    w = cid * 16 + sid

    r0 = sid * ROWS_PER_SUBCORE
    pltpu.sync_copy(zeros_hbm.at[pl.ds(r0, ROWS_PER_SUBCORE)],
                    acc.at[pl.ds(r0, ROWS_PER_SUBCORE)])

    tail0 = 16 * ROWS_PER_SUBCORE

    @pl.when(sid == 0)
    def _():
        pltpu.sync_copy(zeros_hbm.at[pl.ds(tail0, N - tail0)],
                        acc.at[pl.ds(tail0, N - tail0)])

    plsc.subcore_barrier()

    def gather(i, rows, sem):
        pltpu.async_copy(sup_hbm.at[idxall.at[2 * i]], rows, sem)

    def wait(rows, sem):
        pltpu.make_async_copy(sup_hbm.at[pl.ds(0, K)], rows, sem).wait()

    def scatter(i, rows):
        pltpu.sync_copy(rows, acc.at[idxall.at[2 * i + 1]], add=True)

    for h in range(2):
        pltpu.sync_copy(idx_hbm.at[pl.ds((w * 2 + h) * CPW, CPW)], idxall)
        gather(0, rows0, sg0)

        @pl.loop(0, HALF, step=2)
        def _(c):
            gather(c + 1, rows1, sg1)
            wait(rows0, sg0)
            scatter(c, rows0)

            @pl.when(c + 2 < HALF)
            def _():
                gather(c + 2, rows0, sg0)

            wait(rows1, sg1)
            scatter(c + 1, rows1)

    plsc.subcore_barrier()
    pltpu.sync_copy(acc.at[pl.ds(r0, ROWS_PER_SUBCORE)],
                    out_hbm.at[cid, pl.ds(r0, ROWS_PER_SUBCORE)])

    @pl.when(sid == 0)
    def _():
        pltpu.sync_copy(acc.at[pl.ds(tail0, N - tail0)],
                        out_hbm.at[cid, pl.ds(tail0, N - tail0)])


@functools.lru_cache(maxsize=None)
def _make_sc_agg(d):
    mesh = plsc.VectorSubcoreMesh(core_axis_name="c", subcore_axis_name="s")
    cp = pltpu.CompilerParams(use_tc_tiling_on_sc=False)
    return pl.kernel(
        _sc_agg_body,
        out_type=jax.ShapeDtypeStruct((2, N, d), jnp.float32),
        mesh=mesh,
        compiler_params=cp,
        scratch_types=[
            pltpu.VMEM((CPW, K), jnp.int32),
            pltpu.VMEM((K, d), jnp.float32),
            pltpu.VMEM((K, d), jnp.float32),
            pltpu.VMEM_SHARED((ACC_ROWS, d), jnp.float32),
            pltpu.SemaphoreType.DMA,
            pltpu.SemaphoreType.DMA,
        ],
    )


NP = 10240


def _sc_agg1_body(sup_hbm, idx_hbm, out_hbm, idxall, sup_v, acc_v):
    cid = lax.axis_index("c")
    sid = lax.axis_index("s")
    w = cid * 16 + sid

    pltpu.sync_copy(idx_hbm.at[pl.ds(w * 2 * CPW, 2 * CPW)], idxall)
    pltpu.sync_copy(sup_hbm, sup_v)

    @pl.loop(0, NP, step=16)
    def _(i):
        acc_v[pl.ds(i, 16)] = jnp.zeros((16,), jnp.float32)

    @pl.loop(0, CPW)
    def _(i):
        @pl.loop(0, K, step=16)
        def _(j):
            sv = idxall[2 * i, pl.ds(j, 16)]
            dv = idxall[2 * i + 1, pl.ds(j, 16)]
            vals = plsc.load_gather(sup_v, [sv])
            plsc.addupdate_scatter(acc_v, [dv], vals)

    pltpu.sync_copy(acc_v, out_hbm.at[pl.ds(w * NP, NP)])


def _make_sc_agg1():
    mesh = plsc.VectorSubcoreMesh(core_axis_name="c", subcore_axis_name="s")
    cp = pltpu.CompilerParams()
    if "needs_layout_passes" in pltpu.CompilerParams.__dataclass_fields__:
        cp = dataclasses.replace(cp, needs_layout_passes=False)
    return pl.kernel(
        _sc_agg1_body,
        out_type=jax.ShapeDtypeStruct((NUM_WORKERS * NP,), jnp.float32),
        mesh=mesh,
        compiler_params=cp,
        scratch_types=[
            pltpu.VMEM((2 * CPW, K), jnp.int32),
            pltpu.VMEM((NP,), jnp.float32),
            pltpu.VMEM((NP,), jnp.float32),
        ],
    )


def _mm_plain_body(x_ref, w_ref, o_ref):
    o_ref[...] = jnp.dot(x_ref[...], w_ref[...],
                         preferred_element_type=jnp.float32)


def _mm_fused_body(p_ref, b_ref, w_ref, o_ref):
    x = jnp.maximum(p_ref[0] + p_ref[1] + b_ref[...], 0.0)
    o_ref[...] = jnp.dot(x, w_ref[...], preferred_element_type=jnp.float32)


def _final_body(p_ref, b_ref, o_ref):
    row = jnp.sum(p_ref[...], axis=0, keepdims=True) + b_ref[0, 0]
    mx = jnp.max(row)
    e = jnp.exp(row - mx)
    s = jnp.sum(e)
    o_ref[...] = row - (mx + jnp.log(s))


_BM = 2000


def _mm_plain(x, w):
    dout = w.shape[1]
    return pl.pallas_call(
        _mm_plain_body,
        grid=(N // _BM,),
        in_specs=[pl.BlockSpec((_BM, x.shape[1]), lambda i: (i, 0)),
                  pl.BlockSpec((x.shape[1], dout), lambda i: (0, 0))],
        out_specs=pl.BlockSpec((_BM, dout), lambda i: (i, 0)),
        out_shape=jax.ShapeDtypeStruct((N, dout), jnp.float32),
    )(x, w)


def _mm_fused(p, b, w):
    din = p.shape[2]
    dout = w.shape[1]
    return pl.pallas_call(
        _mm_fused_body,
        grid=(N // _BM,),
        in_specs=[pl.BlockSpec((2, _BM, din), lambda i: (0, i, 0)),
                  pl.BlockSpec((1, din), lambda i: (0, 0)),
                  pl.BlockSpec((din, dout), lambda i: (0, 0))],
        out_specs=pl.BlockSpec((_BM, dout), lambda i: (i, 0)),
        out_shape=jax.ShapeDtypeStruct((N, dout), jnp.float32),
    )(p, b, w)


def _final(p32, b):
    return pl.pallas_call(
        _final_body,
        in_specs=[pl.BlockSpec((NUM_WORKERS, N), lambda: (0, 0)),
                  pl.BlockSpec((1, 1), lambda: (0, 0))],
        out_specs=pl.BlockSpec((1, N), lambda: (0, 0)),
        out_shape=jax.ShapeDtypeStruct((1, N), jnp.float32),
    )(p32, b)


def kernel(features, adj_matrix, W1, b1, W2, b2, W3, b3, W4, b4, W5, b5):
    pad = E_PAD - E
    src = jnp.concatenate([adj_matrix[0], jnp.zeros((pad,), jnp.int32)])
    dst = jnp.concatenate([adj_matrix[1], jnp.full((pad,), N, jnp.int32)])
    idx = jnp.stack([src.reshape(NCHUNKS, K), dst.reshape(NCHUNKS, K)],
                    axis=1).reshape(2 * NCHUNKS, K)

    zeros128 = jnp.zeros((N, 128), jnp.float32)
    b1r = b1.reshape(1, 128)
    b2r = b2.reshape(1, 128)
    b3r = b3.reshape(1, 128)
    b4r = b4.reshape(1, 128)
    b5r = b5.reshape(1, 1)

    agg128 = _make_sc_agg(128)
    agg1 = _make_sc_agg1()

    s = _mm_plain(features, W1)
    p = agg128(s, idx, zeros128)
    s = _mm_fused(p, b1r, W2)
    p = agg128(s, idx, zeros128)
    s = _mm_fused(p, b2r, W3)
    p = agg128(s, idx, zeros128)
    s = _mm_fused(p, b3r, W4)
    p = agg128(s, idx, zeros128)
    s = _mm_fused(p, b4r, W5)
    s5p = jnp.pad(s.reshape(-1), (0, NP - N))
    p32 = agg1(s5p, idx).reshape(NUM_WORKERS, NP)[:, :N]
    out = _final(p32, b5r)
    return out.reshape(-1)

# --- scband reference (transcript-rebuilt; emitter-appended) ---
"""Pipeline reference for scband-gcn-sparse-memory-policy-select-node-5-66726611911067 (READ-ONLY COPY).

The authoritative reference and input builder live on the scoring server;
editing this copy changes nothing except your own understanding.
"""

import jax, jax.numpy as jnp
import numpy as np


def _gcn_layer(x, W, b, src, dst, n):
    # GraphConvolutionLayer_Sparse_Memory: support = x @ W; out = spmm(adj, support) + b
    # adjacency applied as gather over src nodes + scatter-add into dst nodes
    support = x @ W
    agg = jnp.zeros((n, support.shape[1]), support.dtype).at[dst].add(support[src])
    return agg + b


def setup_inputs(seed: int = 0) -> dict:
    key = jax.random.key(seed)
    N, E = 10000, 320000
    nin, nh, nout = 128, 128, 1
    ks = jax.random.split(key, 12)
    inp = {}
    inp["features"] = jax.random.normal(ks[0], (N, nin), jnp.float32)
    inp["adj_matrix"] = jax.random.randint(ks[1], (2, E), 0, N, jnp.int32)
    dims = [(nin, nh), (nh, nh), (nh, nh), (nh, nh), (nh, nout)]
    for i, (di, do) in enumerate(dims):
        inp[f"W{i+1}"] = jax.random.normal(ks[2 + 2 * i], (di, do), jnp.float32) * (1.0 / np.sqrt(di))
        inp[f"b{i+1}"] = jnp.zeros((do,), jnp.float32)
    return inp


def reference(features, adj_matrix, W1, b1, W2, b2, W3, b3, W4, b4, W5, b5):
    n = features.shape[0]
    src = adj_matrix[0]
    dst = adj_matrix[1]
    x = jax.nn.relu(_gcn_layer(features, W1, b1, src, dst, n))
    x = jax.nn.relu(_gcn_layer(x, W2, b2, src, dst, n))
    x = jax.nn.relu(_gcn_layer(x, W3, b3, src, dst, n))
    x = jax.nn.relu(_gcn_layer(x, W4, b4, src, dst, n))
    x = _gcn_layer(x, W5, b5, src, dst, n)
    flat = x.reshape(-1)
    return jax.nn.log_softmax(flat)

if __name__ == "__main__":
    import jax
    _d = setup_inputs()
    print(jax.jit(kernel)(*tuple(_d.values())))

</pallas_src>

<mosaic_0001>
#map = affine_map<(d0, d1) -> (0, 0)>
#map1 = affine_map<(d0, d1) -> (0, 0, 0)>
module attributes {stable_mosaic.version = 14 : i64} {
  func.func @_sc_agg_body(%arg0: i32, %arg1: i32, %arg2: memref<10000x128xf32, #tpu.memory_space<hbm>>, %arg3: memref<5120x128xi32, #tpu.memory_space<hbm>>, %arg4: memref<10000x128xf32, #tpu.memory_space<hbm>>, %arg5: memref<2x10000x128xf32, #tpu.memory_space<hbm>>, %arg6: memref<80x128xi32, #tpu.memory_space<vmem>>, %arg7: memref<128x128xf32, #tpu.memory_space<vmem>>, %arg8: memref<128x128xf32, #tpu.memory_space<vmem>>, %arg9: memref<10008x128xf32, #tpu.memory_space<vmem_shared>>, %arg10: memref<!tpu.dma_semaphore, #tpu.memory_space<semaphore_mem>>, %arg11: memref<!tpu.dma_semaphore, #tpu.memory_space<semaphore_mem>>) attributes {dimension_semantics = [#tpu.dimension_semantics<core_parallel>, #tpu.dimension_semantics<subcore_parallel>], iteration_bounds = array<i64: 2, 16>, scalar_prefetch = 0 : i64, scratch_operands = 6 : i64, tpu.core_type = #tpu.core_type<sc_vector_subcore>, window_params = [{transform_indices = #map}, {transform_indices = #map}, {transform_indices = #map}, {transform_indices = #map1}]} {
    %mul3A = arith.constant 16 : i32
    %mul3A_0 = arith.muli %arg0, %mul3A : i32
    %add3A = arith.addi %mul3A_0, %arg1 : i32
    %mul3A_1 = arith.constant 624 : i32
    %mul3A_2 = arith.muli %arg1, %mul3A_1 : i32
    "tpu.region"() ({
      %run_scoped3A = tpu.sem_alloc : memref<!tpu.dma_semaphore, #tpu.memory_space<semaphore_mem>>
      %dma_start3A_45 = arith.constant 0 : i32
      %dma_start3A_46 = tpu.memref_slice %arg9[%mul3A_2, %dma_start3A_45] : memref<10008x128xf32, #tpu.memory_space<vmem_shared>> -> memref<624x128xf32, #tpu.memory_space<vmem_shared>>
      %dma_start3A_47 = arith.constant 0 : i32
      %dma_start3A_48 = tpu.memref_slice %arg4[%mul3A_2, %dma_start3A_47] : memref<10000x128xf32, #tpu.memory_space<hbm>> -> memref<624x128xf32, #tpu.memory_space<hbm>>
      tpu.enqueue_dma source(%dma_start3A_48 : memref<624x128xf32, #tpu.memory_space<hbm>>) target(%dma_start3A_46 : memref<624x128xf32, #tpu.memory_space<vmem_shared>>) target_semaphore(%run_scoped3A : memref<!tpu.dma_semaphore, #tpu.memory_space<semaphore_mem>>)
      %dma_wait3A = arith.constant 0 : i32
      %dma_wait3A_49 = tpu.memref_slice %arg9[%mul3A_2, %dma_wait3A] : memref<10008x128xf32, #tpu.memory_space<vmem_shared>> -> memref<624x128xf32, #tpu.memory_space<vmem_shared>>
      %dma_wait3A_50 = arith.constant 0 : i32
      %dma_wait3A_51 = tpu.memref_slice %arg4[%mul3A_2, %dma_wait3A_50] : memref<10000x128xf32, #tpu.memory_space<hbm>> -> memref<624x128xf32, #tpu.memory_space<hbm>>
      tpu.wait_dma2 semaphore(%run_scoped3A : memref<!tpu.dma_semaphore, #tpu.memory_space<semaphore_mem>>) src(%dma_wait3A_51 : memref<624x128xf32, #tpu.memory_space<hbm>>) dst(%dma_wait3A_49 : memref<624x128xf32, #tpu.memory_space<vmem_shared>>)
      tpu.yield
    }) : () -> ()
    %eq3A = arith.constant 0 : i32
    %eq3A_3 = arith.cmpi eq, %arg1, %eq3A : i32
    %convert_element_type3A = arith.extui %eq3A_3 : i1 to i32
    %cond3A = arith.constant 0 : i32
    %cond3A_4 = arith.cmpi ne, %convert_element_type3A, %cond3A : i32
    scf.if %cond3A_4 {
      "tpu.region"() ({
        %run_scoped3A = tpu.sem_alloc : memref<!tpu.dma_semaphore, #tpu.memory_space<semaphore_mem>>
        %dma_start3A_45 = arith.constant 9984 : i32
        %dma_start3A_46 = arith.constant 0 : i32
        %dma_start3A_47 = tpu.memref_slice %arg9[%dma_start3A_45, %dma_start3A_46] : memref<10008x128xf32, #tpu.memory_space<vmem_shared>> -> memref<16x128xf32, #tpu.memory_space<vmem_shared>>
        %dma_start3A_48 = arith.constant 9984 : i32
        %dma_start3A_49 = arith.constant 0 : i32
        %dma_start3A_50 = tpu.memref_slice %arg4[%dma_start3A_48, %dma_start3A_49] : memref<10000x128xf32, #tpu.memory_space<hbm>> -> memref<16x128xf32, #tpu.memory_space<hbm>>
        tpu.enqueue_dma source(%dma_start3A_50 : memref<16x128xf32, #tpu.memory_space<hbm>>) target(%dma_start3A_47 : memref<16x128xf32, #tpu.memory_space<vmem_shared>>) target_semaphore(%run_scoped3A : memref<!tpu.dma_semaphore, #tpu.memory_space<semaphore_mem>>)
        %dma_wait3A = arith.constant 9984 : i32
        %dma_wait3A_51 = arith.constant 0 : i32
        %dma_wait3A_52 = tpu.memref_slice %arg9[%dma_wait3A, %dma_wait3A_51] : memref<10008x128xf32, #tpu.memory_space<vmem_shared>> -> memref<16x128xf32, #tpu.memory_space<vmem_shared>>
        %dma_wait3A_53 = arith.constant 9984 : i32
        %dma_wait3A_54 = arith.constant 0 : i32
        %dma_wait3A_55 = tpu.memref_slice %arg4[%dma_wait3A_53, %dma_wait3A_54] : memref<10000x128xf32, #tpu.memory_space<hbm>> -> memref<16x128xf32, #tpu.memory_space<hbm>>
        tpu.wait_dma2 semaphore(%run_scoped3A : memref<!tpu.dma_semaphore, #tpu.memory_space<semaphore_mem>>) src(%dma_wait3A_55 : memref<16x128xf32, #tpu.memory_space<hbm>>) dst(%dma_wait3A_52 : memref<16x128xf32, #tpu.memory_space<vmem_shared>>)
        tpu.yield
      }) : () -> ()
    } else {
    }
    %barrier3A = arith.constant 0 : index
    tpu.barrier barrier_id(%barrier3A)
    %mul3A_5 = arith.constant 2 : i32
    %mul3A_6 = arith.muli %add3A, %mul3A_5 : i32
    %add3A_7 = arith.constant 0 : i32
    %add3A_8 = arith.addi %mul3A_6, %add3A_7 : i32
    %mul3A_9 = arith.constant 80 : i32
    %mul3A_10 = arith.muli %add3A_8, %mul3A_9 : i32
    "tpu.region"() ({
      %run_scoped3A = tpu.sem_alloc : memref<!tpu.dma_semaphore, #tpu.memory_space<semaphore_mem>>
      %dma_start3A_45 = arith.constant 0 : i32
      %dma_start3A_46 = tpu.memref_slice %arg3[%mul3A_10, %dma_start3A_45] : memref<5120x128xi32, #tpu.memory_space<hbm>> -> memref<80x128xi32, #tpu.memory_space<hbm>>
      %dma_start3A_47 = arith.constant 0 : i32
      %dma_start3A_48 = tpu.memref_slice %arg3[%mul3A_10, %dma_start3A_47] : memref<5120x128xi32, #tpu.memory_space<hbm>> -> memref<80x128xi32, #tpu.memory_space<hbm>>
      tpu.enqueue_dma source(%dma_start3A_48 : memref<80x128xi32, #tpu.memory_space<hbm>>) target(%arg6 : memref<80x128xi32, #tpu.memory_space<vmem>>) target_semaphore(%run_scoped3A : memref<!tpu.dma_semaphore, #tpu.memory_space<semaphore_mem>>)
      %dma_wait3A = arith.constant 0 : i32
      %dma_wait3A_49 = tpu.memref_slice %arg3[%mul3A_10, %dma_wait3A] : memref<5120x128xi32, #tpu.memory_space<hbm>> -> memref<80x128xi32, #tpu.memory_space<hbm>>
      %dma_wait3A_50 = arith.constant 0 : i32
      %dma_wait3A_51 = tpu.memref_slice %arg3[%mul3A_10, %dma_wait3A_50] : memref<5120x128xi32, #tpu.memory_space<hbm>> -> memref<80x128xi32, #tpu.memory_space<hbm>>
      tpu.wait_dma2 semaphore(%run_scoped3A : memref<!tpu.dma_semaphore, #tpu.memory_space<semaphore_mem>>) src(%dma_wait3A_51 : memref<80x128xi32, #tpu.memory_space<hbm>>) dst(%arg6 : memref<80x128xi32, #tpu.memory_space<vmem>>)
      tpu.yield
    }) : () -> ()
    %dma_start3A = arith.constant 0 : i32
    %dma_start3A_11 = arith.constant 0 : i32
    %dma_start3A_12 = tpu.memref_slice %arg6[%dma_start3A, %dma_start3A_11] : memref<80x128xi32, #tpu.memory_space<vmem>> -> memref<1x128xi32, #tpu.memory_space<vmem>>
    %dma_start3A_13 = tpu.memref_squeeze %dma_start3A_12 : memref<1x128xi32, #tpu.memory_space<vmem>> -> memref<128xi32, #tpu.memory_space<vmem>>
    %dma_start3A_14 = arith.constant 0 : i32
    %dma_start3A_15 = arith.constant 0 : i32
    %dma_start3A_16 = tpu.memref_slice %arg2[%dma_start3A_14, %dma_start3A_15] : memref<10000x128xf32, #tpu.memory_space<hbm>> -> memref<10000x128xf32, #tpu.memory_space<hbm>>
    tpu.enqueue_indirect_dma source(%dma_start3A_16 : memref<10000x128xf32, #tpu.memory_space<hbm>>) target(%arg7 : memref<128x128xf32, #tpu.memory_space<vmem>>) offsets(%dma_start3A_13 : memref<128xi32, #tpu.memory_space<vmem>>) semaphore(%arg10 : memref<!tpu.dma_semaphore, #tpu.memory_space<semaphore_mem>>)
    %scan3A = arith.constant 0 : i32
    %scan3A_17 = arith.constant 20 : i32
    %scan3A_18 = arith.addi %scan3A, %scan3A_17 : i32
    %scan3A_19 = arith.constant 1 : i32
    scf.for %scan3A_45 = %scan3A to %scan3A_18 step %scan3A_19  : i32 {
      %mul3A_46 = arith.constant 2 : i32
      %mul3A_47 = arith.muli %scan3A_45, %mul3A_46 : i32
      %add3A_48 = arith.constant 0 : i32
      %add3A_49 = arith.addi %add3A_48, %mul3A_47 : i32
      %add3A_50 = arith.constant 1 : i32
      %add3A_51 = arith.addi %add3A_49, %add3A_50 : i32
      %mul3A_52 = arith.constant 2 : i32
      %mul3A_53 = arith.muli %mul3A_52, %add3A_51 : i32
      %dma_start3A_54 = arith.constant 0 : i32
      %dma_start3A_55 = tpu.memref_slice %arg6[%mul3A_53, %dma_start3A_54] : memref<80x128xi32, #tpu.memory_space<vmem>> -> memref<1x128xi32, #tpu.memory_space<vmem>>
      %dma_start3A_56 = tpu.memref_squeeze %dma_start3A_55 : memref<1x128xi32, #tpu.memory_space<vmem>> -> memref<128xi32, #tpu.memory_space<vmem>>
      %dma_start3A_57 = arith.constant 0 : i32
      %dma_start3A_58 = arith.constant 0 : i32
      %dma_start3A_59 = tpu.memref_slice %arg2[%dma_start3A_57, %dma_start3A_58] : memref<10000x128xf32, #tpu.memory_space<hbm>> -> memref<10000x128xf32, #tpu.memory_space<hbm>>
      tpu.enqueue_indirect_dma source(%dma_start3A_59 : memref<10000x128xf32, #tpu.memory_space<hbm>>) target(%arg8 : memref<128x128xf32, #tpu.memory_space<vmem>>) offsets(%dma_start3A_56 : memref<128xi32, #tpu.memory_space<vmem>>) semaphore(%arg11 : memref<!tpu.dma_semaphore, #tpu.memory_space<semaphore_mem>>)
      %dma_wait3A = arith.constant 0 : i32
      %dma_wait3A_60 = arith.constant 0 : i32
      %dma_wait3A_61 = tpu.memref_slice %arg2[%dma_wait3A, %dma_wait3A_60] : memref<10000x128xf32, #tpu.memory_space<hbm>> -> memref<128x128xf32, #tpu.memory_space<hbm>>
      %dma_wait3A_62 = arith.constant 0 : i32
      %dma_wait3A_63 = arith.constant 0 : i32
      %dma_wait3A_64 = tpu.memref_slice %arg2[%dma_wait3A_62, %dma_wait3A_63] : memref<10000x128xf32, #tpu.memory_space<hbm>> -> memref<128x128xf32, #tpu.memory_space<hbm>>
      tpu.wait_dma2 semaphore(%arg10 : memref<!tpu.dma_semaphore, #tpu.memory_space<semaphore_mem>>) src(%dma_wait3A_64 : memref<128x128xf32, #tpu.memory_space<hbm>>) dst(%arg7 : memref<128x128xf32, #tpu.memory_space<vmem>>)
      %mul3A_65 = arith.constant 2 : i32
      %mul3A_66 = arith.muli %mul3A_65, %add3A_49 : i32
      %add3A_67 = arith.constant 1 : i32
      %add3A_68 = arith.addi %mul3A_66, %add3A_67 : i32
      "tpu.region"() ({
        %run_scoped3A = tpu.sem_alloc : memref<!tpu.dma_semaphore, #tpu.memory_space<semaphore_mem>>
        %dma_start3A_87 = arith.constant 0 : i32
        %dma_start3A_88 = tpu.memref_slice %arg6[%add3A_68, %dma_start3A_87] : memref<80x128xi32, #tpu.memory_space<vmem>> -> memref<1x128xi32, #tpu.memory_space<vmem>>
        %dma_start3A_89 = tpu.memref_squeeze %dma_start3A_88 : memref<1x128xi32, #tpu.memory_space<vmem>> -> memref<128xi32, #tpu.memory_space<vmem>>
        %dma_start3A_90 = arith.constant 0 : i32
        %dma_start3A_91 = arith.constant 0 : i32
        %dma_start3A_92 = tpu.memref_slice %arg9[%dma_start3A_90, %dma_start3A_91] : memref<10008x128xf32, #tpu.memory_space<vmem_shared>> -> memref<10008x128xf32, #tpu.memory_space<vmem_shared>>
        tpu.enqueue_indirect_dma source(%arg7 : memref<128x128xf32, #tpu.memory_space<vmem>>) target(%dma_start3A_92 : memref<10008x128xf32, #tpu.memory_space<vmem_shared>>) offsets(%dma_start3A_89 : memref<128xi32, #tpu.memory_space<vmem>>) semaphore(%run_scoped3A : memref<!tpu.dma_semaphore, #tpu.memory_space<semaphore_mem>>) {add = true}
        %dma_wait3A_93 = arith.constant 0 : i32
        %dma_wait3A_94 = tpu.memref_slice %arg6[%add3A_68, %dma_wait3A_93] : memref<80x128xi32, #tpu.memory_space<vmem>> -> memref<1x128xi32, #tpu.memory_space<vmem>>
        %dma_wait3A_95 = tpu.memref_squeeze %dma_wait3A_94 : memref<1x128xi32, #tpu.memory_space<vmem>> -> memref<128xi32, #tpu.memory_space<vmem>>
        %dma_wait3A_96 = arith.constant 0 : i32
        %dma_wait3A_97 = arith.constant 0 : i32
        %dma_wait3A_98 = tpu.memref_slice %arg9[%dma_wait3A_96, %dma_wait3A_97] : memref<10008x128xf32, #tpu.memory_space<vmem_shared>> -> memref<10008x128xf32, #tpu.memory_space<vmem_shared>>
        tpu.wait_indirect_dma semaphore(%run_scoped3A : memref<!tpu.dma_semaphore, #tpu.memory_space<semaphore_mem>>) src(%arg7 : memref<128x128xf32, #tpu.memory_space<vmem>>) dst(%dma_wait3A_98 : memref<10008x128xf32, #tpu.memory_space<vmem_shared>>)
        tpu.yield
      }) : () -> ()
      %add3A_69 = arith.constant 2 : i32
      %add3A_70 = arith.addi %add3A_49, %add3A_69 : i32
      %lt3A = arith.constant 40 : i32
      %lt3A_71 = arith.cmpi slt, %add3A_70, %lt3A : i32
      %convert_element_type3A_72 = arith.extui %lt3A_71 : i1 to i32
      %cond3A_73 = arith.constant 0 : i32
      %cond3A_74 = arith.cmpi ne, %convert_element_type3A_72, %cond3A_73 : i32
      scf.if %cond3A_74 {
        %add3A_87 = arith.constant 2 : i32
        %add3A_88 = arith.addi %add3A_49, %add3A_87 : i32
        %mul3A_89 = arith.constant 2 : i32
        %mul3A_90 = arith.muli %mul3A_89, %add3A_88 : i32
        %dma_start3A_91 = arith.constant 0 : i32
        %dma_start3A_92 = tpu.memref_slice %arg6[%mul3A_90, %dma_start3A_91] : memref<80x128xi32, #tpu.memory_space<vmem>> -> memref<1x128xi32, #tpu.memory_space<vmem>>
        %dma_start3A_93 = tpu.memref_squeeze %dma_start3A_92 : memref<1x128xi32, #tpu.memory_space<vmem>> -> memref<128xi32, #tpu.memory_space<vmem>>
        %dma_start3A_94 = arith.constant 0 : i32
        %dma_start3A_95 = arith.constant 0 : i32
        %dma_start3A_96 = tpu.memref_slice %arg2[%dma_start3A_94, %dma_start3A_95] : memref<10000x128xf32, #tpu.memory_space<hbm>> -> memref<10000x128xf32, #tpu.memory_space<hbm>>
        tpu.enqueue_indirect_dma source(%dma_start3A_96 : memref<10000x128xf32, #tpu.memory_space<hbm>>) target(%arg7 : memref<128x128xf32, #tpu.memory_space<vmem>>) offsets(%dma_start3A_93 : memref<128xi32, #tpu.memory_space<vmem>>) semaphore(%arg10 : memref<!tpu.dma_semaphore, #tpu.memory_space<semaphore_mem>>)
      } else {
      }
      %dma_wait3A_75 = arith.constant 0 : i32
      %dma_wait3A_76 = arith.constant 0 : i32
      %dma_wait3A_77 = tpu.memref_slice %arg2[%dma_wait3A_75, %dma_wait3A_76] : memref<10000x128xf32, #tpu.memory_space<hbm>> -> memref<128x128xf32, #tpu.memory_space<hbm>>
      %dma_wait3A_78 = arith.constant 0 : i32
      %dma_wait3A_79 = arith.constant 0 : i32
      %dma_wait3A_80 = tpu.memref_slice %arg2[%dma_wait3A_78, %dma_wait3A_79] : memref<10000x128xf32, #tpu.memory_space<hbm>> -> memref<128x128xf32, #tpu.memory_space<hbm>>
      tpu.wait_dma2 semaphore(%arg11 : memref<!tpu.dma_semaphore, #tpu.memory_space<semaphore_mem>>) src(%dma_wait3A_80 : memref<128x128xf32, #tpu.memory_space<hbm>>) dst(%arg8 : memref<128x128xf32, #tpu.memory_space<vmem>>)
      %add3A_81 = arith.constant 1 : i32
      %add3A_82 = arith.addi %add3A_49, %add3A_81 : i32
      %mul3A_83 = arith.constant 2 : i32
      %mul3A_84 = arith.muli %mul3A_83, %add3A_82 : i32
      %add3A_85 = arith.constant 1 : i32
      %add3A_86 = arith.addi %mul3A_84, %add3A_85 : i32
      "tpu.region"() ({
        %run_scoped3A = tpu.sem_alloc : memref<!tpu.dma_semaphore, #tpu.memory_space<semaphore_mem>>
        %dma_start3A_87 = arith.constant 0 : i32
        %dma_start3A_88 = tpu.memref_slice %arg6[%add3A_86, %dma_start3A_87] : memref<80x128xi32, #tpu.memory_space<vmem>> -> memref<1x128xi32, #tpu.memory_space<vmem>>
        %dma_start3A_89 = tpu.memref_squeeze %dma_start3A_88 : memref<1x128xi32, #tpu.memory_space<vmem>> -> memref<128xi32, #tpu.memory_space<vmem>>
        %dma_start3A_90 = arith.constant 0 : i32
        %dma_start3A_91 = arith.constant 0 : i32
        %dma_start3A_92 = tpu.memref_slice %arg9[%dma_start3A_90, %dma_start3A_91] : memref<10008x128xf32, #tpu.memory_space<vmem_shared>> -> memref<10008x128xf32, #tpu.memory_space<vmem_shared>>
        tpu.enqueue_indirect_dma source(%arg8 : memref<128x128xf32, #tpu.memory_space<vmem>>) target(%dma_start3A_92 : memref<10008x128xf32, #tpu.memory_space<vmem_shared>>) offsets(%dma_start3A_89 : memref<128xi32, #tpu.memory_space<vmem>>) semaphore(%run_scoped3A : memref<!tpu.dma_semaphore, #tpu.memory_space<semaphore_mem>>) {add = true}
        %dma_wait3A_93 = arith.constant 0 : i32
        %dma_wait3A_94 = tpu.memref_slice %arg6[%add3A_86, %dma_wait3A_93] : memref<80x128xi32, #tpu.memory_space<vmem>> -> memref<1x128xi32, #tpu.memory_space<vmem>>
        %dma_wait3A_95 = tpu.memref_squeeze %dma_wait3A_94 : memref<1x128xi32, #tpu.memory_space<vmem>> -> memref<128xi32, #tpu.memory_space<vmem>>
        %dma_wait3A_96 = arith.constant 0 : i32
        %dma_wait3A_97 = arith.constant 0 : i32
        %dma_wait3A_98 = tpu.memref_slice %arg9[%dma_wait3A_96, %dma_wait3A_97] : memref<10008x128xf32, #tpu.memory_space<vmem_shared>> -> memref<10008x128xf32, #tpu.memory_space<vmem_shared>>
        tpu.wait_indirect_dma semaphore(%run_scoped3A : memref<!tpu.dma_semaphore, #tpu.memory_space<semaphore_mem>>) src(%arg8 : memref<128x128xf32, #tpu.memory_space<vmem>>) dst(%dma_wait3A_98 : memref<10008x128xf32, #tpu.memory_space<vmem_shared>>)
        tpu.yield
      }) : () -> ()
    }
    %scan3A_20 = arith.constant 20 : i32
    %mul3A_21 = arith.constant 2 : i32
    %mul3A_22 = arith.muli %add3A, %mul3A_21 : i32
    %add3A_23 = arith.constant 1 : i32
    %add3A_24 = arith.addi %mul3A_22, %add3A_23 : i32
    %mul3A_25 = arith.constant 80 : i32
    %mul3A_26 = arith.muli %add3A_24, %mul3A_25 : i32
    "tpu.region"() ({
      %run_scoped3A = tpu.sem_alloc : memref<!tpu.dma_semaphore, #tpu.memory_space<semaphore_mem>>
      %dma_start3A_45 = arith.constant 0 : i32
      %dma_start3A_46 = tpu.memref_slice %arg3[%mul3A_26, %dma_start3A_45] : memref<5120x128xi32, #tpu.memory_space<hbm>> -> memref<80x128xi32, #tpu.memory_space<hbm>>
      %dma_start3A_47 = arith.constant 0 : i32
      %dma_start3A_48 = tpu.memref_slice %arg3[%mul3A_26, %dma_start3A_47] : memref<5120x128xi32, #tpu.memory_space<hbm>> -> memref<80x128xi32, #tpu.memory_space<hbm>>
      tpu.enqueue_dma source(%dma_start3A_48 : memref<80x128xi32, #tpu.memory_space<hbm>>) target(%arg6 : memref<80x128xi32, #tpu.memory_space<vmem>>) target_semaphore(%run_scoped3A : memref<!tpu.dma_semaphore, #tpu.memory_space<semaphore_mem>>)
      %dma_wait3A = arith.constant 0 : i32
      %dma_wait3A_49 = tpu.memref_slice %arg3[%mul3A_26, %dma_wait3A] : memref<5120x128xi32, #tpu.memory_space<hbm>> -> memref<80x128xi32, #tpu.memory_space<hbm>>
      %dma_wait3A_50 = arith.constant 0 : i32
      %dma_wait3A_51 = tpu.memref_slice %arg3[%mul3A_26, %dma_wait3A_50] : memref<5120x128xi32, #tpu.memory_space<hbm>> -> memref<80x128xi32, #tpu.memory_space<hbm>>
      tpu.wait_dma2 semaphore(%run_scoped3A : memref<!tpu.dma_semaphore, #tpu.memory_space<semaphore_mem>>) src(%dma_wait3A_51 : memref<80x128xi32, #tpu.memory_space<hbm>>) dst(%arg6 : memref<80x128xi32, #tpu.memory_space<vmem>>)
      tpu.yield
    }) : () -> ()
    %dma_start3A_27 = arith.constant 0 : i32
    %dma_start3A_28 = arith.constant 0 : i32
    %dma_start3A_29 = tpu.memref_slice %arg6[%dma_start3A_27, %dma_start3A_28] : memref<80x128xi32, #tpu.memory_space<vmem>> -> memref<1x128xi32, #tpu.memory_space<vmem>>
    %dma_start3A_30 = tpu.memref_squeeze %dma_start3A_29 : memref<1x128xi32, #tpu.memory_space<vmem>> -> memref<128xi32, #tpu.memory_space<vmem>>
    %dma_start3A_31 = arith.constant 0 : i32
    %dma_start3A_32 = arith.constant 0 : i32
    %dma_start3A_33 = tpu.memref_slice %arg2[%dma_start3A_31, %dma_start3A_32] : memref<10000x128xf32, #tpu.memory_space<hbm>> -> memref<10000x128xf32, #tpu.memory_space<hbm>>
    tpu.enqueue_indirect_dma source(%dma_start3A_33 : memref<10000x128xf32, #tpu.memory_space<hbm>>) target(%arg7 : memref<128x128xf32, #tpu.memory_space<vmem>>) offsets(%dma_start3A_30 : memref<128xi32, #tpu.memory_space<vmem>>) semaphore(%arg10 : memref<!tpu.dma_semaphore, #tpu.memory_space<semaphore_mem>>)
    %scan3A_34 = arith.constant 0 : i32
    %scan3A_35 = arith.constant 20 : i32
    %scan3A_36 = arith.addi %scan3A_34, %scan3A_35 : i32
    %scan3A_37 = arith.constant 1 : i32
    scf.for %scan3A_45 = %scan3A_34 to %scan3A_36 step %scan3A_37  : i32 {
      %mul3A_46 = arith.constant 2 : i32
      %mul3A_47 = arith.muli %scan3A_45, %mul3A_46 : i32
      %add3A_48 = arith.constant 0 : i32
      %add3A_49 = arith.addi %add3A_48, %mul3A_47 : i32
      %add3A_50 = arith.constant 1 : i32
      %add3A_51 = arith.addi %add3A_49, %add3A_50 : i32
      %mul3A_52 = arith.constant 2 : i32
      %mul3A_53 = arith.muli %mul3A_52, %add3A_51 : i32
      %dma_start3A_54 = arith.constant 0 : i32
      %dma_start3A_55 = tpu.memref_slice %arg6[%mul3A_53, %dma_start3A_54] : memref<80x128xi32, #tpu.memory_space<vmem>> -> memref<1x128xi32, #tpu.memory_space<vmem>>
      %dma_start3A_56 = tpu.memref_squeeze %dma_start3A_55 : memref<1x128xi32, #tpu.memory_space<vmem>> -> memref<128xi32, #tpu.memory_space<vmem>>
      %dma_start3A_57 = arith.constant 0 : i32
      %dma_start3A_58 = arith.constant 0 : i32
      %dma_start3A_59 = tpu.memref_slice %arg2[%dma_start3A_57, %dma_start3A_58] : memref<10000x128xf32, #tpu.memory_space<hbm>> -> memref<10000x128xf32, #tpu.memory_space<hbm>>
      tpu.enqueue_indirect_dma source(%dma_start3A_59 : memref<10000x128xf32, #tpu.memory_space<hbm>>) target(%arg8 : memref<128x128xf32, #tpu.memory_space<vmem>>) offsets(%dma_start3A_56 : memref<128xi32, #tpu.memory_space<vmem>>) semaphore(%arg11 : memref<!tpu.dma_semaphore, #tpu.memory_space<semaphore_mem>>)
      %dma_wait3A = arith.constant 0 : i32
      %dma_wait3A_60 = arith.constant 0 : i32
      %dma_wait3A_61 = tpu.memref_slice %arg2[%dma_wait3A, %dma_wait3A_60] : memref<10000x128xf32, #tpu.memory_space<hbm>> -> memref<128x128xf32, #tpu.memory_space<hbm>>
      %dma_wait3A_62 = arith.constant 0 : i32
      %dma_wait3A_63 = arith.constant 0 : i32
      %dma_wait3A_64 = tpu.memref_slice %arg2[%dma_wait3A_62, %dma_wait3A_63] : memref<10000x128xf32, #tpu.memory_space<hbm>> -> memref<128x128xf32, #tpu.memory_space<hbm>>
      tpu.wait_dma2 semaphore(%arg10 : memref<!tpu.dma_semaphore, #tpu.memory_space<semaphore_mem>>) src(%dma_wait3A_64 : memref<128x128xf32, #tpu.memory_space<hbm>>) dst(%arg7 : memref<128x128xf32, #tpu.memory_space<vmem>>)
      %mul3A_65 = arith.constant 2 : i32
      %mul3A_66 = arith.muli %mul3A_65, %add3A_49 : i32
      %add3A_67 = arith.constant 1 : i32
      %add3A_68 = arith.addi %mul3A_66, %add3A_67 : i32
      "tpu.region"() ({
        %run_scoped3A = tpu.sem_alloc : memref<!tpu.dma_semaphore, #tpu.memory_space<semaphore_mem>>
        %dma_start3A_87 = arith.constant 0 : i32
        %dma_start3A_88 = tpu.memref_slice %arg6[%add3A_68, %dma_start3A_87] : memref<80x128xi32, #tpu.memory_space<vmem>> -> memref<1x128xi32, #tpu.memory_space<vmem>>
        %dma_start3A_89 = tpu.memref_squeeze %dma_start3A_88 : memref<1x128xi32, #tpu.memory_space<vmem>> -> memref<128xi32, #tpu.memory_space<vmem>>
        %dma_start3A_90 = arith.constant 0 : i32
        %dma_start3A_91 = arith.constant 0 : i32
        %dma_start3A_92 = tpu.memref_slice %arg9[%dma_start3A_90, %dma_start3A_91] : memref<10008x128xf32, #tpu.memory_space<vmem_shared>> -> memref<10008x128xf32, #tpu.memory_space<vmem_shared>>
        tpu.enqueue_indirect_dma source(%arg7 : memref<128x128xf32, #tpu.memory_space<vmem>>) target(%dma_start3A_92 : memref<10008x128xf32, #tpu.memory_space<vmem_shared>>) offsets(%dma_start3A_89 : memref<128xi32, #tpu.memory_space<vmem>>) semaphore(%run_scoped3A : memref<!tpu.dma_semaphore, #tpu.memory_space<semaphore_mem>>) {add = true}
        %dma_wait3A_93 = arith.constant 0 : i32
        %dma_wait3A_94 = tpu.memref_slice %arg6[%add3A_68, %dma_wait3A_93] : memref<80x128xi32, #tpu.memory_space<vmem>> -> memref<1x128xi32, #tpu.memory_space<vmem>>
        %dma_wait3A_95 = tpu.memref_squeeze %dma_wait3A_94 : memref<1x128xi32, #tpu.memory_space<vmem>> -> memref<128xi32, #tpu.memory_space<vmem>>
        %dma_wait3A_96 = arith.constant 0 : i32
        %dma_wait3A_97 = arith.constant 0 : i32
        %dma_wait3A_98 = tpu.memref_slice %arg9[%dma_wait3A_96, %dma_wait3A_97] : memref<10008x128xf32, #tpu.memory_space<vmem_shared>> -> memref<10008x128xf32, #tpu.memory_space<vmem_shared>>
        tpu.wait_indirect_dma semaphore(%run_scoped3A : memref<!tpu.dma_semaphore, #tpu.memory_space<semaphore_mem>>) src(%arg7 : memref<128x128xf32, #tpu.memory_space<vmem>>) dst(%dma_wait3A_98 : memref<10008x128xf32, #tpu.memory_space<vmem_shared>>)
        tpu.yield
      }) : () -> ()
      %add3A_69 = arith.constant 2 : i32
      %add3A_70 = arith.addi %add3A_49, %add3A_69 : i32
      %lt3A = arith.constant 40 : i32
      %lt3A_71 = arith.cmpi slt, %add3A_70, %lt3A : i32
      %convert_element_type3A_72 = arith.extui %lt3A_71 : i1 to i32
      %cond3A_73 = arith.constant 0 : i32
      %cond3A_74 = arith.cmpi ne, %convert_element_type3A_72, %cond3A_73 : i32
      scf.if %cond3A_74 {
        %add3A_87 = arith.constant 2 : i32
        %add3A_88 = arith.addi %add3A_49, %add3A_87 : i32
        %mul3A_89 = arith.constant 2 : i32
        %mul3A_90 = arith.muli %mul3A_89, %add3A_88 : i32
        %dma_start3A_91 = arith.constant 0 : i32
        %dma_start3A_92 = tpu.memref_slice %arg6[%mul3A_90, %dma_start3A_91] : memref<80x128xi32, #tpu.memory_space<vmem>> -> memref<1x128xi32, #tpu.memory_space<vmem>>
        %dma_start3A_93 = tpu.memref_squeeze %dma_start3A_92 : memref<1x128xi32, #tpu.memory_space<vmem>> -> memref<128xi32, #tpu.memory_space<vmem>>
        %dma_start3A_94 = arith.constant 0 : i32
        %dma_start3A_95 = arith.constant 0 : i32
        %dma_start3A_96 = tpu.memref_slice %arg2[%dma_start3A_94, %dma_start3A_95] : memref<10000x128xf32, #tpu.memory_space<hbm>> -> memref<10000x128xf32, #tpu.memory_space<hbm>>
        tpu.enqueue_indirect_dma source(%dma_start3A_96 : memref<10000x128xf32, #tpu.memory_space<hbm>>) target(%arg7 : memref<128x128xf32, #tpu.memory_space<vmem>>) offsets(%dma_start3A_93 : memref<128xi32, #tpu.memory_space<vmem>>) semaphore(%arg10 : memref<!tpu.dma_semaphore, #tpu.memory_space<semaphore_mem>>)
      } else {
      }
      %dma_wait3A_75 = arith.constant 0 : i32
      %dma_wait3A_76 = arith.constant 0 : i32
      %dma_wait3A_77 = tpu.memref_slice %arg2[%dma_wait3A_75, %dma_wait3A_76] : memref<10000x128xf32, #tpu.memory_space<hbm>> -> memref<128x128xf32, #tpu.memory_space<hbm>>
      %dma_wait3A_78 = arith.constant 0 : i32
      %dma_wait3A_79 = arith.constant 0 : i32
      %dma_wait3A_80 = tpu.memref_slice %arg2[%dma_wait3A_78, %dma_wait3A_79] : memref<10000x128xf32, #tpu.memory_space<hbm>> -> memref<128x128xf32, #tpu.memory_space<hbm>>
      tpu.wait_dma2 semaphore(%arg11 : memref<!tpu.dma_semaphore, #tpu.memory_space<semaphore_mem>>) src(%dma_wait3A_80 : memref<128x128xf32, #tpu.memory_space<hbm>>) dst(%arg8 : memref<128x128xf32, #tpu.memory_space<vmem>>)
      %add3A_81 = arith.constant 1 : i32
      %add3A_82 = arith.addi %add3A_49, %add3A_81 : i32
      %mul3A_83 = arith.constant 2 : i32
      %mul3A_84 = arith.muli %mul3A_83, %add3A_82 : i32
      %add3A_85 = arith.constant 1 : i32
      %add3A_86 = arith.addi %mul3A_84, %add3A_85 : i32
      "tpu.region"() ({
        %run_scoped3A = tpu.sem_alloc : memref<!tpu.dma_semaphore, #tpu.memory_space<semaphore_mem>>
        %dma_start3A_87 = arith.constant 0 : i32
        %dma_start3A_88 = tpu.memref_slice %arg6[%add3A_86, %dma_start3A_87] : memref<80x128xi32, #tpu.memory_space<vmem>> -> memref<1x128xi32, #tpu.memory_space<vmem>>
        %dma_start3A_89 = tpu.memref_squeeze %dma_start3A_88 : memref<1x128xi32, #tpu.memory_space<vmem>> -> memref<128xi32, #tpu.memory_space<vmem>>
        %dma_start3A_90 = arith.constant 0 : i32
        %dma_start3A_91 = arith.constant 0 : i32
        %dma_start3A_92 = tpu.memref_slice %arg9[%dma_start3A_90, %dma_start3A_91] : memref<10008x128xf32, #tpu.memory_space<vmem_shared>> -> memref<10008x128xf32, #tpu.memory_space<vmem_shared>>
        tpu.enqueue_indirect_dma source(%arg8 : memref<128x128xf32, #tpu.memory_space<vmem>>) target(%dma_start3A_92 : memref<10008x128xf32, #tpu.memory_space<vmem_shared>>) offsets(%dma_start3A_89 : memref<128xi32, #tpu.memory_space<vmem>>) semaphore(%run_scoped3A : memref<!tpu.dma_semaphore, #tpu.memory_space<semaphore_mem>>) {add = true}
        %dma_wait3A_93 = arith.constant 0 : i32
        %dma_wait3A_94 = tpu.memref_slice %arg6[%add3A_86, %dma_wait3A_93] : memref<80x128xi32, #tpu.memory_space<vmem>> -> memref<1x128xi32, #tpu.memory_space<vmem>>
        %dma_wait3A_95 = tpu.memref_squeeze %dma_wait3A_94 : memref<1x128xi32, #tpu.memory_space<vmem>> -> memref<128xi32, #tpu.memory_space<vmem>>
        %dma_wait3A_96 = arith.constant 0 : i32
        %dma_wait3A_97 = arith.constant 0 : i32
        %dma_wait3A_98 = tpu.memref_slice %arg9[%dma_wait3A_96, %dma_wait3A_97] : memref<10008x128xf32, #tpu.memory_space<vmem_shared>> -> memref<10008x128xf32, #tpu.memory_space<vmem_shared>>
        tpu.wait_indirect_dma semaphore(%run_scoped3A : memref<!tpu.dma_semaphore, #tpu.memory_space<semaphore_mem>>) src(%arg8 : memref<128x128xf32, #tpu.memory_space<vmem>>) dst(%dma_wait3A_98 : memref<10008x128xf32, #tpu.memory_space<vmem_shared>>)
        tpu.yield
      }) : () -> ()
    }
    %scan3A_38 = arith.constant 20 : i32
    %barrier3A_39 = arith.constant 0 : index
    tpu.barrier barrier_id(%barrier3A_39)
    "tpu.region"() ({
      %run_scoped3A = tpu.sem_alloc : memref<!tpu.dma_semaphore, #tpu.memory_space<semaphore_mem>>
      %dma_start3A_45 = arith.constant 0 : i32
      %dma_start3A_46 = tpu.memref_slice %arg5[%arg0, %mul3A_2, %dma_start3A_45] : memref<2x10000x128xf32, #tpu.memory_space<hbm>> -> memref<1x624x128xf32, #tpu.memory_space<hbm>>
      %dma_start3A_47 = tpu.memref_squeeze %dma_start3A_46 : memref<1x624x128xf32, #tpu.memory_space<hbm>> -> memref<624x128xf32, #tpu.memory_space<hbm>>
      %dma_start3A_48 = arith.constant 0 : i32
      %dma_start3A_49 = tpu.memref_slice %arg9[%mul3A_2, %dma_start3A_48] : memref<10008x128xf32, #tpu.memory_space<vmem_shared>> -> memref<624x128xf32, #tpu.memory_space<vmem_shared>>
      tpu.enqueue_dma source(%dma_start3A_49 : memref<624x128xf32, #tpu.memory_space<vmem_shared>>) target(%dma_start3A_47 : memref<624x128xf32, #tpu.memory_space<hbm>>) target_semaphore(%run_scoped3A : memref<!tpu.dma_semaphore, #tpu.memory_space<semaphore_mem>>)
      %dma_wait3A = arith.constant 0 : i32
      %dma_wait3A_50 = tpu.memref_slice %arg5[%arg0, %mul3A_2, %dma_wait3A] : memref<2x10000x128xf32, #tpu.memory_space<hbm>> -> memref<1x624x128xf32, #tpu.memory_space<hbm>>
      %dma_wait3A_51 = tpu.memref_squeeze %dma_wait3A_50 : memref<1x624x128xf32, #tpu.memory_space<hbm>> -> memref<624x128xf32, #tpu.memory_space<hbm>>
      %dma_wait3A_52 = arith.constant 0 : i32
      %dma_wait3A_53 = tpu.memref_slice %arg9[%mul3A_2, %dma_wait3A_52] : memref<10008x128xf32, #tpu.memory_space<vmem_shared>> -> memref<624x128xf32, #tpu.memory_space<vmem_shared>>
      tpu.wait_dma2 semaphore(%run_scoped3A : memref<!tpu.dma_semaphore, #tpu.memory_space<semaphore_mem>>) src(%dma_wait3A_53 : memref<624x128xf32, #tpu.memory_space<vmem_shared>>) dst(%dma_wait3A_51 : memref<624x128xf32, #tpu.memory_space<hbm>>)
      tpu.yield
    }) : () -> ()
    %eq3A_40 = arith.constant 0 : i32
    %eq3A_41 = arith.cmpi eq, %arg1, %eq3A_40 : i32
    %convert_element_type3A_42 = arith.extui %eq3A_41 : i1 to i32
    %cond3A_43 = arith.constant 0 : i32
    %cond3A_44 = arith.cmpi ne, %convert_element_type3A_42, %cond3A_43 : i32
    scf.if %cond3A_44 {
      "tpu.region"() ({
        %run_scoped3A = tpu.sem_alloc : memref<!tpu.dma_semaphore, #tpu.memory_space<semaphore_mem>>
        %dma_start3A_45 = arith.constant 9984 : i32
        %dma_start3A_46 = arith.constant 0 : i32
        %dma_start3A_47 = tpu.memref_slice %arg5[%arg0, %dma_start3A_45, %dma_start3A_46] : memref<2x10000x128xf32, #tpu.memory_space<hbm>> -> memref<1x16x128xf32, #tpu.memory_space<hbm>>
        %dma_start3A_48 = tpu.memref_squeeze %dma_start3A_47 : memref<1x16x128xf32, #tpu.memory_space<hbm>> -> memref<16x128xf32, #tpu.memory_space<hbm>>
        %dma_start3A_49 = arith.constant 9984 : i32
        %dma_start3A_50 = arith.constant 0 : i32
        %dma_start3A_51 = tpu.memref_slice %arg9[%dma_start3A_49, %dma_start3A_50] : memref<10008x128xf32, #tpu.memory_space<vmem_shared>> -> memref<16x128xf32, #tpu.memory_space<vmem_shared>>
        tpu.enqueue_dma source(%dma_start3A_51 : memref<16x128xf32, #tpu.memory_space<vmem_shared>>) target(%dma_start3A_48 : memref<16x128xf32, #tpu.memory_space<hbm>>) target_semaphore(%run_scoped3A : memref<!tpu.dma_semaphore, #tpu.memory_space<semaphore_mem>>)
        %dma_wait3A = arith.constant 9984 : i32
        %dma_wait3A_52 = arith.constant 0 : i32
        %dma_wait3A_53 = tpu.memref_slice %arg5[%arg0, %dma_wait3A, %dma_wait3A_52] : memref<2x10000x128xf32, #tpu.memory_space<hbm>> -> memref<1x16x128xf32, #tpu.memory_space<hbm>>
        %dma_wait3A_54 = tpu.memref_squeeze %dma_wait3A_53 : memref<1x16x128xf32, #tpu.memory_space<hbm>> -> memref<16x128xf32, #tpu.memory_space<hbm>>
        %dma_wait3A_55 = arith.constant 9984 : i32
        %dma_wait3A_56 = arith.constant 0 : i32
        %dma_wait3A_57 = tpu.memref_slice %arg9[%dma_wait3A_55, %dma_wait3A_56] : memref<10008x128xf32, #tpu.memory_space<vmem_shared>> -> memref<16x128xf32, #tpu.memory_space<vmem_shared>>
        tpu.wait_dma2 semaphore(%run_scoped3A : memref<!tpu.dma_semaphore, #tpu.memory_space<semaphore_mem>>) src(%dma_wait3A_57 : memref<16x128xf32, #tpu.memory_space<vmem_shared>>) dst(%dma_wait3A_54 : memref<16x128xf32, #tpu.memory_space<hbm>>)
        tpu.yield
      }) : () -> ()
    } else {
    }
    return
  }
}

#map = affine_map<(d0, d1) -> (0, 0)>
#map1 = affine_map<(d0, d1) -> (0, 0, 0)>
module attributes {stable_mosaic.version = 14 : i64} {
  func.func @_sc_agg_body(%arg0: i32, %arg1: i32, %arg2: memref<10000x128xf32, #tpu.memory_space<hbm>>, %arg3: memref<5120x128xi32, #tpu.memory_space<hbm>>, %arg4: memref<10000x128xf32, #tpu.memory_space<hbm>>, %arg5: memref<2x10000x128xf32, #tpu.memory_space<hbm>>, %arg6: memref<80x128xi32, #tpu.memory_space<vmem>>, %arg7: memref<128x128xf32, #tpu.memory_space<vmem>>, %arg8: memref<128x128xf32, #tpu.memory_space<vmem>>, %arg9: memref<10008x128xf32, #tpu.memory_space<vmem_shared>>, %arg10: memref<!tpu.dma_semaphore, #tpu.memory_space<semaphore_mem>>, %arg11: memref<!tpu.dma_semaphore, #tpu.memory_space<semaphore_mem>>) attributes {dimension_semantics = [#tpu.dimension_semantics<core_parallel>, #tpu.dimension_semantics<subcore_parallel>], iteration_bounds = array<i64: 2, 16>, scalar_prefetch = 0 : i64, scratch_operands = 6 : i64, tpu.core_type = #tpu.core_type<sc_vector_subcore>, window_params = [{transform_indices = #map}, {transform_indices = #map}, {transform_indices = #map}, {transform_indices = #map1}]} {
    %mul3A = arith.constant 16 : i32
    %mul3A_0 = arith.muli %arg0, %mul3A : i32
    %add3A = arith.addi %mul3A_0, %arg1 : i32
    %mul3A_1 = arith.constant 624 : i32
    %mul3A_2 = arith.muli %arg1, %mul3A_1 : i32
    "tpu.region"() ({
      %run_scoped3A = tpu.sem_alloc : memref<!tpu.dma_semaphore, #tpu.memory_space<semaphore_mem>>
      %dma_start3A_45 = arith.constant 0 : i32
      %dma_start3A_46 = tpu.memref_slice %arg9[%mul3A_2, %dma_start3A_45] : memref<10008x128xf32, #tpu.memory_space<vmem_shared>> -> memref<624x128xf32, #tpu.memory_space<vmem_shared>>
      %dma_start3A_47 = arith.constant 0 : i32
      %dma_start3A_48 = tpu.memref_slice %arg4[%mul3A_2, %dma_start3A_47] : memref<10000x128xf32, #tpu.memory_space<hbm>> -> memref<624x128xf32, #tpu.memory_space<hbm>>
      tpu.enqueue_dma source(%dma_start3A_48 : memref<624x128xf32, #tpu.memory_space<hbm>>) target(%dma_start3A_46 : memref<624x128xf32, #tpu.memory_space<vmem_shared>>) target_semaphore(%run_scoped3A : memref<!tpu.dma_semaphore, #tpu.memory_space<semaphore_mem>>)
      %dma_wait3A = arith.constant 0 : i32
      %dma_wait3A_49 = tpu.memref_slice %arg9[%mul3A_2, %dma_wait3A] : memref<10008x128xf32, #tpu.memory_space<vmem_shared>> -> memref<624x128xf32, #tpu.memory_space<vmem_shared>>
      %dma_wait3A_50 = arith.constant 0 : i32
      %dma_wait3A_51 = tpu.memref_slice %arg4[%mul3A_2, %dma_wait3A_50] : memref<10000x128xf32, #tpu.memory_space<hbm>> -> memref<624x128xf32, #tpu.memory_space<hbm>>
      tpu.wait_dma2 semaphore(%run_scoped3A : memref<!tpu.dma_semaphore, #tpu.memory_space<semaphore_mem>>) src(%dma_wait3A_51 : memref<624x128xf32, #tpu.memory_space<hbm>>) dst(%dma_wait3A_49 : memref<624x128xf32, #tpu.memory_space<vmem_shared>>)
      tpu.yield
    }) : () -> ()
    %eq3A = arith.constant 0 : i32
    %eq3A_3 = arith.cmpi eq, %arg1, %eq3A : i32
    %convert_element_type3A = arith.extui %eq3A_3 : i1 to i32
    %cond3A = arith.constant 0 : i32
    %cond3A_4 = arith.cmpi ne, %convert_element_type3A, %cond3A : i32
    scf.if %cond3A_4 {
      "tpu.region"() ({
        %run_scoped3A = tpu.sem_alloc : memref<!tpu.dma_semaphore, #tpu.memory_space<semaphore_mem>>
        %dma_start3A_45 = arith.constant 9984 : i32
        %dma_start3A_46 = arith.constant 0 : i32
        %dma_start3A_47 = tpu.memref_slice %arg9[%dma_start3A_45, %dma_start3A_46] : memref<10008x128xf32, #tpu.memory_space<vmem_shared>> -> memref<16x128xf32, #tpu.memory_space<vmem_shared>>
        %dma_start3A_48 = arith.constant 9984 : i32
        %dma_start3A_49 = arith.constant 0 : i32
        %dma_start3A_50 = tpu.memref_slice %arg4[%dma_start3A_48, %dma_start3A_49] : memref<10000x128xf32, #tpu.memory_space<hbm>> -> memref<16x128xf32, #tpu.memory_space<hbm>>
        tpu.enqueue_dma source(%dma_start3A_50 : memref<16x128xf32, #tpu.memory_space<hbm>>) target(%dma_start3A_47 : memref<16x128xf32, #tpu.memory_space<vmem_shared>>) target_semaphore(%run_scoped3A : memref<!tpu.dma_semaphore, #tpu.memory_space<semaphore_mem>>)
        %dma_wait3A = arith.constant 9984 : i32
        %dma_wait3A_51 = arith.constant 0 : i32
        %dma_wait3A_52 = tpu.memref_slice %arg9[%dma_wait3A, %dma_wait3A_51] : memref<10008x128xf32, #tpu.memory_space<vmem_shared>> -> memref<16x128xf32, #tpu.memory_space<vmem_shared>>
        %dma_wait3A_53 = arith.constant 9984 : i32
        %dma_wait3A_54 = arith.constant 0 : i32
        %dma_wait3A_55 = tpu.memref_slice %arg4[%dma_wait3A_53, %dma_wait3A_54] : memref<10000x128xf32, #tpu.memory_space<hbm>> -> memref<16x128xf32, #tpu.memory_space<hbm>>
        tpu.wait_dma2 semaphore(%run_scoped3A : memref<!tpu.dma_semaphore, #tpu.memory_space<semaphore_mem>>) src(%dma_wait3A_55 : memref<16x128xf32, #tpu.memory_space<hbm>>) dst(%dma_wait3A_52 : memref<16x128xf32, #tpu.memory_space<vmem_shared>>)
        tpu.yield
      }) : () -> ()
    } else {
    }
    %barrier3A = arith.constant 0 : index
    tpu.barrier barrier_id(%barrier3A)
    %mul3A_5 = arith.constant 2 : i32
    %mul3A_6 = arith.muli %add3A, %mul3A_5 : i32
    %add3A_7 = arith.constant 0 : i32
    %add3A_8 = arith.addi %mul3A_6, %add3A_7 : i32
    %mul3A_9 = arith.constant 80 : i32
    %mul3A_10 = arith.muli %add3A_8, %mul3A_9 : i32
    "tpu.region"() ({
      %run_scoped3A = tpu.sem_alloc : memref<!tpu.dma_semaphore, #tpu.memory_space<semaphore_mem>>
      %dma_start3A_45 = arith.constant 0 : i32
      %dma_start3A_46 = tpu.memref_slice %arg3[%mul3A_10, %dma_start3A_45] : memref<5120x128xi32, #tpu.memory_space<hbm>> -> memref<80x128xi32, #tpu.memory_space<hbm>>
      %dma_start3A_47 = arith.constant 0 : i32
      %dma_start3A_48 = tpu.memref_slice %arg3[%mul3A_10, %dma_start3A_47] : memref<5120x128xi32, #tpu.memory_space<hbm>> -> memref<80x128xi32, #tpu.memory_space<hbm>>
      tpu.enqueue_dma source(%dma_start3A_48 : memref<80x128xi32, #tpu.memory_space<hbm>>) target(%arg6 : memref<80x128xi32, #tpu.memory_space<vmem>>) target_semaphore(%run_scoped3A : memref<!tpu.dma_semaphore, #tpu.memory_space<semaphore_mem>>)
      %dma_wait3A = arith.constant 0 : i32
      %dma_wait3A_49 = tpu.memref_slice %arg3[%mul3A_10, %dma_wait3A] : memref<5120x128xi32, #tpu.memory_space<hbm>> -> memref<80x128xi32, #tpu.memory_space<hbm>>
      %dma_wait3A_50 = arith.constant 0 : i32
      %dma_wait3A_51 = tpu.memref_slice %arg3[%mul3A_10, %dma_wait3A_50] : memref<5120x128xi32, #tpu.memory_space<hbm>> -> memref<80x128xi32, #tpu.memory_space<hbm>>
      tpu.wait_dma2 semaphore(%run_scoped3A : memref<!tpu.dma_semaphore, #tpu.memory_space<semaphore_mem>>) src(%dma_wait3A_51 : memref<80x128xi32, #tpu.memory_space<hbm>>) dst(%arg6 : memref<80x128xi32, #tpu.memory_space<vmem>>)
      tpu.yield
    }) : () -> ()
    %dma_start3A = arith.constant 0 : i32
    %dma_start3A_11 = arith.constant 0 : i32
    %dma_start3A_12 = tpu.memref_slice %arg6[%dma_start3A, %dma_start3A_11] : memref<80x128xi32, #tpu.memory_space<vmem>> -> memref<1x128xi32, #tpu.memory_space<vmem>>
    %dma_start3A_13 = tpu.memref_squeeze %dma_start3A_12 : memref<1x128xi32, #tpu.memory_space<vmem>> -> memref<128xi32, #tpu.memory_space<vmem>>
    %dma_start3A_14 = arith.constant 0 : i32
    %dma_start3A_15 = arith.constant 0 : i32
    %dma_start3A_16 = tpu.memref_slice %arg2[%dma_start3A_14, %dma_start3A_15] : memref<10000x128xf32, #tpu.memory_space<hbm>> -> memref<10000x128xf32, #tpu.memory_space<hbm>>
    tpu.enqueue_indirect_dma source(%dma_start3A_16 : memref<10000x128xf32, #tpu.memory_space<hbm>>) target(%arg7 : memref<128x128xf32, #tpu.memory_space<vmem>>) offsets(%dma_start3A_13 : memref<128xi32, #tpu.memory_space<vmem>>) semaphore(%arg10 : memref<!tpu.dma_semaphore, #tpu.memory_space<semaphore_mem>>)
    %scan3A = arith.constant 0 : i32
    %scan3A_17 = arith.constant 20 : i32
    %scan3A_18 = arith.addi %scan3A, %scan3A_17 : i32
    %scan3A_19 = arith.constant 1 : i32
    scf.for %scan3A_45 = %scan3A to %scan3A_18 step %scan3A_19  : i32 {
      %mul3A_46 = arith.constant 2 : i32
      %mul3A_47 = arith.muli %scan3A_45, %mul3A_46 : i32
      %add3A_48 = arith.constant 0 : i32
      %add3A_49 = arith.addi %add3A_48, %mul3A_47 : i32
      %add3A_50 = arith.constant 1 : i32
      %add3A_51 = arith.addi %add3A_49, %add3A_50 : i32
      %mul3A_52 = arith.constant 2 : i32
      %mul3A_53 = arith.muli %mul3A_52, %add3A_51 : i32
      %dma_start3A_54 = arith.constant 0 : i32
      %dma_start3A_55 = tpu.memref_slice %arg6[%mul3A_53, %dma_start3A_54] : memref<80x128xi32, #tpu.memory_space<vmem>> -> memref<1x128xi32, #tpu.memory_space<vmem>>
      %dma_start3A_56 = tpu.memref_squeeze %dma_start3A_55 : memref<1x128xi32, #tpu.memory_space<vmem>> -> memref<128xi32, #tpu.memory_space<vmem>>
      %dma_start3A_57 = arith.constant 0 : i32
      %dma_start3A_58 = arith.constant 0 : i32
      %dma_start3A_59 = tpu.memref_slice %arg2[%dma_start3A_57, %dma_start3A_58] : memref<10000x128xf32, #tpu.memory_space<hbm>> -> memref<10000x128xf32, #tpu.memory_space<hbm>>
      tpu.enqueue_indirect_dma source(%dma_start3A_59 : memref<10000x128xf32, #tpu.memory_space<hbm>>) target(%arg8 : memref<128x128xf32, #tpu.memory_space<vmem>>) offsets(%dma_start3A_56 : memref<128xi32, #tpu.memory_space<vmem>>) semaphore(%arg11 : memref<!tpu.dma_semaphore, #tpu.memory_space<semaphore_mem>>)
      %dma_wait3A = arith.constant 0 : i32
      %dma_wait3A_60 = arith.constant 0 : i32
      %dma_wait3A_61 = tpu.memref_slice %arg2[%dma_wait3A, %dma_wait3A_60] : memref<10000x128xf32, #tpu.memory_space<hbm>> -> memref<128x128xf32, #tpu.memory_space<hbm>>
      %dma_wait3A_62 = arith.constant 0 : i32
      %dma_wait3A_63 = arith.constant 0 : i32
      %dma_wait3A_64 = tpu.memref_slice %arg2[%dma_wait3A_62, %dma_wait3A_63] : memref<10000x128xf32, #tpu.memory_space<hbm>> -> memref<128x128xf32, #tpu.memory_space<hbm>>
      tpu.wait_dma2 semaphore(%arg10 : memref<!tpu.dma_semaphore, #tpu.memory_space<semaphore_mem>>) src(%dma_wait3A_64 : memref<128x128xf32, #tpu.memory_space<hbm>>) dst(%arg7 : memref<128x128xf32, #tpu.memory_space<vmem>>)
      %mul3A_65 = arith.constant 2 : i32
      %mul3A_66 = arith.muli %mul3A_65, %add3A_49 : i32
      %add3A_67 = arith.constant 1 : i32
      %add3A_68 = arith.addi %mul3A_66, %add3A_67 : i32
      "tpu.region"() ({
        %run_scoped3A = tpu.sem_alloc : memref<!tpu.dma_semaphore, #tpu.memory_space<semaphore_mem>>
        %dma_start3A_87 = arith.constant 0 : i32
        %dma_start3A_88 = tpu.memref_slice %arg6[%add3A_68, %dma_start3A_87] : memref<80x128xi32, #tpu.memory_space<vmem>> -> memref<1x128xi32, #tpu.memory_space<vmem>>
        %dma_start3A_89 = tpu.memref_squeeze %dma_start3A_88 : memref<1x128xi32, #tpu.memory_space<vmem>> -> memref<128xi32, #tpu.memory_space<vmem>>
        %dma_start3A_90 = arith.constant 0 : i32
        %dma_start3A_91 = arith.constant 0 : i32
        %dma_start3A_92 = tpu.memref_slice %arg9[%dma_start3A_90, %dma_start3A_91] : memref<10008x128xf32, #tpu.memory_space<vmem_shared>> -> memref<10008x128xf32, #tpu.memory_space<vmem_shared>>
        tpu.enqueue_indirect_dma source(%arg7 : memref<128x128xf32, #tpu.memory_space<vmem>>) target(%dma_start3A_92 : memref<10008x128xf32, #tpu.memory_space<vmem_shared>>) offsets(%dma_start3A_89 : memref<128xi32, #tpu.memory_space<vmem>>) semaphore(%run_scoped3A : memref<!tpu.dma_semaphore, #tpu.memory_space<semaphore_mem>>) {add = true}
        %dma_wait3A_93 = arith.constant 0 : i32
        %dma_wait3A_94 = tpu.memref_slice %arg6[%add3A_68, %dma_wait3A_93] : memref<80x128xi32, #tpu.memory_space<vmem>> -> memref<1x128xi32, #tpu.memory_space<vmem>>
        %dma_wait3A_95 = tpu.memref_squeeze %dma_wait3A_94 : memref<1x128xi32, #tpu.memory_space<vmem>> -> memref<128xi32, #tpu.memory_space<vmem>>
        %dma_wait3A_96 = arith.constant 0 : i32
        %dma_wait3A_97 = arith.constant 0 : i32
        %dma_wait3A_98 = tpu.memref_slice %arg9[%dma_wait3A_96, %dma_wait3A_97] : memref<10008x128xf32, #tpu.memory_space<vmem_shared>> -> memref<10008x128xf32, #tpu.memory_space<vmem_shared>>
        tpu.wait_indirect_dma semaphore(%run_scoped3A : memref<!tpu.dma_semaphore, #tpu.memory_space<semaphore_mem>>) src(%arg7 : memref<128x128xf32, #tpu.memory_space<vmem>>) dst(%dma_wait3A_98 : memref<10008x128xf32, #tpu.memory_space<vmem_shared>>)
        tpu.yield
      }) : () -> ()
      %add3A_69 = arith.constant 2 : i32
      %add3A_70 = arith.addi %add3A_49, %add3A_69 : i32
      %lt3A = arith.constant 40 : i32
      %lt3A_71 = arith.cmpi slt, %add3A_70, %lt3A : i32
      %convert_element_type3A_72 = arith.extui %lt3A_71 : i1 to i32
      %cond3A_73 = arith.constant 0 : i32
      %cond3A_74 = arith.cmpi ne, %convert_element_type3A_72, %cond3A_73 : i32
      scf.if %cond3A_74 {
        %add3A_87 = arith.constant 2 : i32
        %add3A_88 = arith.addi %add3A_49, %add3A_87 : i32
        %mul3A_89 = arith.constant 2 : i32
        %mul3A_90 = arith.muli %mul3A_89, %add3A_88 : i32
        %dma_start3A_91 = arith.constant 0 : i32
        %dma_start3A_92 = tpu.memref_slice %arg6[%mul3A_90, %dma_start3A_91] : memref<80x128xi32, #tpu.memory_space<vmem>> -> memref<1x128xi32, #tpu.memory_space<vmem>>
        %dma_start3A_93 = tpu.memref_squeeze %dma_start3A_92 : memref<1x128xi32, #tpu.memory_space<vmem>> -> memref<128xi32, #tpu.memory_space<vmem>>
        %dma_start3A_94 = arith.constant 0 : i32
        %dma_start3A_95 = arith.constant 0 : i32
        %dma_start3A_96 = tpu.memref_slice %arg2[%dma_start3A_94, %dma_start3A_95] : memref<10000x128xf32, #tpu.memory_space<hbm>> -> memref<10000x128xf32, #tpu.memory_space<hbm>>
        tpu.enqueue_indirect_dma source(%dma_start3A_96 : memref<10000x128xf32, #tpu.memory_space<hbm>>) target(%arg7 : memref<128x128xf32, #tpu.memory_space<vmem>>) offsets(%dma_start3A_93 : memref<128xi32, #tpu.memory_space<vmem>>) semaphore(%arg10 : memref<!tpu.dma_semaphore, #tpu.memory_space<semaphore_mem>>)
      } else {
      }
      %dma_wait3A_75 = arith.constant 0 : i32
      %dma_wait3A_76 = arith.constant 0 : i32
      %dma_wait3A_77 = tpu.memref_slice %arg2[%dma_wait3A_75, %dma_wait3A_76] : memref<10000x128xf32, #tpu.memory_space<hbm>> -> memref<128x128xf32, #tpu.memory_space<hbm>>
      %dma_wait3A_78 = arith.constant 0 : i32
      %dma_wait3A_79 = arith.constant 0 : i32
      %dma_wait3A_80 = tpu.memref_slice %arg2[%dma_wait3A_78, %dma_wait3A_79] : memref<10000x128xf32, #tpu.memory_space<hbm>> -> memref<128x128xf32, #tpu.memory_space<hbm>>
      tpu.wait_dma2 semaphore(%arg11 : memref<!tpu.dma_semaphore, #tpu.memory_space<semaphore_mem>>) src(%dma_wait3A_80 : memref<128x128xf32, #tpu.memory_space<hbm>>) dst(%arg8 : memref<128x128xf32, #tpu.memory_space<vmem>>)
      %add3A_81 = arith.constant 1 : i32
      %add3A_82 = arith.addi %add3A_49, %add3A_81 : i32
      %mul3A_83 = arith.constant 2 : i32
      %mul3A_84 = arith.muli %mul3A_83, %add3A_82 : i32
      %add3A_85 = arith.constant 1 : i32
      %add3A_86 = arith.addi %mul3A_84, %add3A_85 : i32
      "tpu.region"() ({
        %run_scoped3A = tpu.sem_alloc : memref<!tpu.dma_semaphore, #tpu.memory_space<semaphore_mem>>
        %dma_start3A_87 = arith.constant 0 : i32
        %dma_start3A_88 = tpu.memref_slice %arg6[%add3A_86, %dma_start3A_87] : memref<80x128xi32, #tpu.memory_space<vmem>> -> memref<1x128xi32, #tpu.memory_space<vmem>>
        %dma_start3A_89 = tpu.memref_squeeze %dma_start3A_88 : memref<1x128xi32, #tpu.memory_space<vmem>> -> memref<128xi32, #tpu.memory_space<vmem>>
        %dma_start3A_90 = arith.constant 0 : i32
        %dma_start3A_91 = arith.constant 0 : i32
        %dma_start3A_92 = tpu.memref_slice %arg9[%dma_start3A_90, %dma_start3A_91] : memref<10008x128xf32, #tpu.memory_space<vmem_shared>> -> memref<10008x128xf32, #tpu.memory_space<vmem_shared>>
        tpu.enqueue_indirect_dma source(%arg8 : memref<128x128xf32, #tpu.memory_space<vmem>>) target(%dma_start3A_92 : memref<10008x128xf32, #tpu.memory_space<vmem_shared>>) offsets(%dma_start3A_89 : memref<128xi32, #tpu.memory_space<vmem>>) semaphore(%run_scoped3A : memref<!tpu.dma_semaphore, #tpu.memory_space<semaphore_mem>>) {add = true}
        %dma_wait3A_93 = arith.constant 0 : i32
        %dma_wait3A_94 = tpu.memref_slice %arg6[%add3A_86, %dma_wait3A_93] : memref<80x128xi32, #tpu.memory_space<vmem>> -> memref<1x128xi32, #tpu.memory_space<vmem>>
        %dma_wait3A_95 = tpu.memref_squeeze %dma_wait3A_94 : memref<1x128xi32, #tpu.memory_space<vmem>> -> memref<128xi32, #tpu.memory_space<vmem>>
        %dma_wait3A_96 = arith.constant 0 : i32
        %dma_wait3A_97 = arith.constant 0 : i32
        %dma_wait3A_98 = tpu.memref_slice %arg9[%dma_wait3A_96, %dma_wait3A_97] : memref<10008x128xf32, #tpu.memory_space<vmem_shared>> -> memref<10008x128xf32, #tpu.memory_space<vmem_shared>>
        tpu.wait_indirect_dma semaphore(%run_scoped3A : memref<!tpu.dma_semaphore, #tpu.memory_space<semaphore_mem>>) src(%arg8 : memref<128x128xf32, #tpu.memory_space<vmem>>) dst(%dma_wait3A_98 : memref<10008x128xf32, #tpu.memory_space<vmem_shared>>)
        tpu.yield
      }) : () -> ()
    }
    %scan3A_20 = arith.constant 20 : i32
    %mul3A_21 = arith.constant 2 : i32
    %mul3A_22 = arith.muli %add3A, %mul3A_21 : i32
    %add3A_23 = arith.constant 1 : i32
    %add3A_24 = arith.addi %mul3A_22, %add3A_23 : i32
    %mul3A_25 = arith.constant 80 : i32
    %mul3A_26 = arith.muli %add3A_24, %mul3A_25 : i32
    "tpu.region"() ({
      %run_scoped3A = tpu.sem_alloc : memref<!tpu.dma_semaphore, #tpu.memory_space<semaphore_mem>>
      %dma_start3A_45 = arith.constant 0 : i32
      %dma_start3A_46 = tpu.memref_slice %arg3[%mul3A_26, %dma_start3A_45] : memref<5120x128xi32, #tpu.memory_space<hbm>> -> memref<80x128xi32, #tpu.memory_space<hbm>>
      %dma_start3A_47 = arith.constant 0 : i32
      %dma_start3A_48 = tpu.memref_slice %arg3[%mul3A_26, %dma_start3A_47] : memref<5120x128xi32, #tpu.memory_space<hbm>> -> memref<80x128xi32, #tpu.memory_space<hbm>>
      tpu.enqueue_dma source(%dma_start3A_48 : memref<80x128xi32, #tpu.memory_space<hbm>>) target(%arg6 : memref<80x128xi32, #tpu.memory_space<vmem>>) target_semaphore(%run_scoped3A : memref<!tpu.dma_semaphore, #tpu.memory_space<semaphore_mem>>)
      %dma_wait3A = arith.constant 0 : i32
      %dma_wait3A_49 = tpu.memref_slice %arg3[%mul3A_26, %dma_wait3A] : memref<5120x128xi32, #tpu.memory_space<hbm>> -> memref<80x128xi32, #tpu.memory_space<hbm>>
      %dma_wait3A_50 = arith.constant 0 : i32
      %dma_wait3A_51 = tpu.memref_slice %arg3[%mul3A_26, %dma_wait3A_50] : memref<5120x128xi32, #tpu.memory_space<hbm>> -> memref<80x128xi32, #tpu.memory_space<hbm>>
      tpu.wait_dma2 semaphore(%run_scoped3A : memref<!tpu.dma_semaphore, #tpu.memory_space<semaphore_mem>>) src(%dma_wait3A_51 : memref<80x128xi32, #tpu.memory_space<hbm>>) dst(%arg6 : memref<80x128xi32, #tpu.memory_space<vmem>>)
      tpu.yield
    }) : () -> ()
    %dma_start3A_27 = arith.constant 0 : i32
    %dma_start3A_28 = arith.constant 0 : i32
    %dma_start3A_29 = tpu.memref_slice %arg6[%dma_start3A_27, %dma_start3A_28] : memref<80x128xi32, #tpu.memory_space<vmem>> -> memref<1x128xi32, #tpu.memory_space<vmem>>
    %dma_start3A_30 = tpu.memref_squeeze %dma_start3A_29 : memref<1x128xi32, #tpu.memory_space<vmem>> -> memref<128xi32, #tpu.memory_space<vmem>>
    %dma_start3A_31 = arith.constant 0 : i32
    %dma_start3A_32 = arith.constant 0 : i32
    %dma_start3A_33 = tpu.memref_slice %arg2[%dma_start3A_31, %dma_start3A_32] : memref<10000x128xf32, #tpu.memory_space<hbm>> -> memref<10000x128xf32, #tpu.memory_space<hbm>>
    tpu.enqueue_indirect_dma source(%dma_start3A_33 : memref<10000x128xf32, #tpu.memory_space<hbm>>) target(%arg7 : memref<128x128xf32, #tpu.memory_space<vmem>>) offsets(%dma_start3A_30 : memref<128xi32, #tpu.memory_space<vmem>>) semaphore(%arg10 : memref<!tpu.dma_semaphore, #tpu.memory_space<semaphore_mem>>)
    %scan3A_34 = arith.constant 0 : i32
    %scan3A_35 = arith.constant 20 : i32
    %scan3A_36 = arith.addi %scan3A_34, %scan3A_35 : i32
    %scan3A_37 = arith.constant 1 : i32
    scf.for %scan3A_45 = %scan3A_34 to %scan3A_36 step %scan3A_37  : i32 {
      %mul3A_46 = arith.constant 2 : i32
      %mul3A_47 = arith.muli %scan3A_45, %mul3A_46 : i32
      %add3A_48 = arith.constant 0 : i32
      %add3A_49 = arith.addi %add3A_48, %mul3A_47 : i32
      %add3A_50 = arith.constant 1 : i32
      %add3A_51 = arith.addi %add3A_49, %add3A_50 : i32
      %mul3A_52 = arith.constant 2 : i32
      %mul3A_53 = arith.muli %mul3A_52, %add3A_51 : i32
      %dma_start3A_54 = arith.constant 0 : i32
      %dma_start3A_55 = tpu.memref_slice %arg6[%mul3A_53, %dma_start3A_54] : memref<80x128xi32, #tpu.memory_space<vmem>> -> memref<1x128xi32, #tpu.memory_space<vmem>>
      %dma_start3A_56 = tpu.memref_squeeze %dma_start3A_55 : memref<1x128xi32, #tpu.memory_space<vmem>> -> memref<128xi32, #tpu.memory_space<vmem>>
      %dma_start3A_57 = arith.constant 0 : i32
      %dma_start3A_58 = arith.constant 0 : i32
      %dma_start3A_59 = tpu.memref_slice %arg2[%dma_start3A_57, %dma_start3A_58] : memref<10000x128xf32, #tpu.memory_space<hbm>> -> memref<10000x128xf32, #tpu.memory_space<hbm>>
      tpu.enqueue_indirect_dma source(%dma_start3A_59 : memref<10000x128xf32, #tpu.memory_space<hbm>>) target(%arg8 : memref<128x128xf32, #tpu.memory_space<vmem>>) offsets(%dma_start3A_56 : memref<128xi32, #tpu.memory_space<vmem>>) semaphore(%arg11 : memref<!tpu.dma_semaphore, #tpu.memory_space<semaphore_mem>>)
      %dma_wait3A = arith.constant 0 : i32
      %dma_wait3A_60 = arith.constant 0 : i32
      %dma_wait3A_61 = tpu.memref_slice %arg2[%dma_wait3A, %dma_wait3A_60] : memref<10000x128xf32, #tpu.memory_space<hbm>> -> memref<128x128xf32, #tpu.memory_space<hbm>>
      %dma_wait3A_62 = arith.constant 0 : i32
      %dma_wait3A_63 = arith.constant 0 : i32
      %dma_wait3A_64 = tpu.memref_slice %arg2[%dma_wait3A_62, %dma_wait3A_63] : memref<10000x128xf32, #tpu.memory_space<hbm>> -> memref<128x128xf32, #tpu.memory_space<hbm>>
      tpu.wait_dma2 semaphore(%arg10 : memref<!tpu.dma_semaphore, #tpu.memory_space<semaphore_mem>>) src(%dma_wait3A_64 : memref<128x128xf32, #tpu.memory_space<hbm>>) dst(%arg7 : memref<128x128xf32, #tpu.memory_space<vmem>>)
      %mul3A_65 = arith.constant 2 : i32
      %mul3A_66 = arith.muli %mul3A_65, %add3A_49 : i32
      %add3A_67 = arith.constant 1 : i32
      %add3A_68 = arith.addi %mul3A_66, %add3A_67 : i32
      "tpu.region"() ({
        %run_scoped3A = tpu.sem_alloc : memref<!tpu.dma_semaphore, #tpu.memory_space<semaphore_mem>>
        %dma_start3A_87 = arith.constant 0 : i32
        %dma_start3A_88 = tpu.memref_slice %arg6[%add3A_68, %dma_start3A_87] : memref<80x128xi32, #tpu.memory_space<vmem>> -> memref<1x128xi32, #tpu.memory_space<vmem>>
        %dma_start3A_89 = tpu.memref_squeeze %dma_start3A_88 : memref<1x128xi32, #tpu.memory_space<vmem>> -> memref<128xi32, #tpu.memory_space<vmem>>
        %dma_start3A_90 = arith.constant 0 : i32
        %dma_start3A_91 = arith.constant 0 : i32
        %dma_start3A_92 = tpu.memref_slice %arg9[%dma_start3A_90, %dma_start3A_91] : memref<10008x128xf32, #tpu.memory_space<vmem_shared>> -> memref<10008x128xf32, #tpu.memory_space<vmem_shared>>
        tpu.enqueue_indirect_dma source(%arg7 : memref<128x128xf32, #tpu.memory_space<vmem>>) target(%dma_start3A_92 : memref<10008x128xf32, #tpu.memory_space<vmem_shared>>) offsets(%dma_start3A_89 : memref<128xi32, #tpu.memory_space<vmem>>) semaphore(%run_scoped3A : memref<!tpu.dma_semaphore, #tpu.memory_space<semaphore_mem>>) {add = true}
        %dma_wait3A_93 = arith.constant 0 : i32
        %dma_wait3A_94 = tpu.memref_slice %arg6[%add3A_68, %dma_wait3A_93] : memref<80x128xi32, #tpu.memory_space<vmem>> -> memref<1x128xi32, #tpu.memory_space<vmem>>
        %dma_wait3A_95 = tpu.memref_squeeze %dma_wait3A_94 : memref<1x128xi32, #tpu.memory_space<vmem>> -> memref<128xi32, #tpu.memory_space<vmem>>
        %dma_wait3A_96 = arith.constant 0 : i32
        %dma_wait3A_97 = arith.constant 0 : i32
        %dma_wait3A_98 = tpu.memref_slice %arg9[%dma_wait3A_96, %dma_wait3A_97] : memref<10008x128xf32, #tpu.memory_space<vmem_shared>> -> memref<10008x128xf32, #tpu.memory_space<vmem_shared>>
        tpu.wait_indirect_dma semaphore(%run_scoped3A : memref<!tpu.dma_semaphore, #tpu.memory_space<semaphore_mem>>) src(%arg7 : memref<128x128xf32, #tpu.memory_space<vmem>>) dst(%dma_wait3A_98 : memref<10008x128xf32, #tpu.memory_space<vmem_shared>>)
        tpu.yield
      }) : () -> ()
      %add3A_69 = arith.constant 2 : i32
      %add3A_70 = arith.addi %add3A_49, %add3A_69 : i32
      %lt3A = arith.constant 40 : i32
      %lt3A_71 = arith.cmpi slt, %add3A_70, %lt3A : i32
      %convert_element_type3A_72 = arith.extui %lt3A_71 : i1 to i32
      %cond3A_73 = arith.constant 0 : i32
      %cond3A_74 = arith.cmpi ne, %convert_element_type3A_72, %cond3A_73 : i32
      scf.if %cond3A_74 {
        %add3A_87 = arith.constant 2 : i32
        %add3A_88 = arith.addi %add3A_49, %add3A_87 : i32
        %mul3A_89 = arith.constant 2 : i32
        %mul3A_90 = arith.muli %mul3A_89, %add3A_88 : i32
        %dma_start3A_91 = arith.constant 0 : i32
        %dma_start3A_92 = tpu.memref_slice %arg6[%mul3A_90, %dma_start3A_91] : memref<80x128xi32, #tpu.memory_space<vmem>> -> memref<1x128xi32, #tpu.memory_space<vmem>>
        %dma_start3A_93 = tpu.memref_squeeze %dma_start3A_92 : memref<1x128xi32, #tpu.memory_space<vmem>> -> memref<128xi32, #tpu.memory_space<vmem>>
        %dma_start3A_94 = arith.constant 0 : i32
        %dma_start3A_95 = arith.constant 0 : i32
        %dma_start3A_96 = tpu.memref_slice %arg2[%dma_start3A_94, %dma_start3A_95] : memref<10000x128xf32, #tpu.memory_space<hbm>> -> memref<10000x128xf32, #tpu.memory_space<hbm>>
        tpu.enqueue_indirect_dma source(%dma_start3A_96 : memref<10000x128xf32, #tpu.memory_space<hbm>>) target(%arg7 : memref<128x128xf32, #tpu.memory_space<vmem>>) offsets(%dma_start3A_93 : memref<128xi32, #tpu.memory_space<vmem>>) semaphore(%arg10 : memref<!tpu.dma_semaphore, #tpu.memory_space<semaphore_mem>>)
      } else {
      }
      %dma_wait3A_75 = arith.constant 0 : i32
      %dma_wait3A_76 = arith.constant 0 : i32
      %dma_wait3A_77 = tpu.memref_slice %arg2[%dma_wait3A_75, %dma_wait3A_76] : memref<10000x128xf32, #tpu.memory_space<hbm>> -> memref<128x128xf32, #tpu.memory_space<hbm>>
      %dma_wait3A_78 = arith.constant 0 : i32
      %dma_wait3A_79 = arith.constant 0 : i32
      %dma_wait3A_80 = tpu.memref_slice %arg2[%dma_wait3A_78, %dma_wait3A_79] : memref<10000x128xf32, #tpu.memory_space<hbm>> -> memref<128x128xf32, #tpu.memory_space<hbm>>
      tpu.wait_dma2 semaphore(%arg11 : memref<!tpu.dma_semaphore, #tpu.memory_space<semaphore_mem>>) src(%dma_wait3A_80 : memref<128x128xf32, #tpu.memory_space<hbm>>) dst(%arg8 : memref<128x128xf32, #tpu.memory_space<vmem>>)
      %add3A_81 = arith.constant 1 : i32
      %add3A_82 = arith.addi %add3A_49, %add3A_81 : i32
      %mul3A_83 = arith.constant 2 : i32
      %mul3A_84 = arith.muli %mul3A_83, %add3A_82 : i32
      %add3A_85 = arith.constant 1 : i32
      %add3A_86 = arith.addi %mul3A_84, %add3A_85 : i32
      "tpu.region"() ({
        %run_scoped3A = tpu.sem_alloc : memref<!tpu.dma_semaphore, #tpu.memory_space<semaphore_mem>>
        %dma_start3A_87 = arith.constant 0 : i32
        %dma_start3A_88 = tpu.memref_slice %arg6[%add3A_86, %dma_start3A_87] : memref<80x128xi32, #tpu.memory_space<vmem>> -> memref<1x128xi32, #tpu.memory_space<vmem>>
        %dma_start3A_89 = tpu.memref_squeeze %dma_start3A_88 : memref<1x128xi32, #tpu.memory_space<vmem>> -> memref<128xi32, #tpu.memory_space<vmem>>
        %dma_start3A_90 = arith.constant 0 : i32
        %dma_start3A_91 = arith.constant 0 : i32
        %dma_start3A_92 = tpu.memref_slice %arg9[%dma_start3A_90, %dma_start3A_91] : memref<10008x128xf32, #tpu.memory_space<vmem_shared>> -> memref<10008x128xf32, #tpu.memory_space<vmem_shared>>
        tpu.enqueue_indirect_dma source(%arg8 : memref<128x128xf32, #tpu.memory_space<vmem>>) target(%dma_start3A_92 : memref<10008x128xf32, #tpu.memory_space<vmem_shared>>) offsets(%dma_start3A_89 : memref<128xi32, #tpu.memory_space<vmem>>) semaphore(%run_scoped3A : memref<!tpu.dma_semaphore, #tpu.memory_space<semaphore_mem>>) {add = true}
        %dma_wait3A_93 = arith.constant 0 : i32
        %dma_wait3A_94 = tpu.memref_slice %arg6[%add3A_86, %dma_wait3A_93] : memref<80x128xi32, #tpu.memory_space<vmem>> -> memref<1x128xi32, #tpu.memory_space<vmem>>
        %dma_wait3A_95 = tpu.memref_squeeze %dma_wait3A_94 : memref<1x128xi32, #tpu.memory_space<vmem>> -> memref<128xi32, #tpu.memory_space<vmem>>
        %dma_wait3A_96 = arith.constant 0 : i32
        %dma_wait3A_97 = arith.constant 0 : i32
        %dma_wait3A_98 = tpu.memref_slice %arg9[%dma_wait3A_96, %dma_wait3A_97] : memref<10008x128xf32, #tpu.memory_space<vmem_shared>> -> memref<10008x128xf32, #tpu.memory_space<vmem_shared>>
        tpu.wait_indirect_dma semaphore(%run_scoped3A : memref<!tpu.dma_semaphore, #tpu.memory_space<semaphore_mem>>) src(%arg8 : memref<128x128xf32, #tpu.memory_space<vmem>>) dst(%dma_wait3A_98 : memref<10008x128xf32, #tpu.memory_space<vmem_shared>>)
        tpu.yield
      }) : () -> ()
    }
    %scan3A_38 = arith.constant 20 : i32
    %barrier3A_39 = arith.constant 0 : index
    tpu.barrier barrier_id(%barrier3A_39)
    "tpu.region"() ({
      %run_scoped3A = tpu.sem_alloc : memref<!tpu.dma_semaphore, #tpu.memory_space<semaphore_mem>>
      %dma_start3A_45 = arith.constant 0 : i32
      %dma_start3A_46 = tpu.memref_slice %arg5[%arg0, %mul3A_2, %dma_start3A_45] : memref<2x10000x128xf32, #tpu.memory_space<hbm>> -> memref<1x624x128xf32, #tpu.memory_space<hbm>>
      %dma_start3A_47 = tpu.memref_squeeze %dma_start3A_46 : memref<1x624x128xf32, #tpu.memory_space<hbm>> -> memref<624x128xf32, #tpu.memory_space<hbm>>
      %dma_start3A_48 = arith.constant 0 : i32
      %dma_start3A_49 = tpu.memref_slice %arg9[%mul3A_2, %dma_start3A_48] : memref<10008x128xf32, #tpu.memory_space<vmem_shared>> -> memref<624x128xf32, #tpu.memory_space<vmem_shared>>
      tpu.enqueue_dma source(%dma_start3A_49 : memref<624x128xf32, #tpu.memory_space<vmem_shared>>) target(%dma_start3A_47 : memref<624x128xf32, #tpu.memory_space<hbm>>) target_semaphore(%run_scoped3A : memref<!tpu.dma_semaphore, #tpu.memory_space<semaphore_mem>>)
      %dma_wait3A = arith.constant 0 : i32
      %dma_wait3A_50 = tpu.memref_slice %arg5[%arg0, %mul3A_2, %dma_wait3A] : memref<2x10000x128xf32, #tpu.memory_space<hbm>> -> memref<1x624x128xf32, #tpu.memory_space<hbm>>
      %dma_wait3A_51 = tpu.memref_squeeze %dma_wait3A_50 : memref<1x624x128xf32, #tpu.memory_space<hbm>> -> memref<624x128xf32, #tpu.memory_space<hbm>>
      %dma_wait3A_52 = arith.constant 0 : i32
      %dma_wait3A_53 = tpu.memref_slice %arg9[%mul3A_2, %dma_wait3A_52] : memref<10008x128xf32, #tpu.memory_space<vmem_shared>> -> memref<624x128xf32, #tpu.memory_space<vmem_shared>>
      tpu.wait_dma2 semaphore(%run_scoped3A : memref<!tpu.dma_semaphore, #tpu.memory_space<semaphore_mem>>) src(%dma_wait3A_53 : memref<624x128xf32, #tpu.memory_space<vmem_shared>>) dst(%dma_wait3A_51 : memref<624x128xf32, #tpu.memory_space<hbm>>)
      tpu.yield
    }) : () -> ()
    %eq3A_40 = arith.constant 0 : i32
    %eq3A_41 = arith.cmpi eq, %arg1, %eq3A_40 : i32
    %convert_element_type3A_42 = arith.extui %eq3A_41 : i1 to i32
    %cond3A_43 = arith.constant 0 : i32
    %cond3A_44 = arith.cmpi ne, %convert_element_type3A_42, %cond3A_43 : i32
    scf.if %cond3A_44 {
      "tpu.region"() ({
        %run_scoped3A = tpu.sem_alloc : memref<!tpu.dma_semaphore, #tpu.memory_space<semaphore_mem>>
        %dma_start3A_45 = arith.constant 9984 : i32
        %dma_start3A_46 = arith.constant 0 : i32
        %dma_start3A_47 = tpu.memref_slice %arg5[%arg0, %dma_start3A_45, %dma_start3A_46] : memref<2x10000x128xf32, #tpu.memory_space<hbm>> -> memref<1x16x128xf32, #tpu.memory_space<hbm>>
        %dma_start3A_48 = tpu.memref_squeeze %dma_start3A_47 : memref<1x16x128xf32, #tpu.memory_space<hbm>> -> memref<16x128xf32, #tpu.memory_space<hbm>>
        %dma_start3A_49 = arith.constant 9984 : i32
        %dma_start3A_50 = arith.constant 0 : i32
        %dma_start3A_51 = tpu.memref_slice %arg9[%dma_start3A_49, %dma_start3A_50] : memref<10008x128xf32, #tpu.memory_space<vmem_shared>> -> memref<16x128xf32, #tpu.memory_space<vmem_shared>>
        tpu.enqueue_dma source(%dma_start3A_51 : memref<16x128xf32, #tpu.memory_space<vmem_shared>>) target(%dma_start3A_48 : memref<16x128xf32, #tpu.memory_space<hbm>>) target_semaphore(%run_scoped3A : memref<!tpu.dma_semaphore, #tpu.memory_space<semaphore_mem>>)
        %dma_wait3A = arith.constant 9984 : i32
        %dma_wait3A_52 = arith.constant 0 : i32
        %dma_wait3A_53 = tpu.memref_slice %arg5[%arg0, %dma_wait3A, %dma_wait3A_52] : memref<2x10000x128xf32, #tpu.memory_space<hbm>> -> memref<1x16x128xf32, #tpu.memory_space<hbm>>
        %dma_wait3A_54 = tpu.memref_squeeze %dma_wait3A_53 : memref<1x16x128xf32, #tpu.memory_space<hbm>> -> memref<16x128xf32, #tpu.memory_space<hbm>>
        %dma_wait3A_55 = arith.constant 9984 : i32
        %dma_wait3A_56 = arith.constant 0 : i32
        %dma_wait3A_57 = tpu.memref_slice %arg9[%dma_wait3A_55, %dma_wait3A_56] : memref<10008x128xf32, #tpu.memory_space<vmem_shared>> -> memref<16x128xf32, #tpu.memory_space<vmem_shared>>
        tpu.wait_dma2 semaphore(%run_scoped3A : memref<!tpu.dma_semaphore, #tpu.memory_space<semaphore_mem>>) src(%dma_wait3A_57 : memref<16x128xf32, #tpu.memory_space<vmem_shared>>) dst(%dma_wait3A_54 : memref<16x128xf32, #tpu.memory_space<hbm>>)
        tpu.yield
      }) : () -> ()
    } else {
    }
    return
  }
}

#map = affine_map<(d0, d1) -> (0, 0)>
#map1 = affine_map<(d0, d1) -> (0, 0, 0)>
module attributes {stable_mosaic.version = 14 : i64} {
  func.func @_sc_agg_body(%arg0: i32, %arg1: i32, %arg2: memref<10000x128xf32, #tpu.memory_space<hbm>>, %arg3: memref<5120x128xi32, #tpu.memory_space<hbm>>, %arg4: memref<10000x128xf32, #tpu.memory_space<hbm>>, %arg5: memref<2x10000x128xf32, #tpu.memory_space<hbm>>, %arg6: memref<80x128xi32, #tpu.memory_space<vmem>>, %arg7: memref<128x128xf32, #tpu.memory_space<vmem>>, %arg8: memref<128x128xf32, #tpu.memory_space<vmem>>, %arg9: memref<10008x128xf32, #tpu.memory_space<vmem_shared>>, %arg10: memref<!tpu.dma_semaphore, #tpu.memory_space<semaphore_mem>>, %arg11: memref<!tpu.dma_semaphore, #tpu.memory_space<semaphore_mem>>) attributes {dimension_semantics = [#tpu.dimension_semantics<core_parallel>, #tpu.dimension_semantics<subcore_parallel>], iteration_bounds = array<i64: 2, 16>, scalar_prefetch = 0 : i64, scratch_operands = 6 : i64, tpu.core_type = #tpu.core_type<sc_vector_subcore>, window_params = [{transform_indices = #map}, {transform_indices = #map}, {transform_indices = #map}, {transform_indices = #map1}]} {
    %mul3A = arith.constant 16 : i32
    %mul3A_0 = arith.muli %arg0, %mul3A : i32
    %add3A = arith.addi %mul3A_0, %arg1 : i32
    %mul3A_1 = arith.constant 624 : i32
    %mul3A_2 = arith.muli %arg1, %mul3A_1 : i32
    "tpu.region"() ({
      %run_scoped3A = tpu.sem_alloc : memref<!tpu.dma_semaphore, #tpu.memory_space<semaphore_mem>>
      %dma_start3A_45 = arith.constant 0 : i32
      %dma_start3A_46 = tpu.memref_slice %arg9[%mul3A_2, %dma_start3A_45] : memref<10008x128xf32, #tpu.memory_space<vmem_shared>> -> memref<624x128xf32, #tpu.memory_space<vmem_shared>>
      %dma_start3A_47 = arith.constant 0 : i32
      %dma_start3A_48 = tpu.memref_slice %arg4[%mul3A_2, %dma_start3A_47] : memref<10000x128xf32, #tpu.memory_space<hbm>> -> memref<624x128xf32, #tpu.memory_space<hbm>>
      tpu.enqueue_dma source(%dma_start3A_48 : memref<624x128xf32, #tpu.memory_space<hbm>>) target(%dma_start3A_46 : memref<624x128xf32, #tpu.memory_space<vmem_shared>>) target_semaphore(%run_scoped3A : memref<!tpu.dma_semaphore, #tpu.memory_space<semaphore_mem>>)
      %dma_wait3A = arith.constant 0 : i32
      %dma_wait3A_49 = tpu.memref_slice %arg9[%mul3A_2, %dma_wait3A] : memref<10008x128xf32, #tpu.memory_space<vmem_shared>> -> memref<624x128xf32, #tpu.memory_space<vmem_shared>>
      %dma_wait3A_50 = arith.constant 0 : i32
      %dma_wait3A_51 = tpu.memref_slice %arg4[%mul3A_2, %dma_wait3A_50] : memref<10000x128xf32, #tpu.memory_space<hbm>> -> memref<624x128xf32, #tpu.memory_space<hbm>>
      tpu.wait_dma2 semaphore(%run_scoped3A : memref<!tpu.dma_semaphore, #tpu.memory_space<semaphore_mem>>) src(%dma_wait3A_51 : memref<624x128xf32, #tpu.memory_space<hbm>>) dst(%dma_wait3A_49 : memref<624x128xf32, #tpu.memory_space<vmem_shared>>)
      tpu.yield
    }) : () -> ()
    %eq3A = arith.constant 0 : i32
    %eq3A_3 = arith.cmpi eq, %arg1, %eq3A : i32
    %convert_element_type3A = arith.extui %eq3A_3 : i1 to i32
    %cond3A = arith.constant 0 : i32
    %cond3A_4 = arith.cmpi ne, %convert_element_type3A, %cond3A : i32
    scf.if %cond3A_4 {
      "tpu.region"() ({
        %run_scoped3A = tpu.sem_alloc : memref<!tpu.dma_semaphore, #tpu.memory_space<semaphore_mem>>
        %dma_start3A_45 = arith.constant 9984 : i32
        %dma_start3A_46 = arith.constant 0 : i32
        %dma_start3A_47 = tpu.memref_slice %arg9[%dma_start3A_45, %dma_start3A_46] : memref<10008x128xf32, #tpu.memory_space<vmem_shared>> -> memref<16x128xf32, #tpu.memory_space<vmem_shared>>
        %dma_start3A_48 = arith.constant 9984 : i32
        %dma_start3A_49 = arith.constant 0 : i32
        %dma_start3A_50 = tpu.memref_slice %arg4[%dma_start3A_48, %dma_start3A_49] : memref<10000x128xf32, #tpu.memory_space<hbm>> -> memref<16x128xf32, #tpu.memory_space<hbm>>
        tpu.enqueue_dma source(%dma_start3A_50 : memref<16x128xf32, #tpu.memory_space<hbm>>) target(%dma_start3A_47 : memref<16x128xf32, #tpu.memory_space<vmem_shared>>) target_semaphore(%run_scoped3A : memref<!tpu.dma_semaphore, #tpu.memory_space<semaphore_mem>>)
        %dma_wait3A = arith.constant 9984 : i32
        %dma_wait3A_51 = arith.constant 0 : i32
        %dma_wait3A_52 = tpu.memref_slice %arg9[%dma_wait3A, %dma_wait3A_51] : memref<10008x128xf32, #tpu.memory_space<vmem_shared>> -> memref<16x128xf32, #tpu.memory_space<vmem_shared>>
        %dma_wait3A_53 = arith.constant 9984 : i32
        %dma_wait3A_54 = arith.constant 0 : i32
        %dma_wait3A_55 = tpu.memref_slice %arg4[%dma_wait3A_53, %dma_wait3A_54] : memref<10000x128xf32, #tpu.memory_space<hbm>> -> memref<16x128xf32, #tpu.memory_space<hbm>>
        tpu.wait_dma2 semaphore(%run_scoped3A : memref<!tpu.dma_semaphore, #tpu.memory_space<semaphore_mem>>) src(%dma_wait3A_55 : memref<16x128xf32, #tpu.memory_space<hbm>>) dst(%dma_wait3A_52 : memref<16x128xf32, #tpu.memory_space<vmem_shared>>)
        tpu.yield
      }) : () -> ()
    } else {
    }
    %barrier3A = arith.constant 0 : index
    tpu.barrier barrier_id(%barrier3A)
    %mul3A_5 = arith.constant 2 : i32
    %mul3A_6 = arith.muli %add3A, %mul3A_5 : i32
    %add3A_7 = arith.constant 0 : i32
    %add3A_8 = arith.addi %mul3A_6, %add3A_7 : i32
    %mul3A_9 = arith.constant 80 : i32
    %mul3A_10 = arith.muli %add3A_8, %mul3A_9 : i32
    "tpu.region"() ({
      %run_scoped3A = tpu.sem_alloc : memref<!tpu.dma_semaphore, #tpu.memory_space<semaphore_mem>>
      %dma_start3A_45 = arith.constant 0 : i32
      %dma_start3A_46 = tpu.memref_slice %arg3[%mul3A_10, %dma_start3A_45] : memref<5120x128xi32, #tpu.memory_space<hbm>> -> memref<80x128xi32, #tpu.memory_space<hbm>>
      %dma_start3A_47 = arith.constant 0 : i32
      %dma_start3A_48 = tpu.memref_slice %arg3[%mul3A_10, %dma_start3A_47] : memref<5120x128xi32, #tpu.memory_space<hbm>> -> memref<80x128xi32, #tpu.memory_space<hbm>>
      tpu.enqueue_dma source(%dma_start3A_48 : memref<80x128xi32, #tpu.memory_space<hbm>>) target(%arg6 : memref<80x128xi32, #tpu.memory_space<vmem>>) target_semaphore(%run_scoped3A : memref<!tpu.dma_semaphore, #tpu.memory_space<semaphore_mem>>)
      %dma_wait3A = arith.constant 0 : i32
      %dma_wait3A_49 = tpu.memref_slice %arg3[%mul3A_10, %dma_wait3A] : memref<5120x128xi32, #tpu.memory_space<hbm>> -> memref<80x128xi32, #tpu.memory_space<hbm>>
      %dma_wait3A_50 = arith.constant 0 : i32
      %dma_wait3A_51 = tpu.memref_slice %arg3[%mul3A_10, %dma_wait3A_50] : memref<5120x128xi32, #tpu.memory_space<hbm>> -> memref<80x128xi32, #tpu.memory_space<hbm>>
      tpu.wait_dma2 semaphore(%run_scoped3A : memref<!tpu.dma_semaphore, #tpu.memory_space<semaphore_mem>>) src(%dma_wait3A_51 : memref<80x128xi32, #tpu.memory_space<hbm>>) dst(%arg6 : memref<80x128xi32, #tpu.memory_space<vmem>>)
      tpu.yield
    }) : () -> ()
    %dma_start3A = arith.constant 0 : i32
    %dma_start3A_11 = arith.constant 0 : i32
    %dma_start3A_12 = tpu.memref_slice %arg6[%dma_start3A, %dma_start3A_11] : memref<80x128xi32, #tpu.memory_space<vmem>> -> memref<1x128xi32, #tpu.memory_space<vmem>>
    %dma_start3A_13 = tpu.memref_squeeze %dma_start3A_12 : memref<1x128xi32, #tpu.memory_space<vmem>> -> memref<128xi32, #tpu.memory_space<vmem>>
    %dma_start3A_14 = arith.constant 0 : i32
    %dma_start3A_15 = arith.constant 0 : i32
    %dma_start3A_16 = tpu.memref_slice %arg2[%dma_start3A_14, %dma_start3A_15] : memref<10000x128xf32, #tpu.memory_space<hbm>> -> memref<10000x128xf32, #tpu.memory_space<hbm>>
    tpu.enqueue_indirect_dma source(%dma_start3A_16 : memref<10000x128xf32, #tpu.memory_space<hbm>>) target(%arg7 : memref<128x128xf32, #tpu.memory_space<vmem>>) offsets(%dma_start3A_13 : memref<128xi32, #tpu.memory_space<vmem>>) semaphore(%arg10 : memref<!tpu.dma_semaphore, #tpu.memory_space<semaphore_mem>>)
    %scan3A = arith.constant 0 : i32
    %scan3A_17 = arith.constant 20 : i32
    %scan3A_18 = arith.addi %scan3A, %scan3A_17 : i32
    %scan3A_19 = arith.constant 1 : i32
    scf.for %scan3A_45 = %scan3A to %scan3A_18 step %scan3A_19  : i32 {
      %mul3A_46 = arith.constant 2 : i32
      %mul3A_47 = arith.muli %scan3A_45, %mul3A_46 : i32
      %add3A_48 = arith.constant 0 : i32
      %add3A_49 = arith.addi %add3A_48, %mul3A_47 : i32
      %add3A_50 = arith.constant 1 : i32
      %add3A_51 = arith.addi %add3A_49, %add3A_50 : i32
      %mul3A_52 = arith.constant 2 : i32
      %mul3A_53 = arith.muli %mul3A_52, %add3A_51 : i32
      %dma_start3A_54 = arith.constant 0 : i32
      %dma_start3A_55 = tpu.memref_slice %arg6[%mul3A_53, %dma_start3A_54] : memref<80x128xi32, #tpu.memory_space<vmem>> -> memref<1x128xi32, #tpu.memory_space<vmem>>
      %dma_start3A_56 = tpu.memref_squeeze %dma_start3A_55 : memref<1x128xi32, #tpu.memory_space<vmem>> -> memref<128xi32, #tpu.memory_space<vmem>>
      %dma_start3A_57 = arith.constant 0 : i32
      %dma_start3A_58 = arith.constant 0 : i32
      %dma_start3A_59 = tpu.memref_slice %arg2[%dma_start3A_57, %dma_start3A_58] : memref<10000x128xf32, #tpu.memory_space<hbm>> -> memref<10000x128xf32, #tpu.memory_space<hbm>>
      tpu.enqueue_indirect_dma source(%dma_start3A_59 : memref<10000x128xf32, #tpu.memory_space<hbm>>) target(%arg8 : memref<128x128xf32, #tpu.memory_space<vmem>>) offsets(%dma_start3A_56 : memref<128xi32, #tpu.memory_space<vmem>>) semaphore(%arg11 : memref<!tpu.dma_semaphore, #tpu.memory_space<semaphore_mem>>)
      %dma_wait3A = arith.constant 0 : i32
      %dma_wait3A_60 = arith.constant 0 : i32
      %dma_wait3A_61 = tpu.memref_slice %arg2[%dma_wait3A, %dma_wait3A_60] : memref<10000x128xf32, #tpu.memory_space<hbm>> -> memref<128x128xf32, #tpu.memory_space<hbm>>
      %dma_wait3A_62 = arith.constant 0 : i32
      %dma_wait3A_63 = arith.constant 0 : i32
      %dma_wait3A_64 = tpu.memref_slice %arg2[%dma_wait3A_62, %dma_wait3A_63] : memref<10000x128xf32, #tpu.memory_space<hbm>> -> memref<128x128xf32, #tpu.memory_space<hbm>>
      tpu.wait_dma2 semaphore(%arg10 : memref<!tpu.dma_semaphore, #tpu.memory_space<semaphore_mem>>) src(%dma_wait3A_64 : memref<128x128xf32, #tpu.memory_space<hbm>>) dst(%arg7 : memref<128x128xf32, #tpu.memory_space<vmem>>)
      %mul3A_65 = arith.constant 2 : i32
      %mul3A_66 = arith.muli %mul3A_65, %add3A_49 : i32
      %add3A_67 = arith.constant 1 : i32
      %add3A_68 = arith.addi %mul3A_66, %add3A_67 : i32
      "tpu.region"() ({
        %run_scoped3A = tpu.sem_alloc : memref<!tpu.dma_semaphore, #tpu.memory_space<semaphore_mem>>
        %dma_start3A_87 = arith.constant 0 : i32
        %dma_start3A_88 = tpu.memref_slice %arg6[%add3A_68, %dma_start3A_87] : memref<80x128xi32, #tpu.memory_space<vmem>> -> memref<1x128xi32, #tpu.memory_space<vmem>>
        %dma_start3A_89 = tpu.memref_squeeze %dma_start3A_88 : memref<1x128xi32, #tpu.memory_space<vmem>> -> memref<128xi32, #tpu.memory_space<vmem>>
        %dma_start3A_90 = arith.constant 0 : i32
        %dma_start3A_91 = arith.constant 0 : i32
        %dma_start3A_92 = tpu.memref_slice %arg9[%dma_start3A_90, %dma_start3A_91] : memref<10008x128xf32, #tpu.memory_space<vmem_shared>> -> memref<10008x128xf32, #tpu.memory_space<vmem_shared>>
        tpu.enqueue_indirect_dma source(%arg7 : memref<128x128xf32, #tpu.memory_space<vmem>>) target(%dma_start3A_92 : memref<10008x128xf32, #tpu.memory_space<vmem_shared>>) offsets(%dma_start3A_89 : memref<128xi32, #tpu.memory_space<vmem>>) semaphore(%run_scoped3A : memref<!tpu.dma_semaphore, #tpu.memory_space<semaphore_mem>>) {add = true}
        %dma_wait3A_93 = arith.constant 0 : i32
        %dma_wait3A_94 = tpu.memref_slice %arg6[%add3A_68, %dma_wait3A_93] : memref<80x128xi32, #tpu.memory_space<vmem>> -> memref<1x128xi32, #tpu.memory_space<vmem>>
        %dma_wait3A_95 = tpu.memref_squeeze %dma_wait3A_94 : memref<1x128xi32, #tpu.memory_space<vmem>> -> memref<128xi32, #tpu.memory_space<vmem>>
        %dma_wait3A_96 = arith.constant 0 : i32
        %dma_wait3A_97 = arith.constant 0 : i32
        %dma_wait3A_98 = tpu.memref_slice %arg9[%dma_wait3A_96, %dma_wait3A_97] : memref<10008x128xf32, #tpu.memory_space<vmem_shared>> -> memref<10008x128xf32, #tpu.memory_space<vmem_shared>>
        tpu.wait_indirect_dma semaphore(%run_scoped3A : memref<!tpu.dma_semaphore, #tpu.memory_space<semaphore_mem>>) src(%arg7 : memref<128x128xf32, #tpu.memory_space<vmem>>) dst(%dma_wait3A_98 : memref<10008x128xf32, #tpu.memory_space<vmem_shared>>)
        tpu.yield
      }) : () -> ()
      %add3A_69 = arith.constant 2 : i32
      %add3A_70 = arith.addi %add3A_49, %add3A_69 : i32
      %lt3A = arith.constant 40 : i32
      %lt3A_71 = arith.cmpi slt, %add3A_70, %lt3A : i32
      %convert_element_type3A_72 = arith.extui %lt3A_71 : i1 to i32
      %cond3A_73 = arith.constant 0 : i32
      %cond3A_74 = arith.cmpi ne, %convert_element_type3A_72, %cond3A_73 : i32
      scf.if %cond3A_74 {
        %add3A_87 = arith.constant 2 : i32
        %add3A_88 = arith.addi %add3A_49, %add3A_87 : i32
        %mul3A_89 = arith.constant 2 : i32
        %mul3A_90 = arith.muli %mul3A_89, %add3A_88 : i32
        %dma_start3A_91 = arith.constant 0 : i32
        %dma_start3A_92 = tpu.memref_slice %arg6[%mul3A_90, %dma_start3A_91] : memref<80x128xi32, #tpu.memory_space<vmem>> -> memref<1x128xi32, #tpu.memory_space<vmem>>
        %dma_start3A_93 = tpu.memref_squeeze %dma_start3A_92 : memref<1x128xi32, #tpu.memory_space<vmem>> -> memref<128xi32, #tpu.memory_space<vmem>>
        %dma_start3A_94 = arith.constant 0 : i32
        %dma_start3A_95 = arith.constant 0 : i32
        %dma_start3A_96 = tpu.memref_slice %arg2[%dma_start3A_94, %dma_start3A_95] : memref<10000x128xf32, #tpu.memory_space<hbm>> -> memref<10000x128xf32, #tpu.memory_space<hbm>>
        tpu.enqueue_indirect_dma source(%dma_start3A_96 : memref<10000x128xf32, #tpu.memory_space<hbm>>) target(%arg7 : memref<128x128xf32, #tpu.memory_space<vmem>>) offsets(%dma_start3A_93 : memref<128xi32, #tpu.memory_space<vmem>>) semaphore(%arg10 : memref<!tpu.dma_semaphore, #tpu.memory_space<semaphore_mem>>)
      } else {
      }
      %dma_wait3A_75 = arith.constant 0 : i32
      %dma_wait3A_76 = arith.constant 0 : i32
      %dma_wait3A_77 = tpu.memref_slice %arg2[%dma_wait3A_75, %dma_wait3A_76] : memref<10000x128xf32, #tpu.memory_space<hbm>> -> memref<128x128xf32, #tpu.memory_space<hbm>>
      %dma_wait3A_78 = arith.constant 0 : i32
      %dma_wait3A_79 = arith.constant 0 : i32
      %dma_wait3A_80 = tpu.memref_slice %arg2[%dma_wait3A_78, %dma_wait3A_79] : memref<10000x128xf32, #tpu.memory_space<hbm>> -> memref<128x128xf32, #tpu.memory_space<hbm>>
      tpu.wait_dma2 semaphore(%arg11 : memref<!tpu.dma_semaphore, #tpu.memory_space<semaphore_mem>>) src(%dma_wait3A_80 : memref<128x128xf32, #tpu.memory_space<hbm>>) dst(%arg8 : memref<128x128xf32, #tpu.memory_space<vmem>>)
      %add3A_81 = arith.constant 1 : i32
      %add3A_82 = arith.addi %add3A_49, %add3A_81 : i32
      %mul3A_83 = arith.constant 2 : i32
      %mul3A_84 = arith.muli %mul3A_83, %add3A_82 : i32
      %add3A_85 = arith.constant 1 : i32
      %add3A_86 = arith.addi %mul3A_84, %add3A_85 : i32
      "tpu.region"() ({
        %run_scoped3A = tpu.sem_alloc : memref<!tpu.dma_semaphore, #tpu.memory_space<semaphore_mem>>
        %dma_start3A_87 = arith.constant 0 : i32
        %dma_start3A_88 = tpu.memref_slice %arg6[%add3A_86, %dma_start3A_87] : memref<80x128xi32, #tpu.memory_space<vmem>> -> memref<1x128xi32, #tpu.memory_space<vmem>>
        %dma_start3A_89 = tpu.memref_squeeze %dma_start3A_88 : memref<1x128xi32, #tpu.memory_space<vmem>> -> memref<128xi32, #tpu.memory_space<vmem>>
        %dma_start3A_90 = arith.constant 0 : i32
        %dma_start3A_91 = arith.constant 0 : i32
        %dma_start3A_92 = tpu.memref_slice %arg9[%dma_start3A_90, %dma_start3A_91] : memref<10008x128xf32, #tpu.memory_space<vmem_shared>> -> memref<10008x128xf32, #tpu.memory_space<vmem_shared>>
        tpu.enqueue_indirect_dma source(%arg8 : memref<128x128xf32, #tpu.memory_space<vmem>>) target(%dma_start3A_92 : memref<10008x128xf32, #tpu.memory_space<vmem_shared>>) offsets(%dma_start3A_89 : memref<128xi32, #tpu.memory_space<vmem>>) semaphore(%run_scoped3A : memref<!tpu.dma_semaphore, #tpu.memory_space<semaphore_mem>>) {add = true}
        %dma_wait3A_93 = arith.constant 0 : i32
        %dma_wait3A_94 = tpu.memref_slice %arg6[%add3A_86, %dma_wait3A_93] : memref<80x128xi32, #tpu.memory_space<vmem>> -> memref<1x128xi32, #tpu.memory_space<vmem>>
        %dma_wait3A_95 = tpu.memref_squeeze %dma_wait3A_94 : memref<1x128xi32, #tpu.memory_space<vmem>> -> memref<128xi32, #tpu.memory_space<vmem>>
        %dma_wait3A_96 = arith.constant 0 : i32
        %dma_wait3A_97 = arith.constant 0 : i32
        %dma_wait3A_98 = tpu.memref_slice %arg9[%dma_wait3A_96, %dma_wait3A_97] : memref<10008x128xf32, #tpu.memory_space<vmem_shared>> -> memref<10008x128xf32, #tpu.memory_space<vmem_shared>>
        tpu.wait_indirect_dma semaphore(%run_scoped3A : memref<!tpu.dma_semaphore, #tpu.memory_space<semaphore_mem>>) src(%arg8 : memref<128x128xf32, #tpu.memory_space<vmem>>) dst(%dma_wait3A_98 : memref<10008x128xf32, #tpu.memory_space<vmem_shared>>)
        tpu.yield
      }) : () -> ()
    }
    %scan3A_20 = arith.constant 20 : i32
    %mul3A_21 = arith.constant 2 : i32
    %mul3A_22 = arith.muli %add3A, %mul3A_21 : i32
    %add3A_23 = arith.constant 1 : i32
    %add3A_24 = arith.addi %mul3A_22, %add3A_23 : i32
    %mul3A_25 = arith.constant 80 : i32
    %mul3A_26 = arith.muli %add3A_24, %mul3A_25 : i32
    "tpu.region"() ({
      %run_scoped3A = tpu.sem_alloc : memref<!tpu.dma_semaphore, #tpu.memory_space<semaphore_mem>>
      %dma_start3A_45 = arith.constant 0 : i32
      %dma_start3A_46 = tpu.memref_slice %arg3[%mul3A_26, %dma_start3A_45] : memref<5120x128xi32, #tpu.memory_space<hbm>> -> memref<80x128xi32, #tpu.memory_space<hbm>>
      %dma_start3A_47 = arith.constant 0 : i32
      %dma_start3A_48 = tpu.memref_slice %arg3[%mul3A_26, %dma_start3A_47] : memref<5120x128xi32, #tpu.memory_space<hbm>> -> memref<80x128xi32, #tpu.memory_space<hbm>>
      tpu.enqueue_dma source(%dma_start3A_48 : memref<80x128xi32, #tpu.memory_space<hbm>>) target(%arg6 : memref<80x128xi32, #tpu.memory_space<vmem>>) target_semaphore(%run_scoped3A : memref<!tpu.dma_semaphore, #tpu.memory_space<semaphore_mem>>)
      %dma_wait3A = arith.constant 0 : i32
      %dma_wait3A_49 = tpu.memref_slice %arg3[%mul3A_26, %dma_wait3A] : memref<5120x128xi32, #tpu.memory_space<hbm>> -> memref<80x128xi32, #tpu.memory_space<hbm>>
      %dma_wait3A_50 = arith.constant 0 : i32
      %dma_wait3A_51 = tpu.memref_slice %arg3[%mul3A_26, %dma_wait3A_50] : memref<5120x128xi32, #tpu.memory_space<hbm>> -> memref<80x128xi32, #tpu.memory_space<hbm>>
      tpu.wait_dma2 semaphore(%run_scoped3A : memref<!tpu.dma_semaphore, #tpu.memory_space<semaphore_mem>>) src(%dma_wait3A_51 : memref<80x128xi32, #tpu.memory_space<hbm>>) dst(%arg6 : memref<80x128xi32, #tpu.memory_space<vmem>>)
      tpu.yield
    }) : () -> ()
    %dma_start3A_27 = arith.constant 0 : i32
    %dma_start3A_28 = arith.constant 0 : i32
    %dma_start3A_29 = tpu.memref_slice %arg6[%dma_start3A_27, %dma_start3A_28] : memref<80x128xi32, #tpu.memory_space<vmem>> -> memref<1x128xi32, #tpu.memory_space<vmem>>
    %dma_start3A_30 = tpu.memref_squeeze %dma_start3A_29 : memref<1x128xi32, #tpu.memory_space<vmem>> -> memref<128xi32, #tpu.memory_space<vmem>>
    %dma_start3A_31 = arith.constant 0 : i32
    %dma_start3A_32 = arith.constant 0 : i32
    %dma_start3A_33 = tpu.memref_slice %arg2[%dma_start3A_31, %dma_start3A_32] : memref<10000x128xf32, #tpu.memory_space<hbm>> -> memref<10000x128xf32, #tpu.memory_space<hbm>>
    tpu.enqueue_indirect_dma source(%dma_start3A_33 : memref<10000x128xf32, #tpu.memory_space<hbm>>) target(%arg7 : memref<128x128xf32, #tpu.memory_space<vmem>>) offsets(%dma_start3A_30 : memref<128xi32, #tpu.memory_space<vmem>>) semaphore(%arg10 : memref<!tpu.dma_semaphore, #tpu.memory_space<semaphore_mem>>)
    %scan3A_34 = arith.constant 0 : i32
    %scan3A_35 = arith.constant 20 : i32
    %scan3A_36 = arith.addi %scan3A_34, %scan3A_35 : i32
    %scan3A_37 = arith.constant 1 : i32
    scf.for %scan3A_45 = %scan3A_34 to %scan3A_36 step %scan3A_37  : i32 {
      %mul3A_46 = arith.constant 2 : i32
      %mul3A_47 = arith.muli %scan3A_45, %mul3A_46 : i32
      %add3A_48 = arith.constant 0 : i32
      %add3A_49 = arith.addi %add3A_48, %mul3A_47 : i32
      %add3A_50 = arith.constant 1 : i32
      %add3A_51 = arith.addi %add3A_49, %add3A_50 : i32
      %mul3A_52 = arith.constant 2 : i32
      %mul3A_53 = arith.muli %mul3A_52, %add3A_51 : i32
      %dma_start3A_54 = arith.constant 0 : i32
      %dma_start3A_55 = tpu.memref_slice %arg6[%mul3A_53, %dma_start3A_54] : memref<80x128xi32, #tpu.memory_space<vmem>> -> memref<1x128xi32, #tpu.memory_space<vmem>>
      %dma_start3A_56 = tpu.memref_squeeze %dma_start3A_55 : memref<1x128xi32, #tpu.memory_space<vmem>> -> memref<128xi32, #tpu.memory_space<vmem>>
      %dma_start3A_57 = arith.constant 0 : i32
      %dma_start3A_58 = arith.constant 0 : i32
      %dma_start3A_59 = tpu.memref_slice %arg2[%dma_start3A_57, %dma_start3A_58] : memref<10000x128xf32, #tpu.memory_space<hbm>> -> memref<10000x128xf32, #tpu.memory_space<hbm>>
      tpu.enqueue_indirect_dma source(%dma_start3A_59 : memref<10000x128xf32, #tpu.memory_space<hbm>>) target(%arg8 : memref<128x128xf32, #tpu.memory_space<vmem>>) offsets(%dma_start3A_56 : memref<128xi32, #tpu.memory_space<vmem>>) semaphore(%arg11 : memref<!tpu.dma_semaphore, #tpu.memory_space<semaphore_mem>>)
      %dma_wait3A = arith.constant 0 : i32
      %dma_wait3A_60 = arith.constant 0 : i32
      %dma_wait3A_61 = tpu.memref_slice %arg2[%dma_wait3A, %dma_wait3A_60] : memref<10000x128xf32, #tpu.memory_space<hbm>> -> memref<128x128xf32, #tpu.memory_space<hbm>>
      %dma_wait3A_62 = arith.constant 0 : i32
      %dma_wait3A_63 = arith.constant 0 : i32
      %dma_wait3A_64 = tpu.memref_slice %arg2[%dma_wait3A_62, %dma_wait3A_63] : memref<10000x128xf32, #tpu.memory_space<hbm>> -> memref<128x128xf32, #tpu.memory_space<hbm>>
      tpu.wait_dma2 semaphore(%arg10 : memref<!tpu.dma_semaphore, #tpu.memory_space<semaphore_mem>>) src(%dma_wait3A_64 : memref<128x128xf32, #tpu.memory_space<hbm>>) dst(%arg7 : memref<128x128xf32, #tpu.memory_space<vmem>>)
      %mul3A_65 = arith.constant 2 : i32
      %mul3A_66 = arith.muli %mul3A_65, %add3A_49 : i32
      %add3A_67 = arith.constant 1 : i32
      %add3A_68 = arith.addi %mul3A_66, %add3A_67 : i32
      "tpu.region"() ({
        %run_scoped3A = tpu.sem_alloc : memref<!tpu.dma_semaphore, #tpu.memory_space<semaphore_mem>>
        %dma_start3A_87 = arith.constant 0 : i32
        %dma_start3A_88 = tpu.memref_slice %arg6[%add3A_68, %dma_start3A_87] : memref<80x128xi32, #tpu.memory_space<vmem>> -> memref<1x128xi32, #tpu.memory_space<vmem>>
        %dma_start3A_89 = tpu.memref_squeeze %dma_start3A_88 : memref<1x128xi32, #tpu.memory_space<vmem>> -> memref<128xi32, #tpu.memory_space<vmem>>
        %dma_start3A_90 = arith.constant 0 : i32
        %dma_start3A_91 = arith.constant 0 : i32
        %dma_start3A_92 = tpu.memref_slice %arg9[%dma_start3A_90, %dma_start3A_91] : memref<10008x128xf32, #tpu.memory_space<vmem_shared>> -> memref<10008x128xf32, #tpu.memory_space<vmem_shared>>
        tpu.enqueue_indirect_dma source(%arg7 : memref<128x128xf32, #tpu.memory_space<vmem>>) target(%dma_start3A_92 : memref<10008x128xf32, #tpu.memory_space<vmem_shared>>) offsets(%dma_start3A_89 : memref<128xi32, #tpu.memory_space<vmem>>) semaphore(%run_scoped3A : memref<!tpu.dma_semaphore, #tpu.memory_space<semaphore_mem>>) {add = true}
        %dma_wait3A_93 = arith.constant 0 : i32
        %dma_wait3A_94 = tpu.memref_slice %arg6[%add3A_68, %dma_wait3A_93] : memref<80x128xi32, #tpu.memory_space<vmem>> -> memref<1x128xi32, #tpu.memory_space<vmem>>
        %dma_wait3A_95 = tpu.memref_squeeze %dma_wait3A_94 : memref<1x128xi32, #tpu.memory_space<vmem>> -> memref<128xi32, #tpu.memory_space<vmem>>
        %dma_wait3A_96 = arith.constant 0 : i32
        %dma_wait3A_97 = arith.constant 0 : i32
        %dma_wait3A_98 = tpu.memref_slice %arg9[%dma_wait3A_96, %dma_wait3A_97] : memref<10008x128xf32, #tpu.memory_space<vmem_shared>> -> memref<10008x128xf32, #tpu.memory_space<vmem_shared>>
        tpu.wait_indirect_dma semaphore(%run_scoped3A : memref<!tpu.dma_semaphore, #tpu.memory_space<semaphore_mem>>) src(%arg7 : memref<128x128xf32, #tpu.memory_space<vmem>>) dst(%dma_wait3A_98 : memref<10008x128xf32, #tpu.memory_space<vmem_shared>>)
        tpu.yield
      }) : () -> ()
      %add3A_69 = arith.constant 2 : i32
      %add3A_70 = arith.addi %add3A_49, %add3A_69 : i32
      %lt3A = arith.constant 40 : i32
      %lt3A_71 = arith.cmpi slt, %add3A_70, %lt3A : i32
      %convert_element_type3A_72 = arith.extui %lt3A_71 : i1 to i32
      %cond3A_73 = arith.constant 0 : i32
      %cond3A_74 = arith.cmpi ne, %convert_element_type3A_72, %cond3A_73 : i32
      scf.if %cond3A_74 {
        %add3A_87 = arith.constant 2 : i32
        %add3A_88 = arith.addi %add3A_49, %add3A_87 : i32
        %mul3A_89 = arith.constant 2 : i32
        %mul3A_90 = arith.muli %mul3A_89, %add3A_88 : i32
        %dma_start3A_91 = arith.constant 0 : i32
        %dma_start3A_92 = tpu.memref_slice %arg6[%mul3A_90, %dma_start3A_91] : memref<80x128xi32, #tpu.memory_space<vmem>> -> memref<1x128xi32, #tpu.memory_space<vmem>>
        %dma_start3A_93 = tpu.memref_squeeze %dma_start3A_92 : memref<1x128xi32, #tpu.memory_space<vmem>> -> memref<128xi32, #tpu.memory_space<vmem>>
        %dma_start3A_94 = arith.constant 0 : i32
        %dma_start3A_95 = arith.constant 0 : i32
        %dma_start3A_96 = tpu.memref_slice %arg2[%dma_start3A_94, %dma_start3A_95] : memref<10000x128xf32, #tpu.memory_space<hbm>> -> memref<10000x128xf32, #tpu.memory_space<hbm>>
        tpu.enqueue_indirect_dma source(%dma_start3A_96 : memref<10000x128xf32, #tpu.memory_space<hbm>>) target(%arg7 : memref<128x128xf32, #tpu.memory_space<vmem>>) offsets(%dma_start3A_93 : memref<128xi32, #tpu.memory_space<vmem>>) semaphore(%arg10 : memref<!tpu.dma_semaphore, #tpu.memory_space<semaphore_mem>>)
      } else {
      }
      %dma_wait3A_75 = arith.constant 0 : i32
      %dma_wait3A_76 = arith.constant 0 : i32
      %dma_wait3A_77 = tpu.memref_slice %arg2[%dma_wait3A_75, %dma_wait3A_76] : memref<10000x128xf32, #tpu.memory_space<hbm>> -> memref<128x128xf32, #tpu.memory_space<hbm>>
      %dma_wait3A_78 = arith.constant 0 : i32
      %dma_wait3A_79 = arith.constant 0 : i32
      %dma_wait3A_80 = tpu.memref_slice %arg2[%dma_wait3A_78, %dma_wait3A_79] : memref<10000x128xf32, #tpu.memory_space<hbm>> -> memref<128x128xf32, #tpu.memory_space<hbm>>
      tpu.wait_dma2 semaphore(%arg11 : memref<!tpu.dma_semaphore, #tpu.memory_space<semaphore_mem>>) src(%dma_wait3A_80 : memref<128x128xf32, #tpu.memory_space<hbm>>) dst(%arg8 : memref<128x128xf32, #tpu.memory_space<vmem>>)
      %add3A_81 = arith.constant 1 : i32
      %add3A_82 = arith.addi %add3A_49, %add3A_81 : i32
      %mul3A_83 = arith.constant 2 : i32
      %mul3A_84 = arith.muli %mul3A_83, %add3A_82 : i32
      %add3A_85 = arith.constant 1 : i32
      %add3A_86 = arith.addi %mul3A_84, %add3A_85 : i32
      "tpu.region"() ({
        %run_scoped3A = tpu.sem_alloc : memref<!tpu.dma_semaphore, #tpu.memory_space<semaphore_mem>>
        %dma_start3A_87 = arith.constant 0 : i32
        %dma_start3A_88 = tpu.memref_slice %arg6[%add3A_86, %dma_start3A_87] : memref<80x128xi32, #tpu.memory_space<vmem>> -> memref<1x128xi32, #tpu.memory_space<vmem>>
        %dma_start3A_89 = tpu.memref_squeeze %dma_start3A_88 : memref<1x128xi32, #tpu.memory_space<vmem>> -> memref<128xi32, #tpu.memory_space<vmem>>
        %dma_start3A_90 = arith.constant 0 : i32
        %dma_start3A_91 = arith.constant 0 : i32
        %dma_start3A_92 = tpu.memref_slice %arg9[%dma_start3A_90, %dma_start3A_91] : memref<10008x128xf32, #tpu.memory_space<vmem_shared>> -> memref<10008x128xf32, #tpu.memory_space<vmem_shared>>
        tpu.enqueue_indirect_dma source(%arg8 : memref<128x128xf32, #tpu.memory_space<vmem>>) target(%dma_start3A_92 : memref<10008x128xf32, #tpu.memory_space<vmem_shared>>) offsets(%dma_start3A_89 : memref<128xi32, #tpu.memory_space<vmem>>) semaphore(%run_scoped3A : memref<!tpu.dma_semaphore, #tpu.memory_space<semaphore_mem>>) {add = true}
        %dma_wait3A_93 = arith.constant 0 : i32
        %dma_wait3A_94 = tpu.memref_slice %arg6[%add3A_86, %dma_wait3A_93] : memref<80x128xi32, #tpu.memory_space<vmem>> -> memref<1x128xi32, #tpu.memory_space<vmem>>
        %dma_wait3A_95 = tpu.memref_squeeze %dma_wait3A_94 : memref<1x128xi32, #tpu.memory_space<vmem>> -> memref<128xi32, #tpu.memory_space<vmem>>
        %dma_wait3A_96 = arith.constant 0 : i32
        %dma_wait3A_97 = arith.constant 0 : i32
        %dma_wait3A_98 = tpu.memref_slice %arg9[%dma_wait3A_96, %dma_wait3A_97] : memref<10008x128xf32, #tpu.memory_space<vmem_shared>> -> memref<10008x128xf32, #tpu.memory_space<vmem_shared>>
        tpu.wait_indirect_dma semaphore(%run_scoped3A : memref<!tpu.dma_semaphore, #tpu.memory_space<semaphore_mem>>) src(%arg8 : memref<128x128xf32, #tpu.memory_space<vmem>>) dst(%dma_wait3A_98 : memref<10008x128xf32, #tpu.memory_space<vmem_shared>>)
        tpu.yield
      }) : () -> ()
    }
    %scan3A_38 = arith.constant 20 : i32
    %barrier3A_39 = arith.constant 0 : index
    tpu.barrier barrier_id(%barrier3A_39)
    "tpu.region"() ({
      %run_scoped3A = tpu.sem_alloc : memref<!tpu.dma_semaphore, #tpu.memory_space<semaphore_mem>>
      %dma_start3A_45 = arith.constant 0 : i32
      %dma_start3A_46 = tpu.memref_slice %arg5[%arg0, %mul3A_2, %dma_start3A_45] : memref<2x10000x128xf32, #tpu.memory_space<hbm>> -> memref<1x624x128xf32, #tpu.memory_space<hbm>>
      %dma_start3A_47 = tpu.memref_squeeze %dma_start3A_46 : memref<1x624x128xf32, #tpu.memory_space<hbm>> -> memref<624x128xf32, #tpu.memory_space<hbm>>
      %dma_start3A_48 = arith.constant 0 : i32
      %dma_start3A_49 = tpu.memref_slice %arg9[%mul3A_2, %dma_start3A_48] : memref<10008x128xf32, #tpu.memory_space<vmem_shared>> -> memref<624x128xf32, #tpu.memory_space<vmem_shared>>
      tpu.enqueue_dma source(%dma_start3A_49 : memref<624x128xf32, #tpu.memory_space<vmem_shared>>) target(%dma_start3A_47 : memref<624x128xf32, #tpu.memory_space<hbm>>) target_semaphore(%run_scoped3A : memref<!tpu.dma_semaphore, #tpu.memory_space<semaphore_mem>>)
      %dma_wait3A = arith.constant 0 : i32
      %dma_wait3A_50 = tpu.memref_slice %arg5[%arg0, %mul3A_2, %dma_wait3A] : memref<2x10000x128xf32, #tpu.memory_space<hbm>> -> memref<1x624x128xf32, #tpu.memory_space<hbm>>
      %dma_wait3A_51 = tpu.memref_squeeze %dma_wait3A_50 : memref<1x624x128xf32, #tpu.memory_space<hbm>> -> memref<624x128xf32, #tpu.memory_space<hbm>>
      %dma_wait3A_52 = arith.constant 0 : i32
      %dma_wait3A_53 = tpu.memref_slice %arg9[%mul3A_2, %dma_wait3A_52] : memref<10008x128xf32, #tpu.memory_space<vmem_shared>> -> memref<624x128xf32, #tpu.memory_space<vmem_shared>>
      tpu.wait_dma2 semaphore(%run_scoped3A : memref<!tpu.dma_semaphore, #tpu.memory_space<semaphore_mem>>) src(%dma_wait3A_53 : memref<624x128xf32, #tpu.memory_space<vmem_shared>>) dst(%dma_wait3A_51 : memref<624x128xf32, #tpu.memory_space<hbm>>)
      tpu.yield
    }) : () -> ()
    %eq3A_40 = arith.constant 0 : i32
    %eq3A_41 = arith.cmpi eq, %arg1, %eq3A_40 : i32
    %convert_element_type3A_42 = arith.extui %eq3A_41 : i1 to i32
    %cond3A_43 = arith.constant 0 : i32
    %cond3A_44 = arith.cmpi ne, %convert_element_type3A_42, %cond3A_43 : i32
    scf.if %cond3A_44 {
      "tpu.region"() ({
        %run_scoped3A = tpu.sem_alloc : memref<!tpu.dma_semaphore, #tpu.memory_space<semaphore_mem>>
        %dma_start3A_45 = arith.constant 9984 : i32
        %dma_start3A_46 = arith.constant 0 : i32
        %dma_start3A_47 = tpu.memref_slice %arg5[%arg0, %dma_start3A_45, %dma_start3A_46] : memref<2x10000x128xf32, #tpu.memory_space<hbm>> -> memref<1x16x128xf32, #tpu.memory_space<hbm>>
        %dma_start3A_48 = tpu.memref_squeeze %dma_start3A_47 : memref<1x16x128xf32, #tpu.memory_space<hbm>> -> memref<16x128xf32, #tpu.memory_space<hbm>>
        %dma_start3A_49 = arith.constant 9984 : i32
        %dma_start3A_50 = arith.constant 0 : i32
        %dma_start3A_51 = tpu.memref_slice %arg9[%dma_start3A_49, %dma_start3A_50] : memref<10008x128xf32, #tpu.memory_space<vmem_shared>> -> memref<16x128xf32, #tpu.memory_space<vmem_shared>>
        tpu.enqueue_dma source(%dma_start3A_51 : memref<16x128xf32, #tpu.memory_space<vmem_shared>>) target(%dma_start3A_48 : memref<16x128xf32, #tpu.memory_space<hbm>>) target_semaphore(%run_scoped3A : memref<!tpu.dma_semaphore, #tpu.memory_space<semaphore_mem>>)
        %dma_wait3A = arith.constant 9984 : i32
        %dma_wait3A_52 = arith.constant 0 : i32
        %dma_wait3A_53 = tpu.memref_slice %arg5[%arg0, %dma_wait3A, %dma_wait3A_52] : memref<2x10000x128xf32, #tpu.memory_space<hbm>> -> memref<1x16x128xf32, #tpu.memory_space<hbm>>
        %dma_wait3A_54 = tpu.memref_squeeze %dma_wait3A_53 : memref<1x16x128xf32, #tpu.memory_space<hbm>> -> memref<16x128xf32, #tpu.memory_space<hbm>>
        %dma_wait3A_55 = arith.constant 9984 : i32
        %dma_wait3A_56 = arith.constant 0 : i32
        %dma_wait3A_57 = tpu.memref_slice %arg9[%dma_wait3A_55, %dma_wait3A_56] : memref<10008x128xf32, #tpu.memory_space<vmem_shared>> -> memref<16x128xf32, #tpu.memory_space<vmem_shared>>
        tpu.wait_dma2 semaphore(%run_scoped3A : memref<!tpu.dma_semaphore, #tpu.memory_space<semaphore_mem>>) src(%dma_wait3A_57 : memref<16x128xf32, #tpu.memory_space<vmem_shared>>) dst(%dma_wait3A_54 : memref<16x128xf32, #tpu.memory_space<hbm>>)
        tpu.yield
      }) : () -> ()
    } else {
    }
    return
  }
}

#map = affine_map<(d0, d1) -> (0, 0)>
#map1 = affine_map<(d0, d1) -> (0, 0, 0)>
module attributes {stable_mosaic.version = 14 : i64} {
  func.func @_sc_agg_body(%arg0: i32, %arg1: i32, %arg2: memref<10000x128xf32, #tpu.memory_space<hbm>>, %arg3: memref<5120x128xi32, #tpu.memory_space<hbm>>, %arg4: memref<10000x128xf32, #tpu.memory_space<hbm>>, %arg5: memref<2x10000x128xf32, #tpu.memory_space<hbm>>, %arg6: memref<80x128xi32, #tpu.memory_space<vmem>>, %arg7: memref<128x128xf32, #tpu.memory_space<vmem>>, %arg8: memref<128x128xf32, #tpu.memory_space<vmem>>, %arg9: memref<10008x128xf32, #tpu.memory_space<vmem_shared>>, %arg10: memref<!tpu.dma_semaphore, #tpu.memory_space<semaphore_mem>>, %arg11: memref<!tpu.dma_semaphore, #tpu.memory_space<semaphore_mem>>) attributes {dimension_semantics = [#tpu.dimension_semantics<core_parallel>, #tpu.dimension_semantics<subcore_parallel>], iteration_bounds = array<i64: 2, 16>, scalar_prefetch = 0 : i64, scratch_operands = 6 : i64, tpu.core_type = #tpu.core_type<sc_vector_subcore>, window_params = [{transform_indices = #map}, {transform_indices = #map}, {transform_indices = #map}, {transform_indices = #map1}]} {
    %mul3A = arith.constant 16 : i32
    %mul3A_0 = arith.muli %arg0, %mul3A : i32
    %add3A = arith.addi %mul3A_0, %arg1 : i32
    %mul3A_1 = arith.constant 624 : i32
    %mul3A_2 = arith.muli %arg1, %mul3A_1 : i32
    "tpu.region"() ({
      %run_scoped3A = tpu.sem_alloc : memref<!tpu.dma_semaphore, #tpu.memory_space<semaphore_mem>>
      %dma_start3A_45 = arith.constant 0 : i32
      %dma_start3A_46 = tpu.memref_slice %arg9[%mul3A_2, %dma_start3A_45] : memref<10008x128xf32, #tpu.memory_space<vmem_shared>> -> memref<624x128xf32, #tpu.memory_space<vmem_shared>>
      %dma_start3A_47 = arith.constant 0 : i32
      %dma_start3A_48 = tpu.memref_slice %arg4[%mul3A_2, %dma_start3A_47] : memref<10000x128xf32, #tpu.memory_space<hbm>> -> memref<624x128xf32, #tpu.memory_space<hbm>>
      tpu.enqueue_dma source(%dma_start3A_48 : memref<624x128xf32, #tpu.memory_space<hbm>>) target(%dma_start3A_46 : memref<624x128xf32, #tpu.memory_space<vmem_shared>>) target_semaphore(%run_scoped3A : memref<!tpu.dma_semaphore, #tpu.memory_space<semaphore_mem>>)
      %dma_wait3A = arith.constant 0 : i32
      %dma_wait3A_49 = tpu.memref_slice %arg9[%mul3A_2, %dma_wait3A] : memref<10008x128xf32, #tpu.memory_space<vmem_shared>> -> memref<624x128xf32, #tpu.memory_space<vmem_shared>>
      %dma_wait3A_50 = arith.constant 0 : i32
      %dma_wait3A_51 = tpu.memref_slice %arg4[%mul3A_2, %dma_wait3A_50] : memref<10000x128xf32, #tpu.memory_space<hbm>> -> memref<624x128xf32, #tpu.memory_space<hbm>>
      tpu.wait_dma2 semaphore(%run_scoped3A : memref<!tpu.dma_semaphore, #tpu.memory_space<semaphore_mem>>) src(%dma_wait3A_51 : memref<624x128xf32, #tpu.memory_space<hbm>>) dst(%dma_wait3A_49 : memref<624x128xf32, #tpu.memory_space<vmem_shared>>)
      tpu.yield
    }) : () -> ()
    %eq3A = arith.constant 0 : i32
    %eq3A_3 = arith.cmpi eq, %arg1, %eq3A : i32
    %convert_element_type3A = arith.extui %eq3A_3 : i1 to i32
    %cond3A = arith.constant 0 : i32
    %cond3A_4 = arith.cmpi ne, %convert_element_type3A, %cond3A : i32
    scf.if %cond3A_4 {
      "tpu.region"() ({
        %run_scoped3A = tpu.sem_alloc : memref<!tpu.dma_semaphore, #tpu.memory_space<semaphore_mem>>
        %dma_start3A_45 = arith.constant 9984 : i32
        %dma_start3A_46 = arith.constant 0 : i32
        %dma_start3A_47 = tpu.memref_slice %arg9[%dma_start3A_45, %dma_start3A_46] : memref<10008x128xf32, #tpu.memory_space<vmem_shared>> -> memref<16x128xf32, #tpu.memory_space<vmem_shared>>
        %dma_start3A_48 = arith.constant 9984 : i32
        %dma_start3A_49 = arith.constant 0 : i32
        %dma_start3A_50 = tpu.memref_slice %arg4[%dma_start3A_48, %dma_start3A_49] : memref<10000x128xf32, #tpu.memory_space<hbm>> -> memref<16x128xf32, #tpu.memory_space<hbm>>
        tpu.enqueue_dma source(%dma_start3A_50 : memref<16x128xf32, #tpu.memory_space<hbm>>) target(%dma_start3A_47 : memref<16x128xf32, #tpu.memory_space<vmem_shared>>) target_semaphore(%run_scoped3A : memref<!tpu.dma_semaphore, #tpu.memory_space<semaphore_mem>>)
        %dma_wait3A = arith.constant 9984 : i32
        %dma_wait3A_51 = arith.constant 0 : i32
        %dma_wait3A_52 = tpu.memref_slice %arg9[%dma_wait3A, %dma_wait3A_51] : memref<10008x128xf32, #tpu.memory_space<vmem_shared>> -> memref<16x128xf32, #tpu.memory_space<vmem_shared>>
        %dma_wait3A_53 = arith.constant 9984 : i32
        %dma_wait3A_54 = arith.constant 0 : i32
        %dma_wait3A_55 = tpu.memref_slice %arg4[%dma_wait3A_53, %dma_wait3A_54] : memref<10000x128xf32, #tpu.memory_space<hbm>> -> memref<16x128xf32, #tpu.memory_space<hbm>>
        tpu.wait_dma2 semaphore(%run_scoped3A : memref<!tpu.dma_semaphore, #tpu.memory_space<semaphore_mem>>) src(%dma_wait3A_55 : memref<16x128xf32, #tpu.memory_space<hbm>>) dst(%dma_wait3A_52 : memref<16x128xf32, #tpu.memory_space<vmem_shared>>)
        tpu.yield
      }) : () -> ()
    } else {
    }
    %barrier3A = arith.constant 0 : index
    tpu.barrier barrier_id(%barrier3A)
    %mul3A_5 = arith.constant 2 : i32
    %mul3A_6 = arith.muli %add3A, %mul3A_5 : i32
    %add3A_7 = arith.constant 0 : i32
    %add3A_8 = arith.addi %mul3A_6, %add3A_7 : i32
    %mul3A_9 = arith.constant 80 : i32
    %mul3A_10 = arith.muli %add3A_8, %mul3A_9 : i32
    "tpu.region"() ({
      %run_scoped3A = tpu.sem_alloc : memref<!tpu.dma_semaphore, #tpu.memory_space<semaphore_mem>>
      %dma_start3A_45 = arith.constant 0 : i32
      %dma_start3A_46 = tpu.memref_slice %arg3[%mul3A_10, %dma_start3A_45] : memref<5120x128xi32, #tpu.memory_space<hbm>> -> memref<80x128xi32, #tpu.memory_space<hbm>>
      %dma_start3A_47 = arith.constant 0 : i32
      %dma_start3A_48 = tpu.memref_slice %arg3[%mul3A_10, %dma_start3A_47] : memref<5120x128xi32, #tpu.memory_space<hbm>> -> memref<80x128xi32, #tpu.memory_space<hbm>>
      tpu.enqueue_dma source(%dma_start3A_48 : memref<80x128xi32, #tpu.memory_space<hbm>>) target(%arg6 : memref<80x128xi32, #tpu.memory_space<vmem>>) target_semaphore(%run_scoped3A : memref<!tpu.dma_semaphore, #tpu.memory_space<semaphore_mem>>)
      %dma_wait3A = arith.constant 0 : i32
      %dma_wait3A_49 = tpu.memref_slice %arg3[%mul3A_10, %dma_wait3A] : memref<5120x128xi32, #tpu.memory_space<hbm>> -> memref<80x128xi32, #tpu.memory_space<hbm>>
      %dma_wait3A_50 = arith.constant 0 : i32
      %dma_wait3A_51 = tpu.memref_slice %arg3[%mul3A_10, %dma_wait3A_50] : memref<5120x128xi32, #tpu.memory_space<hbm>> -> memref<80x128xi32, #tpu.memory_space<hbm>>
      tpu.wait_dma2 semaphore(%run_scoped3A : memref<!tpu.dma_semaphore, #tpu.memory_space<semaphore_mem>>) src(%dma_wait3A_51 : memref<80x128xi32, #tpu.memory_space<hbm>>) dst(%arg6 : memref<80x128xi32, #tpu.memory_space<vmem>>)
      tpu.yield
    }) : () -> ()
    %dma_start3A = arith.constant 0 : i32
    %dma_start3A_11 = arith.constant 0 : i32
    %dma_start3A_12 = tpu.memref_slice %arg6[%dma_start3A, %dma_start3A_11] : memref<80x128xi32, #tpu.memory_space<vmem>> -> memref<1x128xi32, #tpu.memory_space<vmem>>
    %dma_start3A_13 = tpu.memref_squeeze %dma_start3A_12 : memref<1x128xi32, #tpu.memory_space<vmem>> -> memref<128xi32, #tpu.memory_space<vmem>>
    %dma_start3A_14 = arith.constant 0 : i32
    %dma_start3A_15 = arith.constant 0 : i32
    %dma_start3A_16 = tpu.memref_slice %arg2[%dma_start3A_14, %dma_start3A_15] : memref<10000x128xf32, #tpu.memory_space<hbm>> -> memref<10000x128xf32, #tpu.memory_space<hbm>>
    tpu.enqueue_indirect_dma source(%dma_start3A_16 : memref<10000x128xf32, #tpu.memory_space<hbm>>) target(%arg7 : memref<128x128xf32, #tpu.memory_space<vmem>>) offsets(%dma_start3A_13 : memref<128xi32, #tpu.memory_space<vmem>>) semaphore(%arg10 : memref<!tpu.dma_semaphore, #tpu.memory_space<semaphore_mem>>)
    %scan3A = arith.constant 0 : i32
    %scan3A_17 = arith.constant 20 : i32
    %scan3A_18 = arith.addi %scan3A, %scan3A_17 : i32
    %scan3A_19 = arith.constant 1 : i32
    scf.for %scan3A_45 = %scan3A to %scan3A_18 step %scan3A_19  : i32 {
      %mul3A_46 = arith.constant 2 : i32
      %mul3A_47 = arith.muli %scan3A_45, %mul3A_46 : i32
      %add3A_48 = arith.constant 0 : i32
      %add3A_49 = arith.addi %add3A_48, %mul3A_47 : i32
      %add3A_50 = arith.constant 1 : i32
      %add3A_51 = arith.addi %add3A_49, %add3A_50 : i32
      %mul3A_52 = arith.constant 2 : i32
      %mul3A_53 = arith.muli %mul3A_52, %add3A_51 : i32
      %dma_start3A_54 = arith.constant 0 : i32
      %dma_start3A_55 = tpu.memref_slice %arg6[%mul3A_53, %dma_start3A_54] : memref<80x128xi32, #tpu.memory_space<vmem>> -> memref<1x128xi32, #tpu.memory_space<vmem>>
      %dma_start3A_56 = tpu.memref_squeeze %dma_start3A_55 : memref<1x128xi32, #tpu.memory_space<vmem>> -> memref<128xi32, #tpu.memory_space<vmem>>
      %dma_start3A_57 = arith.constant 0 : i32
      %dma_start3A_58 = arith.constant 0 : i32
      %dma_start3A_59 = tpu.memref_slice %arg2[%dma_start3A_57, %dma_start3A_58] : memref<10000x128xf32, #tpu.memory_space<hbm>> -> memref<10000x128xf32, #tpu.memory_space<hbm>>
      tpu.enqueue_indirect_dma source(%dma_start3A_59 : memref<10000x128xf32, #tpu.memory_space<hbm>>) target(%arg8 : memref<128x128xf32, #tpu.memory_space<vmem>>) offsets(%dma_start3A_56 : memref<128xi32, #tpu.memory_space<vmem>>) semaphore(%arg11 : memref<!tpu.dma_semaphore, #tpu.memory_space<semaphore_mem>>)
      %dma_wait3A = arith.constant 0 : i32
      %dma_wait3A_60 = arith.constant 0 : i32
      %dma_wait3A_61 = tpu.memref_slice %arg2[%dma_wait3A, %dma_wait3A_60] : memref<10000x128xf32, #tpu.memory_space<hbm>> -> memref<128x128xf32, #tpu.memory_space<hbm>>
      %dma_wait3A_62 = arith.constant 0 : i32
      %dma_wait3A_63 = arith.constant 0 : i32
      %dma_wait3A_64 = tpu.memref_slice %arg2[%dma_wait3A_62, %dma_wait3A_63] : memref<10000x128xf32, #tpu.memory_space<hbm>> -> memref<128x128xf32, #tpu.memory_space<hbm>>
      tpu.wait_dma2 semaphore(%arg10 : memref<!tpu.dma_semaphore, #tpu.memory_space<semaphore_mem>>) src(%dma_wait3A_64 : memref<128x128xf32, #tpu.memory_space<hbm>>) dst(%arg7 : memref<128x128xf32, #tpu.memory_space<vmem>>)
      %mul3A_65 = arith.constant 2 : i32
      %mul3A_66 = arith.muli %mul3A_65, %add3A_49 : i32
      %add3A_67 = arith.constant 1 : i32
      %add3A_68 = arith.addi %mul3A_66, %add3A_67 : i32
      "tpu.region"() ({
        %run_scoped3A = tpu.sem_alloc : memref<!tpu.dma_semaphore, #tpu.memory_space<semaphore_mem>>
        %dma_start3A_87 = arith.constant 0 : i32
        %dma_start3A_88 = tpu.memref_slice %arg6[%add3A_68, %dma_start3A_87] : memref<80x128xi32, #tpu.memory_space<vmem>> -> memref<1x128xi32, #tpu.memory_space<vmem>>
        %dma_start3A_89 = tpu.memref_squeeze %dma_start3A_88 : memref<1x128xi32, #tpu.memory_space<vmem>> -> memref<128xi32, #tpu.memory_space<vmem>>
        %dma_start3A_90 = arith.constant 0 : i32
        %dma_start3A_91 = arith.constant 0 : i32
        %dma_start3A_92 = tpu.memref_slice %arg9[%dma_start3A_90, %dma_start3A_91] : memref<10008x128xf32, #tpu.memory_space<vmem_shared>> -> memref<10008x128xf32, #tpu.memory_space<vmem_shared>>
        tpu.enqueue_indirect_dma source(%arg7 : memref<128x128xf32, #tpu.memory_space<vmem>>) target(%dma_start3A_92 : memref<10008x128xf32, #tpu.memory_space<vmem_shared>>) offsets(%dma_start3A_89 : memref<128xi32, #tpu.memory_space<vmem>>) semaphore(%run_scoped3A : memref<!tpu.dma_semaphore, #tpu.memory_space<semaphore_mem>>) {add = true}
        %dma_wait3A_93 = arith.constant 0 : i32
        %dma_wait3A_94 = tpu.memref_slice %arg6[%add3A_68, %dma_wait3A_93] : memref<80x128xi32, #tpu.memory_space<vmem>> -> memref<1x128xi32, #tpu.memory_space<vmem>>
        %dma_wait3A_95 = tpu.memref_squeeze %dma_wait3A_94 : memref<1x128xi32, #tpu.memory_space<vmem>> -> memref<128xi32, #tpu.memory_space<vmem>>
        %dma_wait3A_96 = arith.constant 0 : i32
        %dma_wait3A_97 = arith.constant 0 : i32
        %dma_wait3A_98 = tpu.memref_slice %arg9[%dma_wait3A_96, %dma_wait3A_97] : memref<10008x128xf32, #tpu.memory_space<vmem_shared>> -> memref<10008x128xf32, #tpu.memory_space<vmem_shared>>
        tpu.wait_indirect_dma semaphore(%run_scoped3A : memref<!tpu.dma_semaphore, #tpu.memory_space<semaphore_mem>>) src(%arg7 : memref<128x128xf32, #tpu.memory_space<vmem>>) dst(%dma_wait3A_98 : memref<10008x128xf32, #tpu.memory_space<vmem_shared>>)
        tpu.yield
      }) : () -> ()
      %add3A_69 = arith.constant 2 : i32
      %add3A_70 = arith.addi %add3A_49, %add3A_69 : i32
      %lt3A = arith.constant 40 : i32
      %lt3A_71 = arith.cmpi slt, %add3A_70, %lt3A : i32
      %convert_element_type3A_72 = arith.extui %lt3A_71 : i1 to i32
      %cond3A_73 = arith.constant 0 : i32
      %cond3A_74 = arith.cmpi ne, %convert_element_type3A_72, %cond3A_73 : i32
      scf.if %cond3A_74 {
        %add3A_87 = arith.constant 2 : i32
        %add3A_88 = arith.addi %add3A_49, %add3A_87 : i32
        %mul3A_89 = arith.constant 2 : i32
        %mul3A_90 = arith.muli %mul3A_89, %add3A_88 : i32
        %dma_start3A_91 = arith.constant 0 : i32
        %dma_start3A_92 = tpu.memref_slice %arg6[%mul3A_90, %dma_start3A_91] : memref<80x128xi32, #tpu.memory_space<vmem>> -> memref<1x128xi32, #tpu.memory_space<vmem>>
        %dma_start3A_93 = tpu.memref_squeeze %dma_start3A_92 : memref<1x128xi32, #tpu.memory_space<vmem>> -> memref<128xi32, #tpu.memory_space<vmem>>
        %dma_start3A_94 = arith.constant 0 : i32
        %dma_start3A_95 = arith.constant 0 : i32
        %dma_start3A_96 = tpu.memref_slice %arg2[%dma_start3A_94, %dma_start3A_95] : memref<10000x128xf32, #tpu.memory_space<hbm>> -> memref<10000x128xf32, #tpu.memory_space<hbm>>
        tpu.enqueue_indirect_dma source(%dma_start3A_96 : memref<10000x128xf32, #tpu.memory_space<hbm>>) target(%arg7 : memref<128x128xf32, #tpu.memory_space<vmem>>) offsets(%dma_start3A_93 : memref<128xi32, #tpu.memory_space<vmem>>) semaphore(%arg10 : memref<!tpu.dma_semaphore, #tpu.memory_space<semaphore_mem>>)
      } else {
      }
      %dma_wait3A_75 = arith.constant 0 : i32
      %dma_wait3A_76 = arith.constant 0 : i32
      %dma_wait3A_77 = tpu.memref_slice %arg2[%dma_wait3A_75, %dma_wait3A_76] : memref<10000x128xf32, #tpu.memory_space<hbm>> -> memref<128x128xf32, #tpu.memory_space<hbm>>
      %dma_wait3A_78 = arith.constant 0 : i32
      %dma_wait3A_79 = arith.constant 0 : i32
      %dma_wait3A_80 = tpu.memref_slice %arg2[%dma_wait3A_78, %dma_wait3A_79] : memref<10000x128xf32, #tpu.memory_space<hbm>> -> memref<128x128xf32, #tpu.memory_space<hbm>>
      tpu.wait_dma2 semaphore(%arg11 : memref<!tpu.dma_semaphore, #tpu.memory_space<semaphore_mem>>) src(%dma_wait3A_80 : memref<128x128xf32, #tpu.memory_space<hbm>>) dst(%arg8 : memref<128x128xf32, #tpu.memory_space<vmem>>)
      %add3A_81 = arith.constant 1 : i32
      %add3A_82 = arith.addi %add3A_49, %add3A_81 : i32
      %mul3A_83 = arith.constant 2 : i32
      %mul3A_84 = arith.muli %mul3A_83, %add3A_82 : i32
      %add3A_85 = arith.constant 1 : i32
      %add3A_86 = arith.addi %mul3A_84, %add3A_85 : i32
      "tpu.region"() ({
        %run_scoped3A = tpu.sem_alloc : memref<!tpu.dma_semaphore, #tpu.memory_space<semaphore_mem>>
        %dma_start3A_87 = arith.constant 0 : i32
        %dma_start3A_88 = tpu.memref_slice %arg6[%add3A_86, %dma_start3A_87] : memref<80x128xi32, #tpu.memory_space<vmem>> -> memref<1x128xi32, #tpu.memory_space<vmem>>
        %dma_start3A_89 = tpu.memref_squeeze %dma_start3A_88 : memref<1x128xi32, #tpu.memory_space<vmem>> -> memref<128xi32, #tpu.memory_space<vmem>>
        %dma_start3A_90 = arith.constant 0 : i32
        %dma_start3A_91 = arith.constant 0 : i32
        %dma_start3A_92 = tpu.memref_slice %arg9[%dma_start3A_90, %dma_start3A_91] : memref<10008x128xf32, #tpu.memory_space<vmem_shared>> -> memref<10008x128xf32, #tpu.memory_space<vmem_shared>>
        tpu.enqueue_indirect_dma source(%arg8 : memref<128x128xf32, #tpu.memory_space<vmem>>) target(%dma_start3A_92 : memref<10008x128xf32, #tpu.memory_space<vmem_shared>>) offsets(%dma_start3A_89 : memref<128xi32, #tpu.memory_space<vmem>>) semaphore(%run_scoped3A : memref<!tpu.dma_semaphore, #tpu.memory_space<semaphore_mem>>) {add = true}
        %dma_wait3A_93 = arith.constant 0 : i32
        %dma_wait3A_94 = tpu.memref_slice %arg6[%add3A_86, %dma_wait3A_93] : memref<80x128xi32, #tpu.memory_space<vmem>> -> memref<1x128xi32, #tpu.memory_space<vmem>>
        %dma_wait3A_95 = tpu.memref_squeeze %dma_wait3A_94 : memref<1x128xi32, #tpu.memory_space<vmem>> -> memref<128xi32, #tpu.memory_space<vmem>>
        %dma_wait3A_96 = arith.constant 0 : i32
        %dma_wait3A_97 = arith.constant 0 : i32
        %dma_wait3A_98 = tpu.memref_slice %arg9[%dma_wait3A_96, %dma_wait3A_97] : memref<10008x128xf32, #tpu.memory_space<vmem_shared>> -> memref<10008x128xf32, #tpu.memory_space<vmem_shared>>
        tpu.wait_indirect_dma semaphore(%run_scoped3A : memref<!tpu.dma_semaphore, #tpu.memory_space<semaphore_mem>>) src(%arg8 : memref<128x128xf32, #tpu.memory_space<vmem>>) dst(%dma_wait3A_98 : memref<10008x128xf32, #tpu.memory_space<vmem_shared>>)
        tpu.yield
      }) : () -> ()
    }
    %scan3A_20 = arith.constant 20 : i32
    %mul3A_21 = arith.constant 2 : i32
    %mul3A_22 = arith.muli %add3A, %mul3A_21 : i32
    %add3A_23 = arith.constant 1 : i32
    %add3A_24 = arith.addi %mul3A_22, %add3A_23 : i32
    %mul3A_25 = arith.constant 80 : i32
    %mul3A_26 = arith.muli %add3A_24, %mul3A_25 : i32
    "tpu.region"() ({
      %run_scoped3A = tpu.sem_alloc : memref<!tpu.dma_semaphore, #tpu.memory_space<semaphore_mem>>
      %dma_start3A_45 = arith.constant 0 : i32
      %dma_start3A_46 = tpu.memref_slice %arg3[%mul3A_26, %dma_start3A_45] : memref<5120x128xi32, #tpu.memory_space<hbm>> -> memref<80x128xi32, #tpu.memory_space<hbm>>
      %dma_start3A_47 = arith.constant 0 : i32
      %dma_start3A_48 = tpu.memref_slice %arg3[%mul3A_26, %dma_start3A_47] : memref<5120x128xi32, #tpu.memory_space<hbm>> -> memref<80x128xi32, #tpu.memory_space<hbm>>
      tpu.enqueue_dma source(%dma_start3A_48 : memref<80x128xi32, #tpu.memory_space<hbm>>) target(%arg6 : memref<80x128xi32, #tpu.memory_space<vmem>>) target_semaphore(%run_scoped3A : memref<!tpu.dma_semaphore, #tpu.memory_space<semaphore_mem>>)
      %dma_wait3A = arith.constant 0 : i32
      %dma_wait3A_49 = tpu.memref_slice %arg3[%mul3A_26, %dma_wait3A] : memref<5120x128xi32, #tpu.memory_space<hbm>> -> memref<80x128xi32, #tpu.memory_space<hbm>>
      %dma_wait3A_50 = arith.constant 0 : i32
      %dma_wait3A_51 = tpu.memref_slice %arg3[%mul3A_26, %dma_wait3A_50] : memref<5120x128xi32, #tpu.memory_space<hbm>> -> memref<80x128xi32, #tpu.memory_space<hbm>>
      tpu.wait_dma2 semaphore(%run_scoped3A : memref<!tpu.dma_semaphore, #tpu.memory_space<semaphore_mem>>) src(%dma_wait3A_51 : memref<80x128xi32, #tpu.memory_space<hbm>>) dst(%arg6 : memref<80x128xi32, #tpu.memory_space<vmem>>)
      tpu.yield
    }) : () -> ()
    %dma_start3A_27 = arith.constant 0 : i32
    %dma_start3A_28 = arith.constant 0 : i32
    %dma_start3A_29 = tpu.memref_slice %arg6[%dma_start3A_27, %dma_start3A_28] : memref<80x128xi32, #tpu.memory_space<vmem>> -> memref<1x128xi32, #tpu.memory_space<vmem>>
    %dma_start3A_30 = tpu.memref_squeeze %dma_start3A_29 : memref<1x128xi32, #tpu.memory_space<vmem>> -> memref<128xi32, #tpu.memory_space<vmem>>
    %dma_start3A_31 = arith.constant 0 : i32
    %dma_start3A_32 = arith.constant 0 : i32
    %dma_start3A_33 = tpu.memref_slice %arg2[%dma_start3A_31, %dma_start3A_32] : memref<10000x128xf32, #tpu.memory_space<hbm>> -> memref<10000x128xf32, #tpu.memory_space<hbm>>
    tpu.enqueue_indirect_dma source(%dma_start3A_33 : memref<10000x128xf32, #tpu.memory_space<hbm>>) target(%arg7 : memref<128x128xf32, #tpu.memory_space<vmem>>) offsets(%dma_start3A_30 : memref<128xi32, #tpu.memory_space<vmem>>) semaphore(%arg10 : memref<!tpu.dma_semaphore, #tpu.memory_space<semaphore_mem>>)
    %scan3A_34 = arith.constant 0 : i32
    %scan3A_35 = arith.constant 20 : i32
    %scan3A_36 = arith.addi %scan3A_34, %scan3A_35 : i32
    %scan3A_37 = arith.constant 1 : i32
    scf.for %scan3A_45 = %scan3A_34 to %scan3A_36 step %scan3A_37  : i32 {
      %mul3A_46 = arith.constant 2 : i32
      %mul3A_47 = arith.muli %scan3A_45, %mul3A_46 : i32
      %add3A_48 = arith.constant 0 : i32
      %add3A_49 = arith.addi %add3A_48, %mul3A_47 : i32
      %add3A_50 = arith.constant 1 : i32
      %add3A_51 = arith.addi %add3A_49, %add3A_50 : i32
      %mul3A_52 = arith.constant 2 : i32
      %mul3A_53 = arith.muli %mul3A_52, %add3A_51 : i32
      %dma_start3A_54 = arith.constant 0 : i32
      %dma_start3A_55 = tpu.memref_slice %arg6[%mul3A_53, %dma_start3A_54] : memref<80x128xi32, #tpu.memory_space<vmem>> -> memref<1x128xi32, #tpu.memory_space<vmem>>
      %dma_start3A_56 = tpu.memref_squeeze %dma_start3A_55 : memref<1x128xi32, #tpu.memory_space<vmem>> -> memref<128xi32, #tpu.memory_space<vmem>>
      %dma_start3A_57 = arith.constant 0 : i32
      %dma_start3A_58 = arith.constant 0 : i32
      %dma_start3A_59 = tpu.memref_slice %arg2[%dma_start3A_57, %dma_start3A_58] : memref<10000x128xf32, #tpu.memory_space<hbm>> -> memref<10000x128xf32, #tpu.memory_space<hbm>>
      tpu.enqueue_indirect_dma source(%dma_start3A_59 : memref<10000x128xf32, #tpu.memory_space<hbm>>) target(%arg8 : memref<128x128xf32, #tpu.memory_space<vmem>>) offsets(%dma_start3A_56 : memref<128xi32, #tpu.memory_space<vmem>>) semaphore(%arg11 : memref<!tpu.dma_semaphore, #tpu.memory_space<semaphore_mem>>)
      %dma_wait3A = arith.constant 0 : i32
      %dma_wait3A_60 = arith.constant 0 : i32
      %dma_wait3A_61 = tpu.memref_slice %arg2[%dma_wait3A, %dma_wait3A_60] : memref<10000x128xf32, #tpu.memory_space<hbm>> -> memref<128x128xf32, #tpu.memory_space<hbm>>
      %dma_wait3A_62 = arith.constant 0 : i32
      %dma_wait3A_63 = arith.constant 0 : i32
      %dma_wait3A_64 = tpu.memref_slice %arg2[%dma_wait3A_62, %dma_wait3A_63] : memref<10000x128xf32, #tpu.memory_space<hbm>> -> memref<128x128xf32, #tpu.memory_space<hbm>>
      tpu.wait_dma2 semaphore(%arg10 : memref<!tpu.dma_semaphore, #tpu.memory_space<semaphore_mem>>) src(%dma_wait3A_64 : memref<128x128xf32, #tpu.memory_space<hbm>>) dst(%arg7 : memref<128x128xf32, #tpu.memory_space<vmem>>)
      %mul3A_65 = arith.constant 2 : i32
      %mul3A_66 = arith.muli %mul3A_65, %add3A_49 : i32
      %add3A_67 = arith.constant 1 : i32
      %add3A_68 = arith.addi %mul3A_66, %add3A_67 : i32
      "tpu.region"() ({
        %run_scoped3A = tpu.sem_alloc : memref<!tpu.dma_semaphore, #tpu.memory_space<semaphore_mem>>
        %dma_start3A_87 = arith.constant 0 : i32
        %dma_start3A_88 = tpu.memref_slice %arg6[%add3A_68, %dma_start3A_87] : memref<80x128xi32, #tpu.memory_space<vmem>> -> memref<1x128xi32, #tpu.memory_space<vmem>>
        %dma_start3A_89 = tpu.memref_squeeze %dma_start3A_88 : memref<1x128xi32, #tpu.memory_space<vmem>> -> memref<128xi32, #tpu.memory_space<vmem>>
        %dma_start3A_90 = arith.constant 0 : i32
        %dma_start3A_91 = arith.constant 0 : i32
        %dma_start3A_92 = tpu.memref_slice %arg9[%dma_start3A_90, %dma_start3A_91] : memref<10008x128xf32, #tpu.memory_space<vmem_shared>> -> memref<10008x128xf32, #tpu.memory_space<vmem_shared>>
        tpu.enqueue_indirect_dma source(%arg7 : memref<128x128xf32, #tpu.memory_space<vmem>>) target(%dma_start3A_92 : memref<10008x128xf32, #tpu.memory_space<vmem_shared>>) offsets(%dma_start3A_89 : memref<128xi32, #tpu.memory_space<vmem>>) semaphore(%run_scoped3A : memref<!tpu.dma_semaphore, #tpu.memory_space<semaphore_mem>>) {add = true}
        %dma_wait3A_93 = arith.constant 0 : i32
        %dma_wait3A_94 = tpu.memref_slice %arg6[%add3A_68, %dma_wait3A_93] : memref<80x128xi32, #tpu.memory_space<vmem>> -> memref<1x128xi32, #tpu.memory_space<vmem>>
        %dma_wait3A_95 = tpu.memref_squeeze %dma_wait3A_94 : memref<1x128xi32, #tpu.memory_space<vmem>> -> memref<128xi32, #tpu.memory_space<vmem>>
        %dma_wait3A_96 = arith.constant 0 : i32
        %dma_wait3A_97 = arith.constant 0 : i32
        %dma_wait3A_98 = tpu.memref_slice %arg9[%dma_wait3A_96, %dma_wait3A_97] : memref<10008x128xf32, #tpu.memory_space<vmem_shared>> -> memref<10008x128xf32, #tpu.memory_space<vmem_shared>>
        tpu.wait_indirect_dma semaphore(%run_scoped3A : memref<!tpu.dma_semaphore, #tpu.memory_space<semaphore_mem>>) src(%arg7 : memref<128x128xf32, #tpu.memory_space<vmem>>) dst(%dma_wait3A_98 : memref<10008x128xf32, #tpu.memory_space<vmem_shared>>)
        tpu.yield
      }) : () -> ()
      %add3A_69 = arith.constant 2 : i32
      %add3A_70 = arith.addi %add3A_49, %add3A_69 : i32
      %lt3A = arith.constant 40 : i32
      %lt3A_71 = arith.cmpi slt, %add3A_70, %lt3A : i32
      %convert_element_type3A_72 = arith.extui %lt3A_71 : i1 to i32
      %cond3A_73 = arith.constant 0 : i32
      %cond3A_74 = arith.cmpi ne, %convert_element_type3A_72, %cond3A_73 : i32
      scf.if %cond3A_74 {
        %add3A_87 = arith.constant 2 : i32
        %add3A_88 = arith.addi %add3A_49, %add3A_87 : i32
        %mul3A_89 = arith.constant 2 : i32
        %mul3A_90 = arith.muli %mul3A_89, %add3A_88 : i32
        %dma_start3A_91 = arith.constant 0 : i32
        %dma_start3A_92 = tpu.memref_slice %arg6[%mul3A_90, %dma_start3A_91] : memref<80x128xi32, #tpu.memory_space<vmem>> -> memref<1x128xi32, #tpu.memory_space<vmem>>
        %dma_start3A_93 = tpu.memref_squeeze %dma_start3A_92 : memref<1x128xi32, #tpu.memory_space<vmem>> -> memref<128xi32, #tpu.memory_space<vmem>>
        %dma_start3A_94 = arith.constant 0 : i32
        %dma_start3A_95 = arith.constant 0 : i32
        %dma_start3A_96 = tpu.memref_slice %arg2[%dma_start3A_94, %dma_start3A_95] : memref<10000x128xf32, #tpu.memory_space<hbm>> -> memref<10000x128xf32, #tpu.memory_space<hbm>>
        tpu.enqueue_indirect_dma source(%dma_start3A_96 : memref<10000x128xf32, #tpu.memory_space<hbm>>) target(%arg7 : memref<128x128xf32, #tpu.memory_space<vmem>>) offsets(%dma_start3A_93 : memref<128xi32, #tpu.memory_space<vmem>>) semaphore(%arg10 : memref<!tpu.dma_semaphore, #tpu.memory_space<semaphore_mem>>)
      } else {
      }
      %dma_wait3A_75 = arith.constant 0 : i32
      %dma_wait3A_76 = arith.constant 0 : i32
      %dma_wait3A_77 = tpu.memref_slice %arg2[%dma_wait3A_75, %dma_wait3A_76] : memref<10000x128xf32, #tpu.memory_space<hbm>> -> memref<128x128xf32, #tpu.memory_space<hbm>>
      %dma_wait3A_78 = arith.constant 0 : i32
      %dma_wait3A_79 = arith.constant 0 : i32
      %dma_wait3A_80 = tpu.memref_slice %arg2[%dma_wait3A_78, %dma_wait3A_79] : memref<10000x128xf32, #tpu.memory_space<hbm>> -> memref<128x128xf32, #tpu.memory_space<hbm>>
      tpu.wait_dma2 semaphore(%arg11 : memref<!tpu.dma_semaphore, #tpu.memory_space<semaphore_mem>>) src(%dma_wait3A_80 : memref<128x128xf32, #tpu.memory_space<hbm>>) dst(%arg8 : memref<128x128xf32, #tpu.memory_space<vmem>>)
      %add3A_81 = arith.constant 1 : i32
      %add3A_82 = arith.addi %add3A_49, %add3A_81 : i32
      %mul3A_83 = arith.constant 2 : i32
      %mul3A_84 = arith.muli %mul3A_83, %add3A_82 : i32
      %add3A_85 = arith.constant 1 : i32
      %add3A_86 = arith.addi %mul3A_84, %add3A_85 : i32
      "tpu.region"() ({
        %run_scoped3A = tpu.sem_alloc : memref<!tpu.dma_semaphore, #tpu.memory_space<semaphore_mem>>
        %dma_start3A_87 = arith.constant 0 : i32
        %dma_start3A_88 = tpu.memref_slice %arg6[%add3A_86, %dma_start3A_87] : memref<80x128xi32, #tpu.memory_space<vmem>> -> memref<1x128xi32, #tpu.memory_space<vmem>>
        %dma_start3A_89 = tpu.memref_squeeze %dma_start3A_88 : memref<1x128xi32, #tpu.memory_space<vmem>> -> memref<128xi32, #tpu.memory_space<vmem>>
        %dma_start3A_90 = arith.constant 0 : i32
        %dma_start3A_91 = arith.constant 0 : i32
        %dma_start3A_92 = tpu.memref_slice %arg9[%dma_start3A_90, %dma_start3A_91] : memref<10008x128xf32, #tpu.memory_space<vmem_shared>> -> memref<10008x128xf32, #tpu.memory_space<vmem_shared>>
        tpu.enqueue_indirect_dma source(%arg8 : memref<128x128xf32, #tpu.memory_space<vmem>>) target(%dma_start3A_92 : memref<10008x128xf32, #tpu.memory_space<vmem_shared>>) offsets(%dma_start3A_89 : memref<128xi32, #tpu.memory_space<vmem>>) semaphore(%run_scoped3A : memref<!tpu.dma_semaphore, #tpu.memory_space<semaphore_mem>>) {add = true}
        %dma_wait3A_93 = arith.constant 0 : i32
        %dma_wait3A_94 = tpu.memref_slice %arg6[%add3A_86, %dma_wait3A_93] : memref<80x128xi32, #tpu.memory_space<vmem>> -> memref<1x128xi32, #tpu.memory_space<vmem>>
        %dma_wait3A_95 = tpu.memref_squeeze %dma_wait3A_94 : memref<1x128xi32, #tpu.memory_space<vmem>> -> memref<128xi32, #tpu.memory_space<vmem>>
        %dma_wait3A_96 = arith.constant 0 : i32
        %dma_wait3A_97 = arith.constant 0 : i32
        %dma_wait3A_98 = tpu.memref_slice %arg9[%dma_wait3A_96, %dma_wait3A_97] : memref<10008x128xf32, #tpu.memory_space<vmem_shared>> -> memref<10008x128xf32, #tpu.memory_space<vmem_shared>>
        tpu.wait_indirect_dma semaphore(%run_scoped3A : memref<!tpu.dma_semaphore, #tpu.memory_space<semaphore_mem>>) src(%arg8 : memref<128x128xf32, #tpu.memory_space<vmem>>) dst(%dma_wait3A_98 : memref<10008x128xf32, #tpu.memory_space<vmem_shared>>)
        tpu.yield
      }) : () -> ()
    }
    %scan3A_38 = arith.constant 20 : i32
    %barrier3A_39 = arith.constant 0 : index
    tpu.barrier barrier_id(%barrier3A_39)
    "tpu.region"() ({
      %run_scoped3A = tpu.sem_alloc : memref<!tpu.dma_semaphore, #tpu.memory_space<semaphore_mem>>
      %dma_start3A_45 = arith.constant 0 : i32
      %dma_start3A_46 = tpu.memref_slice %arg5[%arg0, %mul3A_2, %dma_start3A_45] : memref<2x10000x128xf32, #tpu.memory_space<hbm>> -> memref<1x624x128xf32, #tpu.memory_space<hbm>>
      %dma_start3A_47 = tpu.memref_squeeze %dma_start3A_46 : memref<1x624x128xf32, #tpu.memory_space<hbm>> -> memref<624x128xf32, #tpu.memory_space<hbm>>
      %dma_start3A_48 = arith.constant 0 : i32
      %dma_start3A_49 = tpu.memref_slice %arg9[%mul3A_2, %dma_start3A_48] : memref<10008x128xf32, #tpu.memory_space<vmem_shared>> -> memref<624x128xf32, #tpu.memory_space<vmem_shared>>
      tpu.enqueue_dma source(%dma_start3A_49 : memref<624x128xf32, #tpu.memory_space<vmem_shared>>) target(%dma_start3A_47 : memref<624x128xf32, #tpu.memory_space<hbm>>) target_semaphore(%run_scoped3A : memref<!tpu.dma_semaphore, #tpu.memory_space<semaphore_mem>>)
      %dma_wait3A = arith.constant 0 : i32
      %dma_wait3A_50 = tpu.memref_slice %arg5[%arg0, %mul3A_2, %dma_wait3A] : memref<2x10000x128xf32, #tpu.memory_space<hbm>> -> memref<1x624x128xf32, #tpu.memory_space<hbm>>
      %dma_wait3A_51 = tpu.memref_squeeze %dma_wait3A_50 : memref<1x624x128xf32, #tpu.memory_space<hbm>> -> memref<624x128xf32, #tpu.memory_space<hbm>>
      %dma_wait3A_52 = arith.constant 0 : i32
      %dma_wait3A_53 = tpu.memref_slice %arg9[%mul3A_2, %dma_wait3A_52] : memref<10008x128xf32, #tpu.memory_space<vmem_shared>> -> memref<624x128xf32, #tpu.memory_space<vmem_shared>>
      tpu.wait_dma2 semaphore(%run_scoped3A : memref<!tpu.dma_semaphore, #tpu.memory_space<semaphore_mem>>) src(%dma_wait3A_53 : memref<624x128xf32, #tpu.memory_space<vmem_shared>>) dst(%dma_wait3A_51 : memref<624x128xf32, #tpu.memory_space<hbm>>)
      tpu.yield
    }) : () -> ()
    %eq3A_40 = arith.constant 0 : i32
    %eq3A_41 = arith.cmpi eq, %arg1, %eq3A_40 : i32
    %convert_element_type3A_42 = arith.extui %eq3A_41 : i1 to i32
    %cond3A_43 = arith.constant 0 : i32
    %cond3A_44 = arith.cmpi ne, %convert_element_type3A_42, %cond3A_43 : i32
    scf.if %cond3A_44 {
      "tpu.region"() ({
        %run_scoped3A = tpu.sem_alloc : memref<!tpu.dma_semaphore, #tpu.memory_space<semaphore_mem>>
        %dma_start3A_45 = arith.constant 9984 : i32
        %dma_start3A_46 = arith.constant 0 : i32
        %dma_start3A_47 = tpu.memref_slice %arg5[%arg0, %dma_start3A_45, %dma_start3A_46] : memref<2x10000x128xf32, #tpu.memory_space<hbm>> -> memref<1x16x128xf32, #tpu.memory_space<hbm>>
        %dma_start3A_48 = tpu.memref_squeeze %dma_start3A_47 : memref<1x16x128xf32, #tpu.memory_space<hbm>> -> memref<16x128xf32, #tpu.memory_space<hbm>>
        %dma_start3A_49 = arith.constant 9984 : i32
        %dma_start3A_50 = arith.constant 0 : i32
        %dma_start3A_51 = tpu.memref_slice %arg9[%dma_start3A_49, %dma_start3A_50] : memref<10008x128xf32, #tpu.memory_space<vmem_shared>> -> memref<16x128xf32, #tpu.memory_space<vmem_shared>>
        tpu.enqueue_dma source(%dma_start3A_51 : memref<16x128xf32, #tpu.memory_space<vmem_shared>>) target(%dma_start3A_48 : memref<16x128xf32, #tpu.memory_space<hbm>>) target_semaphore(%run_scoped3A : memref<!tpu.dma_semaphore, #tpu.memory_space<semaphore_mem>>)
        %dma_wait3A = arith.constant 9984 : i32
        %dma_wait3A_52 = arith.constant 0 : i32
        %dma_wait3A_53 = tpu.memref_slice %arg5[%arg0, %dma_wait3A, %dma_wait3A_52] : memref<2x10000x128xf32, #tpu.memory_space<hbm>> -> memref<1x16x128xf32, #tpu.memory_space<hbm>>
        %dma_wait3A_54 = tpu.memref_squeeze %dma_wait3A_53 : memref<1x16x128xf32, #tpu.memory_space<hbm>> -> memref<16x128xf32, #tpu.memory_space<hbm>>
        %dma_wait3A_55 = arith.constant 9984 : i32
        %dma_wait3A_56 = arith.constant 0 : i32
        %dma_wait3A_57 = tpu.memref_slice %arg9[%dma_wait3A_55, %dma_wait3A_56] : memref<10008x128xf32, #tpu.memory_space<vmem_shared>> -> memref<16x128xf32, #tpu.memory_space<vmem_shared>>
        tpu.wait_dma2 semaphore(%run_scoped3A : memref<!tpu.dma_semaphore, #tpu.memory_space<semaphore_mem>>) src(%dma_wait3A_57 : memref<16x128xf32, #tpu.memory_space<vmem_shared>>) dst(%dma_wait3A_54 : memref<16x128xf32, #tpu.memory_space<hbm>>)
        tpu.yield
      }) : () -> ()
    } else {
    }
    return
  }
}

#map = affine_map<(d0, d1) -> (0)>
#map1 = affine_map<(d0, d1) -> (0, 0)>
module attributes {stable_mosaic.version = 14 : i64} {
  func.func @_sc_agg1_body(%arg0: i32, %arg1: i32, %arg2: memref<10240xf32, #tpu.memory_space<hbm>>, %arg3: memref<5120x128xi32, #tpu.memory_space<hbm>>, %arg4: memref<327680xf32, #tpu.memory_space<hbm>>, %arg5: memref<160x128xi32, #tpu.memory_space<vmem>>, %arg6: memref<10240xf32, #tpu.memory_space<vmem>>, %arg7: memref<10240xf32, #tpu.memory_space<vmem>>) attributes {dimension_semantics = [#tpu.dimension_semantics<core_parallel>, #tpu.dimension_semantics<subcore_parallel>], iteration_bounds = array<i64: 2, 16>, scalar_prefetch = 0 : i64, scratch_operands = 3 : i64, tpu.core_type = #tpu.core_type<sc_vector_subcore>, window_params = [{transform_indices = #map}, {transform_indices = #map1}, {transform_indices = #map}]} {
    %mul3A = arith.constant 16 : i32
    %mul3A_0 = arith.muli %arg0, %mul3A : i32
    %add3A = arith.addi %mul3A_0, %arg1 : i32
    %mul3A_1 = arith.constant 2 : i32
    %mul3A_2 = arith.muli %add3A, %mul3A_1 : i32
    %mul3A_3 = arith.constant 80 : i32
    %mul3A_4 = arith.muli %mul3A_2, %mul3A_3 : i32
    "tpu.region"() ({
      %run_scoped3A = tpu.sem_alloc : memref<!tpu.dma_semaphore, #tpu.memory_space<semaphore_mem>>
      %dma_start3A = arith.constant 0 : i32
      %dma_start3A_16 = tpu.memref_slice %arg3[%mul3A_4, %dma_start3A] : memref<5120x128xi32, #tpu.memory_space<hbm>> -> memref<160x128xi32, #tpu.memory_space<hbm>>
      %dma_start3A_17 = arith.constant 0 : i32
      %dma_start3A_18 = tpu.memref_slice %arg3[%mul3A_4, %dma_start3A_17] : memref<5120x128xi32, #tpu.memory_space<hbm>> -> memref<160x128xi32, #tpu.memory_space<hbm>>
      tpu.enqueue_dma source(%dma_start3A_18 : memref<160x128xi32, #tpu.memory_space<hbm>>) target(%arg5 : memref<160x128xi32, #tpu.memory_space<vmem>>) target_semaphore(%run_scoped3A : memref<!tpu.dma_semaphore, #tpu.memory_space<semaphore_mem>>)
      %dma_wait3A = arith.constant 0 : i32
      %dma_wait3A_19 = tpu.memref_slice %arg3[%mul3A_4, %dma_wait3A] : memref<5120x128xi32, #tpu.memory_space<hbm>> -> memref<160x128xi32, #tpu.memory_space<hbm>>
      %dma_wait3A_20 = arith.constant 0 : i32
      %dma_wait3A_21 = tpu.memref_slice %arg3[%mul3A_4, %dma_wait3A_20] : memref<5120x128xi32, #tpu.memory_space<hbm>> -> memref<160x128xi32, #tpu.memory_space<hbm>>
      tpu.wait_dma2 semaphore(%run_scoped3A : memref<!tpu.dma_semaphore, #tpu.memory_space<semaphore_mem>>) src(%dma_wait3A_21 : memref<160x128xi32, #tpu.memory_space<hbm>>) dst(%arg5 : memref<160x128xi32, #tpu.memory_space<vmem>>)
      tpu.yield
    }) : () -> ()
    "tpu.region"() ({
      %run_scoped3A = tpu.sem_alloc : memref<!tpu.dma_semaphore, #tpu.memory_space<semaphore_mem>>
      tpu.enqueue_dma source(%arg2 : memref<10240xf32, #tpu.memory_space<hbm>>) target(%arg6 : memref<10240xf32, #tpu.memory_space<vmem>>) target_semaphore(%run_scoped3A : memref<!tpu.dma_semaphore, #tpu.memory_space<semaphore_mem>>)
      tpu.wait_dma2 semaphore(%run_scoped3A : memref<!tpu.dma_semaphore, #tpu.memory_space<semaphore_mem>>) src(%arg2 : memref<10240xf32, #tpu.memory_space<hbm>>) dst(%arg6 : memref<10240xf32, #tpu.memory_space<vmem>>)
      tpu.yield
    }) : () -> ()
    %scan3A = arith.constant 0 : i32
    %scan3A_5 = arith.constant 640 : i32
    %scan3A_6 = arith.addi %scan3A, %scan3A_5 : i32
    %scan3A_7 = arith.constant 1 : i32
    scf.for %scan3A_16 = %scan3A to %scan3A_6 step %scan3A_7  : i32 {
      %mul3A_17 = arith.constant 16 : i32
      %mul3A_18 = arith.muli %scan3A_16, %mul3A_17 : i32
      %add3A_19 = arith.constant 0 : i32
      %add3A_20 = arith.addi %add3A_19, %mul3A_18 : i32
      %broadcast_in_dim3A = arith.constant 0.000000e+00 : f32
      %broadcast_in_dim3A_21 = vector.broadcast %broadcast_in_dim3A : f32 to vector<16xf32>
      %swap3A = arith.index_cast %add3A_20 : i32 to index
      %swap3A_22 = tpu.vector_load %arg7[%swap3A] {strides = array<i32>} : memref<10240xf32, #tpu.memory_space<vmem>>, vector<16xf32>,
      tpu.vector_store %arg7[%swap3A], %broadcast_in_dim3A_21 {strides = array<i32>} : memref<10240xf32, #tpu.memory_space<vmem>>, vector<16xf32>,
    }
    %scan3A_8 = arith.constant 640 : i32
    %scan3A_9 = arith.constant 0 : i32
    %scan3A_10 = arith.constant 80 : i32
    %scan3A_11 = arith.addi %scan3A_9, %scan3A_10 : i32
    %scan3A_12 = arith.constant 1 : i32
    scf.for %scan3A_16 = %scan3A_9 to %scan3A_11 step %scan3A_12  : i32 {
      %mul3A_17 = arith.constant 1 : i32
      %mul3A_18 = arith.muli %scan3A_16, %mul3A_17 : i32
      %add3A_19 = arith.constant 0 : i32
      %add3A_20 = arith.addi %add3A_19, %mul3A_18 : i32
      %scan3A_21 = arith.constant 0 : i32
      %scan3A_22 = arith.constant 8 : i32
      %scan3A_23 = arith.addi %scan3A_21, %scan3A_22 : i32
      %scan3A_24 = arith.constant 1 : i32
      scf.for %scan3A_26 = %scan3A_21 to %scan3A_23 step %scan3A_24  : i32 {
        %mul3A_27 = arith.constant 16 : i32
        %mul3A_28 = arith.muli %scan3A_26, %mul3A_27 : i32
        %add3A_29 = arith.constant 0 : i32
        %add3A_30 = arith.addi %add3A_29, %mul3A_28 : i32
        %mul3A_31 = arith.constant 2 : i32
        %mul3A_32 = arith.muli %mul3A_31, %add3A_20 : i32
        %get3A = arith.index_cast %mul3A_32 : i32 to index
        %get3A_33 = arith.index_cast %add3A_30 : i32 to index
        %get3A_34 = tpu.vector_load %arg5[%get3A, %get3A_33] {strides = array<i32>} : memref<160x128xi32, #tpu.memory_space<vmem>>, vector<16xi32>,
        %mul3A_35 = arith.constant 2 : i32
        %mul3A_36 = arith.muli %mul3A_35, %add3A_20 : i32
        %add3A_37 = arith.constant 1 : i32
        %add3A_38 = arith.addi %mul3A_36, %add3A_37 : i32
        %get3A_39 = arith.index_cast %add3A_38 : i32 to index
        %get3A_40 = arith.index_cast %add3A_30 : i32 to index
        %get3A_41 = tpu.vector_load %arg5[%get3A_39, %get3A_40] {strides = array<i32>} : memref<160x128xi32, #tpu.memory_space<vmem>>, vector<16xi32>,
        %gather3A = tpu.vector_load_idx %arg6[%get3A_34] : memref<10240xf32, #tpu.memory_space<vmem>>[vector<16xi32>], vector<16xf32>,
        tpu.vector_store_idx %arg7[%get3A_41], %gather3A {add = true} : memref<10240xf32, #tpu.memory_space<vmem>>[vector<16xi32>], vector<16xf32>,
      }
      %scan3A_25 = arith.constant 8 : i32
    }
    %scan3A_13 = arith.constant 80 : i32
    %mul3A_14 = arith.constant 10240 : i32
    %mul3A_15 = arith.muli %add3A, %mul3A_14 : i32
    "tpu.region"() ({
      %run_scoped3A = tpu.sem_alloc : memref<!tpu.dma_semaphore, #tpu.memory_space<semaphore_mem>>
      %dma_start3A = tpu.memref_slice %arg4[%mul3A_15] : memref<327680xf32, #tpu.memory_space<hbm>> -> memref<10240xf32, #tpu.memory_space<hbm>>
      %dma_start3A_16 = tpu.memref_slice %arg4[%mul3A_15] : memref<327680xf32, #tpu.memory_space<hbm>> -> memref<10240xf32, #tpu.memory_space<hbm>>
      tpu.enqueue_dma source(%arg7 : memref<10240xf32, #tpu.memory_space<vmem>>) target(%dma_start3A_16 : memref<10240xf32, #tpu.memory_space<hbm>>) target_semaphore(%run_scoped3A : memref<!tpu.dma_semaphore, #tpu.memory_space<semaphore_mem>>)
      %dma_wait3A = tpu.memref_slice %arg4[%mul3A_15] : memref<327680xf32, #tpu.memory_space<hbm>> -> memref<10240xf32, #tpu.memory_space<hbm>>
      %dma_wait3A_17 = tpu.memref_slice %arg4[%mul3A_15] : memref<327680xf32, #tpu.memory_space<hbm>> -> memref<10240xf32, #tpu.memory_space<hbm>>
      tpu.wait_dma2 semaphore(%run_scoped3A : memref<!tpu.dma_semaphore, #tpu.memory_space<semaphore_mem>>) src(%arg7 : memref<10240xf32, #tpu.memory_space<vmem>>) dst(%dma_wait3A_17 : memref<10240xf32, #tpu.memory_space<hbm>>)
      tpu.yield
    }) : () -> ()
    return
  }
}

module attributes {stable_mosaic.version = 14 : i64} {
  func.func @_mm_plain_body(%arg0: i32, %arg1: memref<2000x128xf32, #tpu.memory_space<vmem>>, %arg2: memref<128x128xf32, #tpu.memory_space<vmem>>, %arg3: memref<2000x128xf32, #tpu.memory_space<vmem>>) attributes {dimension_semantics = [#tpu.dimension_semantics<arbitrary>], iteration_bounds = array<i64: 5>, scalar_prefetch = 0 : i64, scratch_operands = 0 : i64, tpu.core_type = #tpu.core_type<tc>, window_params = [{transform_indices = @transform_0, window_bounds = array<i64: 2000, 128>}, {pipeline_mode = #tpu.pipeline_mode<synchronous>, transform_indices = @transform_1, window_bounds = array<i64: 128, 128>}, {transform_indices = @transform_2, window_bounds = array<i64: 2000, 128>}]} {
    %get3A = arith.constant 0 : index
    %get3A_0 = arith.constant 0 : index
    %get3A_1 = vector.load %arg1[%get3A, %get3A_0] : memref<2000x128xf32, #tpu.memory_space<vmem>>, vector<2000x128xf32>
    %get3A_2 = arith.constant 0 : index
    %get3A_3 = arith.constant 0 : index
    %get3A_4 = vector.load %arg2[%get3A_2, %get3A_3] : memref<128x128xf32, #tpu.memory_space<vmem>>, vector<128x128xf32>
    %dot_general3A = arith.constant dense<0.000000e+00> : vector<2000x128xf32>
    %dot_general3A_5 = tpu.matmul %get3A_1, %get3A_4, %dot_general3A {dimension_numbers = #tpu.dot_dimension_numbers<[1], [0], [0], [1], [0, 0, 1, 1], [], []>, transpose_lhs_hint = false} : vector<2000x128xf32>, vector<128x128xf32>, vector<2000x128xf32> -> vector<2000x128xf32>
    %swap3A = arith.constant 0 : index
    %swap3A_6 = arith.constant 0 : index
    %swap3A_7 = vector.load %arg3[%swap3A, %swap3A_6] : memref<2000x128xf32, #tpu.memory_space<vmem>>, vector<2000x128xf32>
    tpu.vector_store %arg3[%swap3A, %swap3A_6], %dot_general3A_5 {strides = array<i32>} : memref<2000x128xf32, #tpu.memory_space<vmem>>, vector<2000x128xf32>,
    return
  }
  func.func @transform_0(%arg0: i32) -> (i32, i32) {
    %c0_i32 = arith.constant 0 : i32
    %c0_i32_0 = arith.constant 0 : i32
    return %arg0, %c0_i32 : i32, i32
  }
  func.func @transform_1(%arg0: i32) -> (i32, i32) {
    %c0_i32 = arith.constant 0 : i32
    %c0_i32_0 = arith.constant 0 : i32
    %c0_i32_1 = arith.constant 0 : i32
    return %c0_i32, %c0_i32_0 : i32, i32
  }
  func.func @transform_2(%arg0: i32) -> (i32, i32) {
    %c0_i32 = arith.constant 0 : i32
    %c0_i32_0 = arith.constant 0 : i32
    return %arg0, %c0_i32 : i32, i32
  }
}

module attributes {stable_mosaic.version = 14 : i64} {
  func.func @_mm_fused_body(%arg0: i32, %arg1: memref<2x2000x128xf32, #tpu.memory_space<vmem>>, %arg2: memref<1x128xf32, #tpu.memory_space<vmem>>, %arg3: memref<128x128xf32, #tpu.memory_space<vmem>>, %arg4: memref<2000x128xf32, #tpu.memory_space<vmem>>) attributes {dimension_semantics = [#tpu.dimension_semantics<arbitrary>], iteration_bounds = array<i64: 5>, scalar_prefetch = 0 : i64, scratch_operands = 0 : i64, tpu.core_type = #tpu.core_type<tc>, window_params = [{transform_indices = @transform_0, window_bounds = array<i64: 2, 2000, 128>}, {pipeline_mode = #tpu.pipeline_mode<synchronous>, transform_indices = @transform_1, window_bounds = array<i64: 1, 128>}, {pipeline_mode = #tpu.pipeline_mode<synchronous>, transform_indices = @transform_2, window_bounds = array<i64: 128, 128>}, {transform_indices = @transform_3, window_bounds = array<i64: 2000, 128>}]} {
    %get3A = arith.constant 0 : index
    %get3A_0 = arith.constant 0 : index
    %get3A_1 = arith.constant 0 : index
    %get3A_2 = vector.load %arg1[%get3A, %get3A_0, %get3A_1] : memref<2x2000x128xf32, #tpu.memory_space<vmem>>, vector<1x2000x128xf32>
    %get3A_3 = vector.shape_cast %get3A_2 : vector<1x2000x128xf32> to vector<2000x128xf32>
    %get3A_4 = arith.constant 1 : index
    %get3A_5 = arith.constant 0 : index
    %get3A_6 = arith.constant 0 : index
    %get3A_7 = vector.load %arg1[%get3A_4, %get3A_5, %get3A_6] : memref<2x2000x128xf32, #tpu.memory_space<vmem>>, vector<1x2000x128xf32>
    %get3A_8 = vector.shape_cast %get3A_7 : vector<1x2000x128xf32> to vector<2000x128xf32>
    %add3A = arith.addf %get3A_3, %get3A_8 : vector<2000x128xf32>
    %get3A_9 = arith.constant 0 : index
    %get3A_10 = arith.constant 0 : index
    %get3A_11 = vector.load %arg2[%get3A_9, %get3A_10] : memref<1x128xf32, #tpu.memory_space<vmem>>, vector<1x128xf32>
    %add3A_12 = vector.broadcast %get3A_11 : vector<1x128xf32> to vector<2000x128xf32>
    %add3A_13 = arith.addf %add3A, %add3A_12 : vector<2000x128xf32>
    %max3A = arith.constant 0.000000e+00 : f32
    %max3A_14 = vector.broadcast %max3A : f32 to vector<2000x128xf32>
    %max3A_15 = arith.maximumf %add3A_13, %max3A_14 : vector<2000x128xf32>
    %get3A_16 = arith.constant 0 : index
    %get3A_17 = arith.constant 0 : index
    %get3A_18 = vector.load %arg3[%get3A_16, %get3A_17] : memref<128x128xf32, #tpu.memory_space<vmem>>, vector<128x128xf32>
    %dot_general3A = arith.constant dense<0.000000e+00> : vector<2000x128xf32>
    %dot_general3A_19 = tpu.matmul %max3A_15, %get3A_18, %dot_general3A {dimension_numbers = #tpu.dot_dimension_numbers<[1], [0], [0], [1], [0, 0, 1, 1], [], []>, transpose_lhs_hint = false} : vector<2000x128xf32>, vector<128x128xf32>, vector<2000x128xf32> -> vector<2000x128xf32>
    %swap3A = arith.constant 0 : index
    %swap3A_20 = arith.constant 0 : index
    %swap3A_21 = vector.load %arg4[%swap3A, %swap3A_20] : memref<2000x128xf32, #tpu.memory_space<vmem>>, vector<2000x128xf32>
    tpu.vector_store %arg4[%swap3A, %swap3A_20], %dot_general3A_19 {strides = array<i32>} : memref<2000x128xf32, #tpu.memory_space<vmem>>, vector<2000x128xf32>,
    return
  }
  func.func @transform_0(%arg0: i32) -> (i32, i32, i32) {
    %c0_i32 = arith.constant 0 : i32
    %c0_i32_0 = arith.constant 0 : i32
    %c0_i32_1 = arith.constant 0 : i32
    return %c0_i32, %arg0, %c0_i32_0 : i32, i32, i32
  }
  func.func @transform_1(%arg0: i32) -> (i32, i32) {
    %c0_i32 = arith.constant 0 : i32
    %c0_i32_0 = arith.constant 0 : i32
    %c0_i32_1 = arith.constant 0 : i32
    return %c0_i32, %c0_i32_0 : i32, i32
  }
  func.func @transform_2(%arg0: i32) -> (i32, i32) {
    %c0_i32 = arith.constant 0 : i32
    %c0_i32_0 = arith.constant 0 : i32
    %c0_i32_1 = arith.constant 0 : i32
    return %c0_i32, %c0_i32_0 : i32, i32
  }
  func.func @transform_3(%arg0: i32) -> (i32, i32) {
    %c0_i32 = arith.constant 0 : i32
    %c0_i32_0 = arith.constant 0 : i32
    return %arg0, %c0_i32 : i32, i32
  }
}

module attributes {stable_mosaic.version = 14 : i64} {
  func.func @_mm_fused_body(%arg0: i32, %arg1: memref<2x2000x128xf32, #tpu.memory_space<vmem>>, %arg2: memref<1x128xf32, #tpu.memory_space<vmem>>, %arg3: memref<128x1xf32, #tpu.memory_space<vmem>>, %arg4: memref<2000x1xf32, #tpu.memory_space<vmem>>) attributes {dimension_semantics = [#tpu.dimension_semantics<arbitrary>], iteration_bounds = array<i64: 5>, scalar_prefetch = 0 : i64, scratch_operands = 0 : i64, tpu.core_type = #tpu.core_type<tc>, window_params = [{transform_indices = @transform_0, window_bounds = array<i64: 2, 2000, 128>}, {pipeline_mode = #tpu.pipeline_mode<synchronous>, transform_indices = @transform_1, window_bounds = array<i64: 1, 128>}, {pipeline_mode = #tpu.pipeline_mode<synchronous>, transform_indices = @transform_2, window_bounds = array<i64: 128, 1>}, {transform_indices = @transform_3, window_bounds = array<i64: 2000, 1>}]} {
    %get3A = arith.constant 0 : index
    %get3A_0 = arith.constant 0 : index
    %get3A_1 = arith.constant 0 : index
    %get3A_2 = vector.load %arg1[%get3A, %get3A_0, %get3A_1] : memref<2x2000x128xf32, #tpu.memory_space<vmem>>, vector<1x2000x128xf32>
    %get3A_3 = vector.shape_cast %get3A_2 : vector<1x2000x128xf32> to vector<2000x128xf32>
    %get3A_4 = arith.constant 1 : index
    %get3A_5 = arith.constant 0 : index
    %get3A_6 = arith.constant 0 : index
    %get3A_7 = vector.load %arg1[%get3A_4, %get3A_5, %get3A_6] : memref<2x2000x128xf32, #tpu.memory_space<vmem>>, vector<1x2000x128xf32>
    %get3A_8 = vector.shape_cast %get3A_7 : vector<1x2000x128xf32> to vector<2000x128xf32>
    %add3A = arith.addf %get3A_3, %get3A_8 : vector<2000x128xf32>
    %get3A_9 = arith.constant 0 : index
    %get3A_10 = arith.constant 0 : index
    %get3A_11 = vector.load %arg2[%get3A_9, %get3A_10] : memref<1x128xf32, #tpu.memory_space<vmem>>, vector<1x128xf32>
    %add3A_12 = vector.broadcast %get3A_11 : vector<1x128xf32> to vector<2000x128xf32>
    %add3A_13 = arith.addf %add3A, %add3A_12 : vector<2000x128xf32>
    %max3A = arith.constant 0.000000e+00 : f32
    %max3A_14 = vector.broadcast %max3A : f32 to vector<2000x128xf32>
    %max3A_15 = arith.maximumf %add3A_13, %max3A_14 : vector<2000x128xf32>
    %get3A_16 = arith.constant 0 : index
    %get3A_17 = arith.constant 0 : index
    %get3A_18 = vector.load %arg3[%get3A_16, %get3A_17] : memref<128x1xf32, #tpu.memory_space<vmem>>, vector<128x1xf32>
    %dot_general3A = arith.constant dense<0.000000e+00> : vector<2000x1xf32>
    %dot_general3A_19 = tpu.matmul %max3A_15, %get3A_18, %dot_general3A {dimension_numbers = #tpu.dot_dimension_numbers<[1], [0], [0], [1], [0, 0, 1, 1], [], []>, transpose_lhs_hint = false} : vector<2000x128xf32>, vector<128x1xf32>, vector<2000x1xf32> -> vector<2000x1xf32>
    %swap3A = arith.constant 0 : index
    %swap3A_20 = arith.constant 0 : index
    %swap3A_21 = vector.load %arg4[%swap3A, %swap3A_20] : memref<2000x1xf32, #tpu.memory_space<vmem>>, vector<2000x1xf32>
    tpu.vector_store %arg4[%swap3A, %swap3A_20], %dot_general3A_19 {strides = array<i32>} : memref<2000x1xf32, #tpu.memory_space<vmem>>, vector<2000x1xf32>,
    return
  }
  func.func @transform_0(%arg0: i32) -> (i32, i32, i32) {
    %c0_i32 = arith.constant 0 : i32
    %c0_i32_0 = arith.constant 0 : i32
    %c0_i32_1 = arith.constant 0 : i32
    return %c0_i32, %arg0, %c0_i32_0 : i32, i32, i32
  }
  func.func @transform_1(%arg0: i32) -> (i32, i32) {
    %c0_i32 = arith.constant 0 : i32
    %c0_i32_0 = arith.constant 0 : i32
    %c0_i32_1 = arith.constant 0 : i32
    return %c0_i32, %c0_i32_0 : i32, i32
  }
  func.func @transform_2(%arg0: i32) -> (i32, i32) {
    %c0_i32 = arith.constant 0 : i32
    %c0_i32_0 = arith.constant 0 : i32
    %c0_i32_1 = arith.constant 0 : i32
    return %c0_i32, %c0_i32_0 : i32, i32
  }
  func.func @transform_3(%arg0: i32) -> (i32, i32) {
    %c0_i32 = arith.constant 0 : i32
    %c0_i32_0 = arith.constant 0 : i32
    return %arg0, %c0_i32 : i32, i32
  }
}

module attributes {stable_mosaic.version = 14 : i64} {
  func.func @_final_body(%arg0: memref<32x10000xf32, #tpu.memory_space<vmem>>, %arg1: memref<1x1xf32, #tpu.memory_space<vmem>>, %arg2: memref<1x10000xf32, #tpu.memory_space<vmem>>) attributes {dimension_semantics = [], scalar_prefetch = 0 : i64, scratch_operands = 0 : i64, tpu.core_type = #tpu.core_type<tc>} {
    %get3A = arith.constant 0 : index
    %get3A_0 = arith.constant 0 : index
    %get3A_1 = vector.load %arg0[%get3A, %get3A_0] : memref<32x10000xf32, #tpu.memory_space<vmem>>, vector<32x10000xf32>
    %reduce_sum3A = arith.constant dense<0.000000e+00> : vector<10000xf32>
    %reduce_sum3A_2 = vector.multi_reduction <add>, %get3A_1, %reduce_sum3A [0] : vector<32x10000xf32> to vector<10000xf32>
    %broadcast_in_dim3A = vector.shape_cast %reduce_sum3A_2 : vector<10000xf32> to vector<1x10000xf32>
    %get3A_3 = arith.constant 0 : index
    %get3A_4 = arith.constant 0 : index
    %get3A_5 = vector.load %arg1[%get3A_3, %get3A_4] : memref<1x1xf32, #tpu.memory_space<vmem>>, vector<1x1xf32>
    %get3A_6 = vector.extract %get3A_5[0, 0] : f32 from vector<1x1xf32>
    %add3A = vector.broadcast %get3A_6 : f32 to vector<1x10000xf32>
    %add3A_7 = arith.addf %broadcast_in_dim3A, %add3A : vector<1x10000xf32>
    %reduce_max3A = vector.shape_cast %add3A_7 : vector<1x10000xf32> to vector<1x1x10000xf32>
    %reduce_max3A_8 = arith.constant dense<0xFF800000> : vector<1xf32>
    %reduce_max3A_9 = vector.multi_reduction <maximumf>, %reduce_max3A, %reduce_max3A_8 [1, 2] : vector<1x1x10000xf32> to vector<1xf32>
    %reduce_max3A_10 = vector.shape_cast %reduce_max3A_9 : vector<1xf32> to vector<1x1x1xf32>
    %reduce_max3A_11 = vector.extract %reduce_max3A_10[0, 0, 0] : f32 from vector<1x1x1xf32>
    %sub3A = vector.broadcast %reduce_max3A_11 : f32 to vector<1x10000xf32>
    %sub3A_12 = arith.subf %add3A_7, %sub3A : vector<1x10000xf32>
    %exp3A = math.exp %sub3A_12 : vector<1x10000xf32>
    %reduce_sum3A_13 = vector.shape_cast %exp3A : vector<1x10000xf32> to vector<1x1x10000xf32>
    %reduce_sum3A_14 = arith.constant dense<0.000000e+00> : vector<1xf32>
    %reduce_sum3A_15 = vector.multi_reduction <add>, %reduce_sum3A_13, %reduce_sum3A_14 [1, 2] : vector<1x1x10000xf32> to vector<1xf32>
    %reduce_sum3A_16 = vector.shape_cast %reduce_sum3A_15 : vector<1xf32> to vector<1x1x1xf32>
    %reduce_sum3A_17 = vector.extract %reduce_sum3A_16[0, 0, 0] : f32 from vector<1x1x1xf32>
    %log3A = math.log %reduce_sum3A_17 : f32
    %add3A_18 = arith.addf %reduce_max3A_11, %log3A : f32
    %sub3A_19 = vector.broadcast %add3A_18 : f32 to vector<1x10000xf32>
    %sub3A_20 = arith.subf %add3A_7, %sub3A_19 : vector<1x10000xf32>
    %swap3A = arith.constant 0 : index
    %swap3A_21 = arith.constant 0 : index
    %swap3A_22 = vector.load %arg2[%swap3A, %swap3A_21] : memref<1x10000xf32, #tpu.memory_space<vmem>>, vector<1x10000xf32>
    tpu.vector_store %arg2[%swap3A, %swap3A_21], %sub3A_20 {strides = array<i32>} : memref<1x10000xf32, #tpu.memory_space<vmem>>, vector<1x10000xf32>,
    return
  }
}

</mosaic_0001>

<sc_bundles>
// kernel: kernel.13.cloned.1.call-start
scs
__scs_entry_jumppad:
0x0: {  	(pc) =	sbr.rel $0x88, $3  }
0x1: {  	(tag) =	ssettag $0x0;
	lr =	simm.s32 $0x1  }
0x2: {  	[smem:$0x3F95] =	sst lr;
	_ =	strace $0xD0000000  }
0x3: {  	_ = 	snop  }
0x4: {  	_ = 	snop  }
0x5: {  	_ = 	snop  }
0x6: {  	_ = 	snop  }
0x7: {  	_ = 	snop  }
__scs_overlays_trampoline_lowered:
0x8: {  	[smem:$0x3FA4] =	sst s0  }
0x9: {  	[smem:$0x3FA5] =	sst s1  }
0xa: {  	[smem:$0x3FA6] =	sst s2  }
0xb: {  	[smem:$0x3FA7] =	sst s3  }
0xc: {  	[smem:$0x3FA8] =	sst s4  }
0xd: {  	[smem:$0x3FA9] =	sst s5  }
0xe: {  	[smem:$0x3FAA] =	sst s6  }
0xf: {  	[smem:$0x3FAB] =	sst s7  }
0x10: {  	[smem:$0x3FAC] =	sst s8  }
0x11: {  	[smem:$0x3FAD] =	sst s9;
	s0 =	simm.s32 @!p0 $0x0  }
0x12: {  	s1 =	sld [smem:$0x3F93];
	s0 =	simm.s32 @p0 $0x1  }
0x13: {  	[smem:$0x3FAE] =	sst s0;
	s0 =	simm.s32 @!p1 $0x0  }
0x14: {  	s2 =	sld [smem:$0x3F92];
	s0 =	simm.s32 @p1 $0x1  }
0x15: {  	[smem:$0x3FAF] =	sst s0;
	s0 =	simm.s32 @!p2 $0x0  }
0x16: {  	s3 =	sld [smem:$0x3FDB];
	s0 =	simm.s32 @p2 $0x1  }
0x17: {  	s4 =	simm.s32 $0x1BF5;
	[smem:$0x3FB1] =	sst s0  }
0x18: {  	s0 =	sld [smem:$0x3F94];
	_ =	swait.ge [sflag:s4], $0x0  }
0x19: {  	s7 =	sld [smem:$0x3F95]  }
0x1a: {  	s8 =	sadd.s32 $0xFFFFE003, lr  }
0x1b: {  	s9 =	sadd.s32 $0xFFFFFEF7, lr;
	s5 =	simm.s32 $0xFFFFFFFF;
	p2 =	slt.u32 s8, $0xFFFFF086  }
0x1c: {  	p1 =	slt.u32 s9, $0xF7A;
	s5 =	simm.s32 @!p2 $0x0  }
0x1d: {  	s5 =	simm.s32 @p1 $0x1;
	p0 =	seq.s32 s7, s2  }
0x1e: {  	s7 =	smul.u32 @!p0 $0xF7A, s2;
	p2 =	seq.s32 @!p0 s5, $0x0  }
0x1f: {  	s9 =	smul.u32 $0xF7A, s1;
	s8 =	simm.s32 @!p0 $0x1BF5;
	p2 =	por !p2, p0  }
0x20: {  	[sflag:s8] =	ssyncset.s32 @!p0 $0xFFFFF086;
	s6 =	sadd.s32 @!p0 s3, s7;
	s7 =	simm.s32 @!p0 $0x108  }
0x21: {  	s3 =	sadd.s32 s3, s9;
	s6 =	sadd.s32 @!p0 $0x88, s6;
	s7 =	simm.s32 @p2 $0x1082  }
0x22: {  	[simem:s7], [sflag:s8] =	dma.local @!p0 [hbm:s6], $0xF7A  }
0x23: {  	s9 =	sor.u32 $0xD0000000, s2;
	s6 =	simm.s32 $0x108;
	_ =	swait.ge @!p0 [sflag:s8], $0x0  }
0x24: {  	s3 =	sadd.s32 $0x88, s3;
	s6 =	simm.s32 @!p1 $0x1082;
	[sflag:s4] =	ssyncset.s32 $0xFFFFF086  }
0x25: {  	[simem:s6], [sflag:s4] =	dma.local [hbm:s3], $0xF7A  }
0x26: {  	[smem:$0x3F95] =	sst s1;
	(tag) =	ssettag s2;
	_ =	strace s9  }
0x27: {  	s1 =	sld [smem:$0x3FA5]  }
0x28: {  	s2 =	sld [smem:$0x3FA6]  }
0x29: {  	s4 =	sld [smem:$0x3FA8]  }
0x2a: {  	p0 =	seq.s32 s5, $0x0;
	s5 =	sld [smem:$0x3FA9]  }
0x2b: {  	s6 =	sld [smem:$0x3FAA]  }
0x2c: {  	s7 =	sld [smem:$0x3FAB]  }
0x2d: {  	s3 =	simm.s32 $0x108;
	s8 =	sld [smem:$0x3FAC]  }
0x2e: {  	s3 =	simm.s32 @!p0 $0x1082;
	s9 =	sld [smem:$0x3FAD]  }
0x2f: {  	lr =	sadd.s32 s0, s3;
	s0 =	sld [smem:$0x3FA4]  }
0x30: {  	s3 =	sld [smem:$0x3FA7]  }
0x31: {  	[smem:$0x3FB0] =	sst s10  }
0x32: {  	s10 =	sld [smem:$0x3FAE];
	_ =	sdelay $0x3  }
0x33: {  	p0 =	seq.s32 s10, $0x1;
	s10 =	sld [smem:$0x3FB0];
	_ =	sdelay $0x3  }
0x34: {  	[smem:$0x3FB0] =	sst s10  }
0x35: {  	s10 =	sld [smem:$0x3FAF];
	_ =	sdelay $0x3  }
0x36: {  	p1 =	seq.s32 s10, $0x1;
	s10 =	sld [smem:$0x3FB0];
	_ =	sdelay $0x3  }
0x37: {  	[smem:$0x3FB0] =	sst s10  }
0x38: {  	s10 =	sld [smem:$0x3FB1]  }
0x39: {  	_ = 	snop;
	(pc) =	sbr.ind lr, $3  }
0x3a: {  	_ = 	snop  }
0x3b: {  	_ = 	snop  }
0x3c: {  	p2 =	seq.s32 s10, $0x1;
	s10 =	sld [smem:$0x3FB0]  }
0x3d: {  	_ =	shalt  }
0x3e: {  	_ =	shalt  }
0x3f: {  	_ =	shalt  }
0x40: {  	_ =	shalt  }
0x41: {  	_ =	shalt  }
0x42: {  	_ =	shalt  }
0x43: {  	_ =	shalt  }
0x44: {  	_ =	shalt  }
0x45: {  	_ =	shalt  }
0x46: {  	_ =	shalt  }
0x47: {  	_ =	shalt  }
0x48: {  	_ =	shalt  }
0x49: {  	_ =	shalt  }
0x4a: {  	_ =	shalt  }
0x4b: {  	_ =	shalt  }
0x4c: {  	_ =	shalt  }
0x4d: {  	_ =	shalt  }
0x4e: {  	_ =	shalt  }
0x4f: {  	_ =	shalt  }
0x50: {  	_ =	shalt  }
0x51: {  	_ =	shalt  }
0x52: {  	_ =	shalt  }
0x53: {  	_ =	shalt  }
0x54: {  	_ =	shalt  }
0x55: {  	_ =	shalt  }
0x56: {  	_ =	shalt  }
0x57: {  	_ =	shalt  }
0x58: {  	_ =	shalt  }
0x59: {  	_ =	shalt  }
0x5a: {  	_ =	shalt  }
0x5b: {  	_ =	shalt  }
0x5c: {  	_ =	shalt  }
0x5d: {  	_ =	shalt  }
0x5e: {  	_ =	shalt  }
0x5f: {  	_ =	shalt  }
0x60: {  	_ =	shalt  }
0x61: {  	_ =	shalt  }
0x62: {  	_ =	shalt  }
0x63: {  	_ =	shalt  }
0x64: {  	_ =	shalt  }
0x65: {  	_ =	shalt  }
0x66: {  	_ =	shalt  }
0x67: {  	_ =	shalt  }
0x68: {  	_ =	shalt  }
0x69: {  	_ =	shalt  }
0x6a: {  	_ =	shalt  }
0x6b: {  	_ =	shalt  }
0x6c: {  	_ =	shalt  }
0x6d: {  	_ =	shalt  }
0x6e: {  	_ =	shalt  }
0x6f: {  	_ =	shalt  }
0x70: {  	_ =	shalt  }
0x71: {  	_ =	shalt  }
0x72: {  	_ =	shalt  }
0x73: {  	_ =	shalt  }
0x74: {  	_ =	shalt  }
0x75: {  	_ =	shalt  }
0x76: {  	_ =	shalt  }
0x77: {  	_ =	shalt  }
0x78: {  	_ =	shalt  }
0x79: {  	_ =	shalt  }
0x7a: {  	_ =	shalt  }
0x7b: {  	_ =	shalt  }
0x7c: {  	_ =	shalt  }
0x7d: {  	_ =	shalt  }
0x7e: {  	_ =	shalt  }
0x7f: {  	_ =	shalt  }
0x80: {  	_ =	shalt  }
0x81: {  	_ =	shalt  }
0x82: {  	_ =	shalt  }
0x83: {  	_ =	shalt  }
0x84: {  	_ =	shalt  }
0x85: {  	_ =	shalt  }
0x86: {  	_ =	shalt  }
0x87: {  	_ =	shalt  }
.Lfunc_end0:
.L_simem_size_0:
called_computation_lowered:
.L_overlay_start_0:
0x88: {  	s2 =	sld [smem:$0x3FD9]  }
0x89: {  	s3 =	sld [smem:$0x3FFE];
	_ =	sdelay $0x1  }
0x8a: {  	s1 =	srdreg.scid  }
0x8b: {  	s0 =	sand.u32 $0x1, s1  }
0x8c: {  	s16 =	sshll.u32 s0, $0xA;
	s2 =	sadd.s32 s3, s2  }
0x8d: {  	s2 =	sadd.s32 s2, s16  }
0x8e: {  	[smem:$0x3FBC] =	sst s2  }
0x8f: {  	_ = 	snop  }
0x90: {  	(tm) =	ssettm $0x1  }
0x91: {  	s17 =	sld [smem:$0x3FFB];
	_ =	sdelay $0x3  }
0x92: {  	_ =	strace s17  }
0x93: {  	s2 =	sld [smem:$0x3FFC];
	_ =	sdelay $0x3  }
0x94: {  	_ =	strace s2  }
0x95: {  	s2 =	sld [smem:$0x3FFD];
	_ =	sdelay $0x3  }
0x96: {  	_ =	strace s2  }
0x97: {  	_ =	strace $0x8FFFFFFF  }
0x98: {  	s18 =	sld [smem:$0x3FDB];
	_ =	sdelay $0x1  }
0x99: {  	s19 =	simm.s32 $_scs_section_size  }
0x9a: {  	s4 =	simm.s32 $_size__tile_overlayer_lowered;
	s5 =	simm.s32 $_tile_overlayer_lowered  }
0x9b: {  	s22 =	simm.s32 $0x1BFF;
	s21 =	sshll.u32 s5, $0x1;
	s2 =	sadd.s32 s19, s18  }
0x9c: {  	s6 =	simm.s32 $0x0;
	s20 =	sshll.u32 s4, $0x1;
	s4 =	sadd.s32 s21, s2  }
0x9d: {  	[timem:s6], [sflag:s22] =	dma.local [hbm:s4], s20  }
0x9e: {  	_ =	swait.ge [sflag:s22], s20  }
0x9f: {  	s3 =	ssub.s32 $0x0, s20;
	[sflag:s22] =	ssyncset.done $0x0  }
0xa0: {  	[sflag:s22] =	ssyncadd.s32 s3;
	_ =	sdelay $0x1  }
0xa1: {  	s23 =	simm.s32 $0x1B8B  }
0xa2: {  	_ =	swait.ge [sflag:s23], $0x1  }
0xa3: {  	[sflag:s23] =	ssyncset.done $0x0  }
0xa4: {  	s25 =	simm.s32 $0x1B8E;
	s24 =	sld [smem:$0x3FFE];
	[sflag:s23] =	ssyncadd.s32 $0xFFFFFFFF  }
0xa5: {  	s26 =	simm.s32 $execute0_lowered;
	[smem:$0x3FD2] =	sst s25  }
0xa6: {  	s4 =	sshll.u32 s26, $0x1;
	_ =	strace $0x80000046;
	[dreg:$0x1] =	wrdreg $0xFFFFFFFF  }
0xa7: {  	s28 =	simm.s32 $_size_execute0_lowered;
	s2 =	sadd.s32 s2, s4;
	[dreg:$0x0] =	wrdreg $0x0  }
0xa8: {  	s4 =	sshll.u32 s28, $0x1;
	[dreg:$0x2] =	wrdreg s2  }
0xa9: {  	[dreg:$0x3] =	wrdreg s4  }
0xaa: {  	[dreg:$0x4] =	wrdreg $0xC0  }
0xab: {  	_ =	task [dreg:s6], $0x5FFFF  }
0xac: {  	[dreg:$0x1] =	wrdreg $0xFFFFFFFF  }
0xad: {  	[dreg:$0x0] =	wrdreg $0x60  }
0xae: {  	[dreg:$0x2] =	wrdreg s24  }
0xaf: {  	[dreg:$0x3] =	wrdreg $0xA8000  }
0xb0: {  	[dreg:$0x4] =	wrdreg $0x9  }
0xb1: {  	_ =	task.clear_ibuf [dreg:s6], $0x5FFFF;
	_ =	strace $0x90000046  }
0xb2: {  	s29 =	simm.s32 $0x9;
	_ =	strace $0x80000048  }
0xb3: {  	_ =	swait.ge [sflag:s29], $0x1  }
0xb4: {  	[sflag:s29] =	ssyncadd.s32 $0xFFFFFFFF  }
0xb5: {  	_ =	strace $0x90000048  }
0xb6: {  	_ =	sfence  }
0xb7: {  	s30 =	sld [smem:$0x0];
	_ =	sdelay $0x2  }
0xb8: {  	s31 =	sshll.u32 s1, $0xD;
	s1 =	sshrl.u32 s1, $0x2  }
0xb9: {  	s3 =	sand.u32 $0x4000, s31;
	s1 =	sadd.s32 s1, s30  }
0xba: {  	s0 =	sor.u32 s3, s0;
	s1 =	sshll.u32 s1, $0x11  }
0xbb: {  	s0 =	sor.u32 s1, s0  }
0xbc: {  	s0 =	sadd.s32 $0x8F2B, s0  }
0xbd: {  	[sflag:s0] =	ssyncadd.remote.s32 $0x1  }
0xbe: {  	_ =	sfence.sel $0xFFFF  }
0xbf: {  	[dreg:$0x0] =	wrdreg $0xFFFFFFFF;
	(pc) =	sbr.abs _section_cstart, $3  }
0xc0: {  	[dreg:$0x1] =	wrdreg $0xFFFFFFFF  }
0xc1: {  	_ =	task.clear_ibuf [dreg:s6], $0x2FFFF;
	_ =	strace $0x9FFFFFFF  }
0xc2: {  	(tm) =	ssettm $0x7FFFFFFF  }
0xc3: {  	_ =	shalt  }
tec
execute0_lowered:
.L_overlay_start_1:
0x0: {  	(tag) =	ssettag $0x1  }
0x1: {  	s6 =	rddreg [dreg:$0x0]  }
0x2: {  	s1 =	rddreg [dreg:$0x1]  }
0x3: {  	s0 =	rddreg [dreg:$0x2];
	s2 =	simm.s32 $0x0;
	s12 =	stileid.u32  }
0x4: {  	s4 =	srdreg.scid;
	s18 =	simm.s32 $0x1;
	s19 =	simm.s32 $0x2  }
0x5: {  	s20 =	simm.s32 $0x2700;
	s21 =	simm.s32 $0x2680;
	s22 =	simm.s32 $0x2780  }
0x6: {  	s23 =	simm.s32 $0x0;
	[smem:$0x7FF] =	sst s2;
	s8 =	smul.u32 $0x13800, s12  }
0x7: {  	s3 =	sadd.s32 $0x16A00, s6;
	s5 =	sand.u32 $0x1, s4;
	s9 =	sadd.s32 $0x2A00, s6  }
0x8: {  	s11 =	sadd.s32 $0x64E00, s6;
	s28 =	sshll.u32 s12, $0x6;
	s17 =	sadd.s32 $0x138000, s1  }
0x9: {  	p0 =	sne.s32 s12, $0x0;
	_ =	strace $0x80000047;
	s7 =	sshll.u32 s5, $0x4  }
0xa: {  	s10 =	ssub.s32 $0x2, s5;
	s16 =	smul.u32 $0x138800, s5;
	s5 =	sor.u32 $0x1C03, s28  }
0xb: {  	s25 =	sshrl.u32 s8, $0x3;
	s7 =	sor.u32 s12, s7;
	s13 =	sshrl.u32 s10, $0x1  }
0xc: {  	s15 =	sadd.s32 s8, s1;
	s4 =	sadd.s32 s25, s6;
	s14 =	smul.u32 $0xA00, s7  }
0xd: {  	s13 =	ssub.s32 s10, s13;
	s26 =	smul.u32 $0x5000, s7;
	s6 =	sadd.s32 $0x64C00, s6  }
0xe: {  	s8 =	sadd.s32 s8, s16;
	s30 =	sshrl.u32 s16, $0x3;
	s12 =	sshrl.u32 s15, $0x3  }
0xf: {  	s15 =	simm.s32 $0x80;
	s16 =	simm.s32 $0x2800;
	s4 =	sadd.s32 $0x3DC00, s4  }
0x10: {  	s29 =	sshrl.u32 s8, $0x3;
	s31 =	sadd.s32 s11, s30;
	s10 =	sshrl.u32 s26, $0x3  }
0x11: {  	s7 =	sadd.s32 s9, s14;
	s14 =	sshrl.u32 @!p0 s17, $0x3;
	s9 =	sadd.s32 s9, s10  }
0x12: {  	s17 =	simm.s32 $0x6800;
	s10 =	sadd.s32 $0x27000, s31;
	s8 =	sadd.s32 $0x500, s9  }
0x13: {  	s9 =	sadd.s32 s11, s29;
	s11 =	smax.u32 s13, $0x1;
	s13 =	simm.s32 $0x3  }
.LBB2_1:
0x14: {  	[spmem:s12], [sflag:s5] =	dma.local [hbm:s4], $0x2700  }
0x15: {  	_ =	swait.ge [sflag:s13], $0x2700  }
0x16: {  	[sflag:s13] =	ssyncset.done $0x0  }
0x17: {  	s24 =	simm.s32 @!p0 $0x3;
	[sflag:s13] =	ssyncadd.s32 $0xFFFFD900  }
0x18: {  	[spmem:s14], [sflag:s5] =	dma.local @!p0 [hbm:s6], $0x100  }
0x19: {  	_ =	swait.ge @!p0 [sflag:s24], $0x100  }
0x1a: {  	[sflag:s24] =	ssyncset.done @!p0 $0x0  }
0x1b: {  	[sflag:s24] =	ssyncadd.s32 @!p0 $0xFFFFFF00  }
0x1c: {  	[bflag:$0x0] =	sbarrier.arrive $0xFFFF  }
0x1d: {  	[tilespmem:s2], [sflag:$0x3] =	stream.linear.gather [hbm4b:s7+s2], $0x2800, $0x38;
	[tilespmem:$0x1E0C0] =	vst v63  }
0x1e: {  	_ =	swait.ge [sflag:s13], $0x2800  }
0x1f: {  	[sflag:s13] =	ssyncset.done $0x0  }
0x20: {  	[sflag:s13] =	ssyncadd.s32 $0xFFFFD800  }
0x21: {  	[tilespmem:s16], [sflag:$0x1] =	stream.indirect.gather [hbm4b:s3+s15], $0x80, s2, s15, $0xb8;
	[tilespmem:$0x1E0C0] =	vst v63  }
0x22: {  	s28 =	simm.s32 $0x100  }
0x23: {  	[tilespmem:s17], [sflag:$0x2] =	stream.indirect.gather [hbm4b:s3+s15], $0x80, s28, s15, $0xb8;
	[tilespmem:$0x1E0C0] =	vst v63  }
0x24: {  	_ =	swait.ge [sflag:s18], $0x4000  }
0x25: {  	[sflag:s18] =	ssyncset.done $0x0  }
0x26: {  	s29 =	simm.s32 $0x80;
	[sflag:s18] =	ssyncadd.s32 $0xFFFFC000  }
0x27: {  	[spmem:s1] =	stream.indirect.scatter.add.f32 [tilespmem:s16], [sflag:$0x3], $0x80, s29, s15, $0xb8;
	[tilespmem:$0x1E0C0] =	vst v63  }
0x28: {  	_ =	swait.ge [sflag:s13], $0x4000  }
0x29: {  	[sflag:s13] =	ssyncset.done $0x0  }
0x2a: {  	s30 =	simm.s32 $0x200;
	[sflag:s13] =	ssyncadd.s32 $0xFFFFC000  }
0x2b: {  	[tilespmem:s16], [sflag:$0x1] =	stream.indirect.gather [hbm4b:s3+s15], $0x80, s30, s15, $0xb8;
	[tilespmem:$0x1E0C0] =	vst v63  }
0x2c: {  	_ =	swait.ge [sflag:s19], $0x4000  }
0x2d: {  	[sflag:s19] =	ssyncset.done $0x0  }
0x2e: {  	s31 =	simm.s32 $0x180;
	[sflag:s19] =	ssyncadd.s32 $0xFFFFC000  }
0x2f: {  	[spmem:s1] =	stream.indirect.scatter.add.f32 [tilespmem:s17], [sflag:$0x3], $0x80, s31, s15, $0xb8;
	[tilespmem:$0x1E0C0] =	vst v63  }
0x30: {  	_ =	swait.ge [sflag:s13], $0x4000  }
0x31: {  	s25 =	simm.s32 $0xFFFF7800;
	s24 =	simm.s32 $0xFFFFDC00;
	[sflag:s13] =	ssyncset.done $0x0  }
.LBB2_2:
0x32: {  	s26 =	sadd.s32 $0x2700, s24  }
0x33: {  	[sflag:s13] =	ssyncadd.s32 $0xFFFFC000;
	s28 =	smov.u32 s25;
	s29 =	sadd.s32 $0x800, s25  }
0x34: {  	[tilespmem:s17], [sflag:$0x2] =	stream.indirect.gather [hbm4b:s3+s15], $0x80, s26, s15, $0xb8;
	[tilespmem:$0x1E0C0] =	vst v63  }
0x35: {  	p1 =	sne.s32 s25, $0xFFFFF800;
	_ =	swait.ge [sflag:s18], $0x4000  }
0x36: {  	[sflag:s18] =	ssyncset.done $0x0  }
0x37: {  	s25 =	sadd.s32 $0x2680, s24;
	[sflag:s18] =	ssyncadd.s32 $0xFFFFC000  }
0x38: {  	[spmem:s1] =	stream.indirect.scatter.add.f32 [tilespmem:s16], [sflag:$0x3], $0x80, s25, s15, $0xb8;
	[tilespmem:$0x1E0C0] =	vst v63  }
0x39: {  	_ =	swait.ge [sflag:s13], $0x4000  }
0x3a: {  	[sflag:s13] =	ssyncset.done $0x0  }
0x3b: {  	s25 =	sadd.s32 $0x2800, s24;
	[sflag:s13] =	ssyncadd.s32 $0xFFFFC000  }
0x3c: {  	[tilespmem:s16], [sflag:$0x1] =	stream.indirect.gather [hbm4b:s3+s15], $0x80, s25, s15, $0xb8;
	[tilespmem:$0x1E0C0] =	vst v63  }
0x3d: {  	_ =	swait.ge [sflag:s19], $0x4000  }
.Ltmp0:
0x3e: {  	[sflag:s19] =	ssyncset.done $0x0;
	(pc) =	sbr.rel @p1 .LBB2_2-.Ltmp0, $4  }
0x3f: {  	s24 =	sadd.s32 $0x2780, s24;
	[sflag:s19] =	ssyncadd.s32 $0xFFFFC000  }
0x40: {  	[spmem:s1] =	stream.indirect.scatter.add.f32 [tilespmem:s17], [sflag:$0x3], $0x80, s24, s15, $0xb8;
	[tilespmem:$0x1E0C0] =	vst v63  }
0x41: {  	_ =	swait.ge [sflag:s13], $0x4000  }
0x42: {  	s25 =	smov.u32 s29;
	s24 =	sshra.s32 s28, $0x2;
	[sflag:s13] =	ssyncset.done $0x0  }
0x43: {  	s25 =	sadd.s32 $0x2700, s24;
	[sflag:s13] =	ssyncadd.s32 $0xFFFFC000  }
0x44: {  	[tilespmem:s17], [sflag:$0x2] =	stream.indirect.gather [hbm4b:s3+s15], $0x80, s25, s15, $0xb8;
	[tilespmem:$0x1E0C0] =	vst v63  }
0x45: {  	_ =	swait.ge [sflag:s18], $0x4000  }
0x46: {  	[sflag:s18] =	ssyncset.done $0x0  }
0x47: {  	s30 =	sadd.s32 $0x2680, s24;
	[sflag:s18] =	ssyncadd.s32 $0xFFFFC000  }
0x48: {  	[spmem:s1] =	stream.indirect.scatter.add.f32 [tilespmem:s16], [sflag:$0x3], $0x80, s30, s15, $0xb8;
	[tilespmem:$0x1E0C0] =	vst v63  }
0x49: {  	_ =	swait.ge [sflag:s13], $0x4000  }
0x4a: {  	[sflag:s13] =	ssyncset.done $0x0  }
0x4b: {  	s31 =	sadd.s32 $0x2800, s24;
	[sflag:s13] =	ssyncadd.s32 $0xFFFFC000  }
0x4c: {  	[tilespmem:s16], [sflag:$0x1] =	stream.indirect.gather [hbm4b:s3+s15], $0x80, s31, s15, $0xb8;
	[tilespmem:$0x1E0C0] =	vst v63  }
0x4d: {  	_ =	swait.ge [sflag:s19], $0x4000  }
0x4e: {  	[sflag:s19] =	ssyncset.done $0x0  }
0x4f: {  	s26 =	sadd.s32 $0x2780, s24;
	[sflag:s19] =	ssyncadd.s32 $0xFFFFC000  }
0x50: {  	[spmem:s1] =	stream.indirect.scatter.add.f32 [tilespmem:s17], [sflag:$0x3], $0x80, s26, s15, $0xb8;
	[tilespmem:$0x1E0C0] =	vst v63  }
0x51: {  	_ =	swait.ge [sflag:s13], $0x4000  }
0x52: {  	[sflag:s13] =	ssyncset.done $0x0  }
0x53: {  	[sflag:s13] =	ssyncadd.s32 $0xFFFFC000  }
0x54: {  	[tilespmem:s17], [sflag:$0x2] =	stream.indirect.gather [hbm4b:s3+s15], $0x80, s20, s15, $0xb8;
	[tilespmem:$0x1E0C0] =	vst v63  }
0x55: {  	_ =	swait.ge [sflag:s18], $0x4000  }
0x56: {  	[sflag:s18] =	ssyncset.done $0x0  }
0x57: {  	[sflag:s18] =	ssyncadd.s32 $0xFFFFC000  }
0x58: {  	[spmem:s1] =	stream.indirect.scatter.add.f32 [tilespmem:s16], [sflag:$0x3], $0x80, s21, s15, $0xb8;
	[tilespmem:$0x1E0C0] =	vst v63  }
0x59: {  	_ =	swait.ge [sflag:s13], $0x4000  }
0x5a: {  	[sflag:s13] =	ssyncset.done $0x0  }
0x5b: {  	[sflag:s13] =	ssyncadd.s32 $0xFFFFC000  }
0x5c: {  	_ =	swait.ge [sflag:s19], $0x4000  }
0x5d: {  	[sflag:s19] =	ssyncset.done $0x0  }
0x5e: {  	[sflag:s19] =	ssyncadd.s32 $0xFFFFC000  }
0x5f: {  	[spmem:s1] =	stream.indirect.scatter.add.f32 [tilespmem:s17], [sflag:$0x3], $0x80, s22, s15, $0xb8;
	[tilespmem:$0x1E0C0] =	vst v63  }
0x60: {  	_ =	swait.ge [sflag:s13], $0x4000  }
0x61: {  	[sflag:s13] =	ssyncset.done $0x0  }
0x62: {  	[sflag:s13] =	ssyncadd.s32 $0xFFFFC000  }
0x63: {  	[tilespmem:s2], [sflag:$0x3] =	stream.linear.gather [hbm4b:s8+s2], $0x2800, $0x38;
	[tilespmem:$0x1E0C0] =	vst v63  }
0x64: {  	_ =	swait.ge [sflag:s13], $0x2800  }
0x65: {  	[sflag:s13] =	ssyncset.done $0x0  }
0x66: {  	[sflag:s13] =	ssyncadd.s32 $0xFFFFD800  }
0x67: {  	[tilespmem:s16], [sflag:$0x1] =	stream.indirect.gather [hbm4b:s3+s15], $0x80, s2, s15, $0xb8;
	[tilespmem:$0x1E0C0] =	vst v63  }
0x68: {  	s28 =	simm.s32 $0x100  }
0x69: {  	[tilespmem:s17], [sflag:$0x2] =	stream.indirect.gather [hbm4b:s3+s15], $0x80, s28, s15, $0xb8;
	[tilespmem:$0x1E0C0] =	vst v63  }
0x6a: {  	_ =	swait.ge [sflag:s18], $0x4000  }
0x6b: {  	[sflag:s18] =	ssyncset.done $0x0  }
0x6c: {  	s29 =	simm.s32 $0x80;
	[sflag:s18] =	ssyncadd.s32 $0xFFFFC000  }
0x6d: {  	[spmem:s1] =	stream.indirect.scatter.add.f32 [tilespmem:s16], [sflag:$0x3], $0x80, s29, s15, $0xb8;
	[tilespmem:$0x1E0C0] =	vst v63  }
0x6e: {  	_ =	swait.ge [sflag:s13], $0x4000  }
0x6f: {  	[sflag:s13] =	ssyncset.done $0x0  }
0x70: {  	s30 =	simm.s32 $0x200;
	[sflag:s13] =	ssyncadd.s32 $0xFFFFC000  }
0x71: {  	[tilespmem:s16], [sflag:$0x1] =	stream.indirect.gather [hbm4b:s3+s15], $0x80, s30, s15, $0xb8;
	[tilespmem:$0x1E0C0] =	vst v63  }
0x72: {  	_ =	swait.ge [sflag:s19], $0x4000  }
0x73: {  	[sflag:s19] =	ssyncset.done $0x0  }
0x74: {  	s31 =	simm.s32 $0x180;
	[sflag:s19] =	ssyncadd.s32 $0xFFFFC000  }
0x75: {  	[spmem:s1] =	stream.indirect.scatter.add.f32 [tilespmem:s17], [sflag:$0x3], $0x80, s31, s15, $0xb8;
	[tilespmem:$0x1E0C0] =	vst v63  }
0x76: {  	_ =	swait.ge [sflag:s13], $0x4000  }
0x77: {  	s24 =	simm.s32 $0xFFFFDC00;
	s25 =	simm.s32 $0xFFFF7800;
	[sflag:s13] =	ssyncset.done $0x0  }
.LBB2_4:
0x78: {  	s26 =	sadd.s32 $0x2700, s24  }
0x79: {  	[sflag:s13] =	ssyncadd.s32 $0xFFFFC000;
	s28 =	smov.u32 s25;
	s29 =	sadd.s32 $0x800, s25  }
0x7a: {  	[tilespmem:s17], [sflag:$0x2] =	stream.indirect.gather [hbm4b:s3+s15], $0x80, s26, s15, $0xb8;
	[tilespmem:$0x1E0C0] =	vst v63  }
0x7b: {  	p1 =	sne.s32 s25, $0xFFFFF800;
	_ =	swait.ge [sflag:s18], $0x4000  }
0x7c: {  	[sflag:s18] =	ssyncset.done $0x0  }
0x7d: {  	s25 =	sadd.s32 $0x2680, s24;
	[sflag:s18] =	ssyncadd.s32 $0xFFFFC000  }
0x7e: {  	[spmem:s1] =	stream.indirect.scatter.add.f32 [tilespmem:s16], [sflag:$0x3], $0x80, s25, s15, $0xb8;
	[tilespmem:$0x1E0C0] =	vst v63  }
0x7f: {  	_ =	swait.ge [sflag:s13], $0x4000  }
0x80: {  	[sflag:s13] =	ssyncset.done $0x0  }
0x81: {  	s25 =	sadd.s32 $0x2800, s24;
	[sflag:s13] =	ssyncadd.s32 $0xFFFFC000  }
0x82: {  	[tilespmem:s16], [sflag:$0x1] =	stream.indirect.gather [hbm4b:s3+s15], $0x80, s25, s15, $0xb8;
	[tilespmem:$0x1E0C0] =	vst v63  }
0x83: {  	_ =	swait.ge [sflag:s19], $0x4000  }
.Ltmp1:
0x84: {  	[sflag:s19] =	ssyncset.done $0x0;
	(pc) =	sbr.rel @p1 .LBB2_4-.Ltmp1, $4  }
0x85: {  	s24 =	sadd.s32 $0x2780, s24;
	[sflag:s19] =	ssyncadd.s32 $0xFFFFC000  }
0x86: {  	[spmem:s1] =	stream.indirect.scatter.add.f32 [tilespmem:s17], [sflag:$0x3], $0x80, s24, s15, $0xb8;
	[tilespmem:$0x1E0C0] =	vst v63  }
0x87: {  	_ =	swait.ge [sflag:s13], $0x4000  }
0x88: {  	s25 =	smov.u32 s29;
	s24 =	sshra.s32 s28, $0x2;
	[sflag:s13] =	ssyncset.done $0x0  }
0x89: {  	s25 =	sadd.s32 $0x2700, s24;
	[sflag:s13] =	ssyncadd.s32 $0xFFFFC000  }
0x8a: {  	[tilespmem:s17], [sflag:$0x2] =	stream.indirect.gather [hbm4b:s3+s15], $0x80, s25, s15, $0xb8;
	[tilespmem:$0x1E0C0] =	vst v63  }
0x8b: {  	_ =	swait.ge [sflag:s18], $0x4000  }
0x8c: {  	[sflag:s18] =	ssyncset.done $0x0  }
0x8d: {  	s29 =	sadd.s32 $0x2680, s24;
	[sflag:s18] =	ssyncadd.s32 $0xFFFFC000  }
0x8e: {  	[spmem:s1] =	stream.indirect.scatter.add.f32 [tilespmem:s16], [sflag:$0x3], $0x80, s29, s15, $0xb8;
	[tilespmem:$0x1E0C0] =	vst v63  }
0x8f: {  	_ =	swait.ge [sflag:s13], $0x4000  }
0x90: {  	[sflag:s13] =	ssyncset.done $0x0  }
0x91: {  	s30 =	sadd.s32 $0x2800, s24;
	[sflag:s13] =	ssyncadd.s32 $0xFFFFC000  }
0x92: {  	[tilespmem:s16], [sflag:$0x1] =	stream.indirect.gather [hbm4b:s3+s15], $0x80, s30, s15, $0xb8;
	[tilespmem:$0x1E0C0] =	vst v63  }
0x93: {  	_ =	swait.ge [sflag:s19], $0x4000  }
0x94: {  	[sflag:s19] =	ssyncset.done $0x0  }
0x95: {  	s31 =	sadd.s32 $0x2780, s24;
	[sflag:s19] =	ssyncadd.s32 $0xFFFFC000  }
0x96: {  	[spmem:s1] =	stream.indirect.scatter.add.f32 [tilespmem:s17], [sflag:$0x3], $0x80, s31, s15, $0xb8;
	[tilespmem:$0x1E0C0] =	vst v63  }
0x97: {  	_ =	swait.ge [sflag:s13], $0x4000  }
0x98: {  	[sflag:s13] =	ssyncset.done $0x0  }
0x99: {  	[sflag:s13] =	ssyncadd.s32 $0xFFFFC000  }
0x9a: {  	[tilespmem:s17], [sflag:$0x2] =	stream.indirect.gather [hbm4b:s3+s15], $0x80, s20, s15, $0xb8;
	[tilespmem:$0x1E0C0] =	vst v63  }
0x9b: {  	_ =	swait.ge [sflag:s18], $0x4000  }
0x9c: {  	[sflag:s18] =	ssyncset.done $0x0  }
0x9d: {  	[sflag:s18] =	ssyncadd.s32 $0xFFFFC000  }
0x9e: {  	[spmem:s1] =	stream.indirect.scatter.add.f32 [tilespmem:s16], [sflag:$0x3], $0x80, s21, s15, $0xb8;
	[tilespmem:$0x1E0C0] =	vst v63  }
0x9f: {  	_ =	swait.ge [sflag:s13], $0x4000  }
0xa0: {  	[sflag:s13] =	ssyncset.done $0x0  }
0xa1: {  	[sflag:s13] =	ssyncadd.s32 $0xFFFFC000  }
0xa2: {  	_ =	swait.ge [sflag:s19], $0x4000  }
0xa3: {  	[sflag:s19] =	ssyncset.done $0x0  }
0xa4: {  	[sflag:s19] =	ssyncadd.s32 $0xFFFFC000  }
0xa5: {  	[spmem:s1] =	stream.indirect.scatter.add.f32 [tilespmem:s17], [sflag:$0x3], $0x80, s22, s15, $0xb8;
	[tilespmem:$0x1E0C0] =	vst v63  }
0xa6: {  	_ =	swait.ge [sflag:s13], $0x4000  }
0xa7: {  	[sflag:s13] =	ssyncset.done $0x0  }
0xa8: {  	[sflag:s13] =	ssyncadd.s32 $0xFFFFC000  }
0xa9: {  	[bflag:$0x0] =	sbarrier.arrive $0xFFFF  }
0xaa: {  	[hbm:s9], [sflag:s5] =	dma.local [spmem:s12], $0x2700  }
0xab: {  	s23 =	sadd.s32 $0x1, s23;
	_ =	swait.ge [sflag:s13], $0x2700  }
0xac: {  	p1 =	sne.s32 s23, s11;
	[sflag:s13] =	ssyncset.done $0x0  }
.Ltmp2:
0xad: {  	s24 =	simm.s32 @!p0 $0x3;
	[sflag:s13] =	ssyncadd.s32 $0xFFFFD900;
	(pc) =	sbr.rel @p1 .LBB2_1-.Ltmp2, $4  }
0xae: {  	[hbm:s10], [sflag:s5] =	dma.local @!p0 [spmem:s14], $0x100  }
0xaf: {  	_ =	swait.ge @!p0 [sflag:s24], $0x100  }
0xb0: {  	[sflag:s24] =	ssyncset.done @!p0 $0x0  }
0xb1: {  	[sflag:s24] =	ssyncadd.s32 @!p0 $0xFFFFFF00  }
0xb2: {  	_ =	sfence.sel $0x180000  }
0xb3: {  	[bflag:$0x0] =	sbarrier.arrive $0xFFFF  }
0xb4: {  	_ =	strace $0x90000047  }
0xb5: {  	s0 =	sadd.s32 @!p0 $0x100000, s0;
	[bflag:$0x2] =	sbarrier.arrive $0xFFFF  }
0xb6: {  	[sflag:s0] =	ssyncadd.tile.s32 @!p0 $0x1;
	_ =	shalt  }
.Lfunc_end2:
_tile_overlayer_lowered:
.L_overlay_start_2:
0xb7: {  	(tag) =	ssettag $0x2  }
0xb8: {  	s0 =	rddreg [dreg:$0x0];
	s2 =	stileid.u32  }
0xb9: {  	s1 =	rddreg [dreg:$0x1];
	p0 =	sne.s32 s2, $0x0  }
0xba: {  	s3 =	rddreg [dreg:$0x2];
	[bflag:$0x3] =	sbarrier.arrive $0xFFFF;
	s2 =	simm.s32 @!p0 $0x1C03  }
0xbb: {  	[timem:s3], [sflag:s2] =	dma.local @!p0 [hbm:s0], s1  }
0xbc: {  	s0 =	simm.s32 @!p0 $0x3  }
0xbd: {  	_ =	swait.ge @!p0 [sflag:s0], s1  }
0xbe: {  	s1 =	ssub.s32 @!p0 $0x0, s1;
	[sflag:s0] =	ssyncset.done @!p0 $0x0  }
0xbf: {  	[sflag:s0] =	ssyncadd.s32 @!p0 s1  }
0xc0: {  	[bflag:$0x3] =	sbarrier.arrive $0xFFFF  }
0xc1: {  	_ =	shalt  }

// kernel: kernel.16.cloned.1.call-start
scs
__scs_entry_jumppad:
0x0: {  	(pc) =	sbr.rel $0x88, $3  }
0x1: {  	(tag) =	ssettag $0x0;
	lr =	simm.s32 $0x1  }
0x2: {  	[smem:$0x3F95] =	sst lr;
	_ =	strace $0xD0000000  }
0x3: {  	_ = 	snop  }
0x4: {  	_ = 	snop  }
0x5: {  	_ = 	snop  }
0x6: {  	_ = 	snop  }
0x7: {  	_ = 	snop  }
__scs_overlays_trampoline_lowered:
0x8: {  	[smem:$0x3FA4] =	sst s0  }
0x9: {  	[smem:$0x3FA5] =	sst s1  }
0xa: {  	[smem:$0x3FA6] =	sst s2  }
0xb: {  	[smem:$0x3FA7] =	sst s3  }
0xc: {  	[smem:$0x3FA8] =	sst s4  }
0xd: {  	[smem:$0x3FA9] =	sst s5  }
0xe: {  	[smem:$0x3FAA] =	sst s6  }
0xf: {  	[smem:$0x3FAB] =	sst s7  }
0x10: {  	[smem:$0x3FAC] =	sst s8  }
0x11: {  	[smem:$0x3FAD] =	sst s9;
	s0 =	simm.s32 @!p0 $0x0  }
0x12: {  	s1 =	sld [smem:$0x3F93];
	s0 =	simm.s32 @p0 $0x1  }
0x13: {  	[smem:$0x3FAE] =	sst s0;
	s0 =	simm.s32 @!p1 $0x0  }
0x14: {  	s2 =	sld [smem:$0x3F92];
	s0 =	simm.s32 @p1 $0x1  }
0x15: {  	[smem:$0x3FAF] =	sst s0;
	s0 =	simm.s32 @!p2 $0x0  }
0x16: {  	s3 =	sld [smem:$0x3FDB];
	s0 =	simm.s32 @p2 $0x1  }
0x17: {  	s4 =	simm.s32 $0x1BF5;
	[smem:$0x3FB1] =	sst s0  }
0x18: {  	s0 =	sld [smem:$0x3F94];
	_ =	swait.ge [sflag:s4], $0x0  }
0x19: {  	s7 =	sld [smem:$0x3F95]  }
0x1a: {  	s8 =	sadd.s32 $0xFFFFE003, lr  }
0x1b: {  	s9 =	sadd.s32 $0xFFFFFEF7, lr;
	s5 =	simm.s32 $0xFFFFFFFF;
	p2 =	slt.u32 s8, $0xFFFFF086  }
0x1c: {  	p1 =	slt.u32 s9, $0xF7A;
	s5 =	simm.s32 @!p2 $0x0  }
0x1d: {  	s5 =	simm.s32 @p1 $0x1;
	p0 =	seq.s32 s7, s2  }
0x1e: {  	s7 =	smul.u32 @!p0 $0xF7A, s2;
	p2 =	seq.s32 @!p0 s5, $0x0  }
0x1f: {  	s9 =	smul.u32 $0xF7A, s1;
	s8 =	simm.s32 @!p0 $0x1BF5;
	p2 =	por !p2, p0  }
0x20: {  	[sflag:s8] =	ssyncset.s32 @!p0 $0xFFFFF086;
	s6 =	sadd.s32 @!p0 s3, s7;
	s7 =	simm.s32 @!p0 $0x108  }
0x21: {  	s3 =	sadd.s32 s3, s9;
	s6 =	sadd.s32 @!p0 $0x88, s6;
	s7 =	simm.s32 @p2 $0x1082  }
0x22: {  	[simem:s7], [sflag:s8] =	dma.local @!p0 [hbm:s6], $0xF7A  }
0x23: {  	s9 =	sor.u32 $0xD0000000, s2;
	s6 =	simm.s32 $0x108;
	_ =	swait.ge @!p0 [sflag:s8], $0x0  }
0x24: {  	s3 =	sadd.s32 $0x88, s3;
	s6 =	simm.s32 @!p1 $0x1082;
	[sflag:s4] =	ssyncset.s32 $0xFFFFF086  }
0x25: {  	[simem:s6], [sflag:s4] =	dma.local [hbm:s3], $0xF7A  }
0x26: {  	[smem:$0x3F95] =	sst s1;
	(tag) =	ssettag s2;
	_ =	strace s9  }
0x27: {  	s1 =	sld [smem:$0x3FA5]  }
0x28: {  	s2 =	sld [smem:$0x3FA6]  }
0x29: {  	s4 =	sld [smem:$0x3FA8]  }
0x2a: {  	p0 =	seq.s32 s5, $0x0;
	s5 =	sld [smem:$0x3FA9]  }
0x2b: {  	s6 =	sld [smem:$0x3FAA]  }
0x2c: {  	s7 =	sld [smem:$0x3FAB]  }
0x2d: {  	s3 =	simm.s32 $0x108;
	s8 =	sld [smem:$0x3FAC]  }
0x2e: {  	s3 =	simm.s32 @!p0 $0x1082;
	s9 =	sld [smem:$0x3FAD]  }
0x2f: {  	lr =	sadd.s32 s0, s3;
	s0 =	sld [smem:$0x3FA4]  }
0x30: {  	s3 =	sld [smem:$0x3FA7]  }
0x31: {  	[smem:$0x3FB0] =	sst s10  }
0x32: {  	s10 =	sld [smem:$0x3FAE];
	_ =	sdelay $0x3  }
0x33: {  	p0 =	seq.s32 s10, $0x1;
	s10 =	sld [smem:$0x3FB0];
	_ =	sdelay $0x3  }
0x34: {  	[smem:$0x3FB0] =	sst s10  }
0x35: {  	s10 =	sld [smem:$0x3FAF];
	_ =	sdelay $0x3  }
0x36: {  	p1 =	seq.s32 s10, $0x1;
	s10 =	sld [smem:$0x3FB0];
	_ =	sdelay $0x3  }
0x37: {  	[smem:$0x3FB0] =	sst s10  }
0x38: {  	s10 =	sld [smem:$0x3FB1]  }
0x39: {  	_ = 	snop;
	(pc) =	sbr.ind lr, $3  }
0x3a: {  	_ = 	snop  }
0x3b: {  	_ = 	snop  }
0x3c: {  	p2 =	seq.s32 s10, $0x1;
	s10 =	sld [smem:$0x3FB0]  }
0x3d: {  	_ =	shalt  }
0x3e: {  	_ =	shalt  }
0x3f: {  	_ =	shalt  }
0x40: {  	_ =	shalt  }
0x41: {  	_ =	shalt  }
0x42: {  	_ =	shalt  }
0x43: {  	_ =	shalt  }
0x44: {  	_ =	shalt  }
0x45: {  	_ =	shalt  }
0x46: {  	_ =	shalt  }
0x47: {  	_ =	shalt  }
0x48: {  	_ =	shalt  }
0x49: {  	_ =	shalt  }
0x4a: {  	_ =	shalt  }
0x4b: {  	_ =	shalt  }
0x4c: {  	_ =	shalt  }
0x4d: {  	_ =	shalt  }
0x4e: {  	_ =	shalt  }
0x4f: {  	_ =	shalt  }
0x50: {  	_ =	shalt  }
0x51: {  	_ =	shalt  }
0x52: {  	_ =	shalt  }
0x53: {  	_ =	shalt  }
0x54: {  	_ =	shalt  }
0x55: {  	_ =	shalt  }
0x56: {  	_ =	shalt  }
0x57: {  	_ =	shalt  }
0x58: {  	_ =	shalt  }
0x59: {  	_ =	shalt  }
0x5a: {  	_ =	shalt  }
0x5b: {  	_ =	shalt  }
0x5c: {  	_ =	shalt  }
0x5d: {  	_ =	shalt  }
0x5e: {  	_ =	shalt  }
0x5f: {  	_ =	shalt  }
0x60: {  	_ =	shalt  }
0x61: {  	_ =	shalt  }
0x62: {  	_ =	shalt  }
0x63: {  	_ =	shalt  }
0x64: {  	_ =	shalt  }
0x65: {  	_ =	shalt  }
0x66: {  	_ =	shalt  }
0x67: {  	_ =	shalt  }
0x68: {  	_ =	shalt  }
0x69: {  	_ =	shalt  }
0x6a: {  	_ =	shalt  }
0x6b: {  	_ =	shalt  }
0x6c: {  	_ =	shalt  }
0x6d: {  	_ =	shalt  }
0x6e: {  	_ =	shalt  }
0x6f: {  	_ =	shalt  }
0x70: {  	_ =	shalt  }
0x71: {  	_ =	shalt  }
0x72: {  	_ =	shalt  }
0x73: {  	_ =	shalt  }
0x74: {  	_ =	shalt  }
0x75: {  	_ =	shalt  }
0x76: {  	_ =	shalt  }
0x77: {  	_ =	shalt  }
0x78: {  	_ =	shalt  }
0x79: {  	_ =	shalt  }
0x7a: {  	_ =	shalt  }
0x7b: {  	_ =	shalt  }
0x7c: {  	_ =	shalt  }
0x7d: {  	_ =	shalt  }
0x7e: {  	_ =	shalt  }
0x7f: {  	_ =	shalt  }
0x80: {  	_ =	shalt  }
0x81: {  	_ =	shalt  }
0x82: {  	_ =	shalt  }
0x83: {  	_ =	shalt  }
0x84: {  	_ =	shalt  }
0x85: {  	_ =	shalt  }
0x86: {  	_ =	shalt  }
0x87: {  	_ =	shalt  }
.Lfunc_end0:
.L_simem_size_0:
called_computation.1_lowered:
.L_overlay_start_0:
0x88: {  	s2 =	sld [smem:$0x3FD9]  }
0x89: {  	s3 =	sld [smem:$0x3FFE];
	_ =	sdelay $0x1  }
0x8a: {  	s1 =	srdreg.scid  }
0x8b: {  	s0 =	sand.u32 $0x1, s1  }
0x8c: {  	s16 =	sshll.u32 s0, $0xA;
	s2 =	sadd.s32 s3, s2  }
0x8d: {  	s2 =	sadd.s32 s2, s16  }
0x8e: {  	[smem:$0x3FBC] =	sst s2  }
0x8f: {  	_ = 	snop  }
0x90: {  	(tm) =	ssettm $0x1  }
0x91: {  	s17 =	sld [smem:$0x3FFB];
	_ =	sdelay $0x3  }
0x92: {  	_ =	strace s17  }
0x93: {  	s2 =	sld [smem:$0x3FFC];
	_ =	sdelay $0x3  }
0x94: {  	_ =	strace s2  }
0x95: {  	s2 =	sld [smem:$0x3FFD];
	_ =	sdelay $0x3  }
0x96: {  	_ =	strace s2  }
0x97: {  	_ =	strace $0x8FFFFFFF  }
0x98: {  	s18 =	sld [smem:$0x3FDB];
	_ =	sdelay $0x1  }
0x99: {  	s19 =	simm.s32 $_scs_section_size  }
0x9a: {  	s4 =	simm.s32 $_size__tile_overlayer_lowered;
	s5 =	simm.s32 $_tile_overlayer_lowered  }
0x9b: {  	s22 =	simm.s32 $0x1BFF;
	s21 =	sshll.u32 s5, $0x1;
	s2 =	sadd.s32 s19, s18  }
0x9c: {  	s6 =	simm.s32 $0x0;
	s20 =	sshll.u32 s4, $0x1;
	s4 =	sadd.s32 s21, s2  }
0x9d: {  	[timem:s6], [sflag:s22] =	dma.local [hbm:s4], s20  }
0x9e: {  	_ =	swait.ge [sflag:s22], s20  }
0x9f: {  	s3 =	ssub.s32 $0x0, s20;
	[sflag:s22] =	ssyncset.done $0x0  }
0xa0: {  	[sflag:s22] =	ssyncadd.s32 s3;
	_ =	sdelay $0x1  }
0xa1: {  	s23 =	simm.s32 $0x1B8B  }
0xa2: {  	_ =	swait.ge [sflag:s23], $0x1  }
0xa3: {  	[sflag:s23] =	ssyncset.done $0x0  }
0xa4: {  	s25 =	simm.s32 $0x1B8E;
	s24 =	sld [smem:$0x3FFE];
	[sflag:s23] =	ssyncadd.s32 $0xFFFFFFFF  }
0xa5: {  	s26 =	simm.s32 $execute0_lowered;
	[smem:$0x3FD2] =	sst s25  }
0xa6: {  	s4 =	sshll.u32 s26, $0x1;
	_ =	strace $0x80000049;
	[dreg:$0x1] =	wrdreg $0xFFFFFFFF  }
0xa7: {  	s28 =	simm.s32 $_size_execute0_lowered;
	s2 =	sadd.s32 s2, s4;
	[dreg:$0x0] =	wrdreg $0x0  }
0xa8: {  	s4 =	sshll.u32 s28, $0x1;
	[dreg:$0x2] =	wrdreg s2  }
0xa9: {  	[dreg:$0x3] =	wrdreg s4  }
0xaa: {  	[dreg:$0x4] =	wrdreg $0xC0  }
0xab: {  	_ =	task [dreg:s6], $0x5FFFF  }
0xac: {  	[dreg:$0x1] =	wrdreg $0xFFFFFFFF  }
0xad: {  	[dreg:$0x0] =	wrdreg $0x60  }
0xae: {  	[dreg:$0x2] =	wrdreg s24  }
0xaf: {  	[dreg:$0x3] =	wrdreg $0xA8000  }
0xb0: {  	[dreg:$0x4] =	wrdreg $0x9  }
0xb1: {  	_ =	task.clear_ibuf [dreg:s6], $0x5FFFF;
	_ =	strace $0x90000049  }
0xb2: {  	s29 =	simm.s32 $0x9;
	_ =	strace $0x8000004B  }
0xb3: {  	_ =	swait.ge [sflag:s29], $0x1  }
0xb4: {  	[sflag:s29] =	ssyncadd.s32 $0xFFFFFFFF  }
0xb5: {  	_ =	strace $0x9000004B  }
0xb6: {  	_ =	sfence  }
0xb7: {  	s30 =	sld [smem:$0x0];
	_ =	sdelay $0x2  }
0xb8: {  	s31 =	sshll.u32 s1, $0xD;
	s1 =	sshrl.u32 s1, $0x2  }
0xb9: {  	s3 =	sand.u32 $0x4000, s31;
	s1 =	sadd.s32 s1, s30  }
0xba: {  	s0 =	sor.u32 s3, s0;
	s1 =	sshll.u32 s1, $0x11  }
0xbb: {  	s0 =	sor.u32 s1, s0  }
0xbc: {  	s0 =	sadd.s32 $0x8F2B, s0  }
0xbd: {  	[sflag:s0] =	ssyncadd.remote.s32 $0x1  }
0xbe: {  	_ =	sfence.sel $0xFFFF  }
0xbf: {  	[dreg:$0x0] =	wrdreg $0xFFFFFFFF;
	(pc) =	sbr.abs _section_cstart, $3  }
0xc0: {  	[dreg:$0x1] =	wrdreg $0xFFFFFFFF  }
0xc1: {  	_ =	task.clear_ibuf [dreg:s6], $0x2FFFF;
	_ =	strace $0x9FFFFFFF  }
0xc2: {  	(tm) =	ssettm $0x7FFFFFFF  }
0xc3: {  	_ =	shalt  }
tec
execute0_lowered:
.L_overlay_start_1:
0x0: {  	(tag) =	ssettag $0x1  }
0x1: {  	s6 =	rddreg [dreg:$0x0]  }
0x2: {  	s1 =	rddreg [dreg:$0x1]  }
0x3: {  	s0 =	rddreg [dreg:$0x2];
	s2 =	simm.s32 $0x0;
	s12 =	stileid.u32  }
0x4: {  	s4 =	srdreg.scid;
	s18 =	simm.s32 $0x1;
	s19 =	simm.s32 $0x2  }
0x5: {  	s20 =	simm.s32 $0x2700;
	s21 =	simm.s32 $0x2680;
	s22 =	simm.s32 $0x2780  }
0x6: {  	s23 =	simm.s32 $0x0;
	[smem:$0x7FF] =	sst s2;
	s8 =	smul.u32 $0x13800, s12  }
0x7: {  	s3 =	sadd.s32 $0x16A00, s6;
	s5 =	sand.u32 $0x1, s4;
	s9 =	sadd.s32 $0x2A00, s6  }
0x8: {  	s11 =	sadd.s32 $0x64E00, s6;
	s28 =	sshll.u32 s12, $0x6;
	s17 =	sadd.s32 $0x138000, s1  }
0x9: {  	p0 =	sne.s32 s12, $0x0;
	_ =	strace $0x8000004A;
	s7 =	sshll.u32 s5, $0x4  }
0xa: {  	s10 =	ssub.s32 $0x2, s5;
	s16 =	smul.u32 $0x138800, s5;
	s5 =	sor.u32 $0x1C03, s28  }
0xb: {  	s25 =	sshrl.u32 s8, $0x3;
	s7 =	sor.u32 s12, s7;
	s13 =	sshrl.u32 s10, $0x1  }
0xc: {  	s15 =	sadd.s32 s8, s1;
	s4 =	sadd.s32 s25, s6;
	s14 =	smul.u32 $0xA00, s7  }
0xd: {  	s13 =	ssub.s32 s10, s13;
	s26 =	smul.u32 $0x5000, s7;
	s6 =	sadd.s32 $0x64C00, s6  }
0xe: {  	s8 =	sadd.s32 s8, s16;
	s30 =	sshrl.u32 s16, $0x3;
	s12 =	sshrl.u32 s15, $0x3  }
0xf: {  	s15 =	simm.s32 $0x80;
	s16 =	simm.s32 $0x2800;
	s4 =	sadd.s32 $0x3DC00, s4  }
0x10: {  	s29 =	sshrl.u32 s8, $0x3;
	s31 =	sadd.s32 s11, s30;
	s10 =	sshrl.u32 s26, $0x3  }
0x11: {  	s7 =	sadd.s32 s9, s14;
	s14 =	sshrl.u32 @!p0 s17, $0x3;
	s9 =	sadd.s32 s9, s10  }
0x12: {  	s17 =	simm.s32 $0x6800;
	s10 =	sadd.s32 $0x27000, s31;
	s8 =	sadd.s32 $0x500, s9  }
0x13: {  	s9 =	sadd.s32 s11, s29;
	s11 =	smax.u32 s13, $0x1;
	s13 =	simm.s32 $0x3  }
.LBB2_1:
0x14: {  	[spmem:s12], [sflag:s5] =	dma.local [hbm:s4], $0x2700  }
0x15: {  	_ =	swait.ge [sflag:s13], $0x2700  }
0x16: {  	[sflag:s13] =	ssyncset.done $0x0  }
0x17: {  	s24 =	simm.s32 @!p0 $0x3;
	[sflag:s13] =	ssyncadd.s32 $0xFFFFD900  }
0x18: {  	[spmem:s14], [sflag:s5] =	dma.local @!p0 [hbm:s6], $0x100  }
0x19: {  	_ =	swait.ge @!p0 [sflag:s24], $0x100  }
0x1a: {  	[sflag:s24] =	ssyncset.done @!p0 $0x0  }
0x1b: {  	[sflag:s24] =	ssyncadd.s32 @!p0 $0xFFFFFF00  }
0x1c: {  	[bflag:$0x0] =	sbarrier.arrive $0xFFFF  }
0x1d: {  	[tilespmem:s2], [sflag:$0x3] =	stream.linear.gather [hbm4b:s7+s2], $0x2800, $0x38;
	[tilespmem:$0x1E0C0] =	vst v63  }
0x1e: {  	_ =	swait.ge [sflag:s13], $0x2800  }
0x1f: {  	[sflag:s13] =	ssyncset.done $0x0  }
0x20: {  	[sflag:s13] =	ssyncadd.s32 $0xFFFFD800  }
0x21: {  	[tilespmem:s16], [sflag:$0x1] =	stream.indirect.gather [hbm4b:s3+s15], $0x80, s2, s15, $0xb8;
	[tilespmem:$0x1E0C0] =	vst v63  }
0x22: {  	s28 =	simm.s32 $0x100  }
0x23: {  	[tilespmem:s17], [sflag:$0x2] =	stream.indirect.gather [hbm4b:s3+s15], $0x80, s28, s15, $0xb8;
	[tilespmem:$0x1E0C0] =	vst v63  }
0x24: {  	_ =	swait.ge [sflag:s18], $0x4000  }
0x25: {  	[sflag:s18] =	ssyncset.done $0x0  }
0x26: {  	s29 =	simm.s32 $0x80;
	[sflag:s18] =	ssyncadd.s32 $0xFFFFC000  }
0x27: {  	[spmem:s1] =	stream.indirect.scatter.add.f32 [tilespmem:s16], [sflag:$0x3], $0x80, s29, s15, $0xb8;
	[tilespmem:$0x1E0C0] =	vst v63  }
0x28: {  	_ =	swait.ge [sflag:s13], $0x4000  }
0x29: {  	[sflag:s13] =	ssyncset.done $0x0  }
0x2a: {  	s30 =	simm.s32 $0x200;
	[sflag:s13] =	ssyncadd.s32 $0xFFFFC000  }
0x2b: {  	[tilespmem:s16], [sflag:$0x1] =	stream.indirect.gather [hbm4b:s3+s15], $0x80, s30, s15, $0xb8;
	[tilespmem:$0x1E0C0] =	vst v63  }
0x2c: {  	_ =	swait.ge [sflag:s19], $0x4000  }
0x2d: {  	[sflag:s19] =	ssyncset.done $0x0  }
0x2e: {  	s31 =	simm.s32 $0x180;
	[sflag:s19] =	ssyncadd.s32 $0xFFFFC000  }
0x2f: {  	[spmem:s1] =	stream.indirect.scatter.add.f32 [tilespmem:s17], [sflag:$0x3], $0x80, s31, s15, $0xb8;
	[tilespmem:$0x1E0C0] =	vst v63  }
0x30: {  	_ =	swait.ge [sflag:s13], $0x4000  }
0x31: {  	s25 =	simm.s32 $0xFFFF7800;
	s24 =	simm.s32 $0xFFFFDC00;
	[sflag:s13] =	ssyncset.done $0x0  }
.LBB2_2:
0x32: {  	s26 =	sadd.s32 $0x2700, s24  }
0x33: {  	[sflag:s13] =	ssyncadd.s32 $0xFFFFC000;
	s28 =	smov.u32 s25;
	s29 =	sadd.s32 $0x800, s25  }
0x34: {  	[tilespmem:s17], [sflag:$0x2] =	stream.indirect.gather [hbm4b:s3+s15], $0x80, s26, s15, $0xb8;
	[tilespmem:$0x1E0C0] =	vst v63  }
0x35: {  	p1 =	sne.s32 s25, $0xFFFFF800;
	_ =	swait.ge [sflag:s18], $0x4000  }
0x36: {  	[sflag:s18] =	ssyncset.done $0x0  }
0x37: {  	s25 =	sadd.s32 $0x2680, s24;
	[sflag:s18] =	ssyncadd.s32 $0xFFFFC000  }
0x38: {  	[spmem:s1] =	stream.indirect.scatter.add.f32 [tilespmem:s16], [sflag:$0x3], $0x80, s25, s15, $0xb8;
	[tilespmem:$0x1E0C0] =	vst v63  }
0x39: {  	_ =	swait.ge [sflag:s13], $0x4000  }
0x3a: {  	[sflag:s13] =	ssyncset.done $0x0  }
0x3b: {  	s25 =	sadd.s32 $0x2800, s24;
	[sflag:s13] =	ssyncadd.s32 $0xFFFFC000  }
0x3c: {  	[tilespmem:s16], [sflag:$0x1] =	stream.indirect.gather [hbm4b:s3+s15], $0x80, s25, s15, $0xb8;
	[tilespmem:$0x1E0C0] =	vst v63  }
0x3d: {  	_ =	swait.ge [sflag:s19], $0x4000  }
.Ltmp0:
0x3e: {  	[sflag:s19] =	ssyncset.done $0x0;
	(pc) =	sbr.rel @p1 .LBB2_2-.Ltmp0, $4  }
0x3f: {  	s24 =	sadd.s32 $0x2780, s24;
	[sflag:s19] =	ssyncadd.s32 $0xFFFFC000  }
0x40: {  	[spmem:s1] =	stream.indirect.scatter.add.f32 [tilespmem:s17], [sflag:$0x3], $0x80, s24, s15, $0xb8;
	[tilespmem:$0x1E0C0] =	vst v63  }
0x41: {  	_ =	swait.ge [sflag:s13], $0x4000  }
0x42: {  	s25 =	smov.u32 s29;
	s24 =	sshra.s32 s28, $0x2;
	[sflag:s13] =	ssyncset.done $0x0  }
0x43: {  	s25 =	sadd.s32 $0x2700, s24;
	[sflag:s13] =	ssyncadd.s32 $0xFFFFC000  }
0x44: {  	[tilespmem:s17], [sflag:$0x2] =	stream.indirect.gather [hbm4b:s3+s15], $0x80, s25, s15, $0xb8;
	[tilespmem:$0x1E0C0] =	vst v63  }
0x45: {  	_ =	swait.ge [sflag:s18], $0x4000  }
0x46: {  	[sflag:s18] =	ssyncset.done $0x0  }
0x47: {  	s30 =	sadd.s32 $0x2680, s24;
	[sflag:s18] =	ssyncadd.s32 $0xFFFFC000  }
0x48: {  	[spmem:s1] =	stream.indirect.scatter.add.f32 [tilespmem:s16], [sflag:$0x3], $0x80, s30, s15, $0xb8;
	[tilespmem:$0x1E0C0] =	vst v63  }
0x49: {  	_ =	swait.ge [sflag:s13], $0x4000  }
0x4a: {  	[sflag:s13] =	ssyncset.done $0x0  }
0x4b: {  	s31 =	sadd.s32 $0x2800, s24;
	[sflag:s13] =	ssyncadd.s32 $0xFFFFC000  }
0x4c: {  	[tilespmem:s16], [sflag:$0x1] =	stream.indirect.gather [hbm4b:s3+s15], $0x80, s31, s15, $0xb8;
	[tilespmem:$0x1E0C0] =	vst v63  }
0x4d: {  	_ =	swait.ge [sflag:s19], $0x4000  }
0x4e: {  	[sflag:s19] =	ssyncset.done $0x0  }
0x4f: {  	s26 =	sadd.s32 $0x2780, s24;
	[sflag:s19] =	ssyncadd.s32 $0xFFFFC000  }
0x50: {  	[spmem:s1] =	stream.indirect.scatter.add.f32 [tilespmem:s17], [sflag:$0x3], $0x80, s26, s15, $0xb8;
	[tilespmem:$0x1E0C0] =	vst v63  }
0x51: {  	_ =	swait.ge [sflag:s13], $0x4000  }
0x52: {  	[sflag:s13] =	ssyncset.done $0x0  }
0x53: {  	[sflag:s13] =	ssyncadd.s32 $0xFFFFC000  }
0x54: {  	[tilespmem:s17], [sflag:$0x2] =	stream.indirect.gather [hbm4b:s3+s15], $0x80, s20, s15, $0xb8;
	[tilespmem:$0x1E0C0] =	vst v63  }
0x55: {  	_ =	swait.ge [sflag:s18], $0x4000  }
0x56: {  	[sflag:s18] =	ssyncset.done $0x0  }
0x57: {  	[sflag:s18] =	ssyncadd.s32 $0xFFFFC000  }
0x58: {  	[spmem:s1] =	stream.indirect.scatter.add.f32 [tilespmem:s16], [sflag:$0x3], $0x80, s21, s15, $0xb8;
	[tilespmem:$0x1E0C0] =	vst v63  }
0x59: {  	_ =	swait.ge [sflag:s13], $0x4000  }
0x5a: {  	[sflag:s13] =	ssyncset.done $0x0  }
0x5b: {  	[sflag:s13] =	ssyncadd.s32 $0xFFFFC000  }
0x5c: {  	_ =	swait.ge [sflag:s19], $0x4000  }
0x5d: {  	[sflag:s19] =	ssyncset.done $0x0  }
0x5e: {  	[sflag:s19] =	ssyncadd.s32 $0xFFFFC000  }
0x5f: {  	[spmem:s1] =	stream.indirect.scatter.add.f32 [tilespmem:s17], [sflag:$0x3], $0x80, s22, s15, $0xb8;
	[tilespmem:$0x1E0C0] =	vst v63  }
0x60: {  	_ =	swait.ge [sflag:s13], $0x4000  }
0x61: {  	[sflag:s13] =	ssyncset.done $0x0  }
0x62: {  	[sflag:s13] =	ssyncadd.s32 $0xFFFFC000  }
0x63: {  	[tilespmem:s2], [sflag:$0x3] =	stream.linear.gather [hbm4b:s8+s2], $0x2800, $0x38;
	[tilespmem:$0x1E0C0] =	vst v63  }
0x64: {  	_ =	swait.ge [sflag:s13], $0x2800  }
0x65: {  	[sflag:s13] =	ssyncset.done $0x0  }
0x66: {  	[sflag:s13] =	ssyncadd.s32 $0xFFFFD800  }
0x67: {  	[tilespmem:s16], [sflag:$0x1] =	stream.indirect.gather [hbm4b:s3+s15], $0x80, s2, s15, $0xb8;
	[tilespmem:$0x1E0C0] =	vst v63  }
0x68: {  	s28 =	simm.s32 $0x100  }
0x69: {  	[tilespmem:s17], [sflag:$0x2] =	stream.indirect.gather [hbm4b:s3+s15], $0x80, s28, s15, $0xb8;
	[tilespmem:$0x1E0C0] =	vst v63  }
0x6a: {  	_ =	swait.ge [sflag:s18], $0x4000  }
0x6b: {  	[sflag:s18] =	ssyncset.done $0x0  }
0x6c: {  	s29 =	simm.s32 $0x80;
	[sflag:s18] =	ssyncadd.s32 $0xFFFFC000  }
0x6d: {  	[spmem:s1] =	stream.indirect.scatter.add.f32 [tilespmem:s16], [sflag:$0x3], $0x80, s29, s15, $0xb8;
	[tilespmem:$0x1E0C0] =	vst v63  }
0x6e: {  	_ =	swait.ge [sflag:s13], $0x4000  }
0x6f: {  	[sflag:s13] =	ssyncset.done $0x0  }
0x70: {  	s30 =	simm.s32 $0x200;
	[sflag:s13] =	ssyncadd.s32 $0xFFFFC000  }
0x71: {  	[tilespmem:s16], [sflag:$0x1] =	stream.indirect.gather [hbm4b:s3+s15], $0x80, s30, s15, $0xb8;
	[tilespmem:$0x1E0C0] =	vst v63  }
0x72: {  	_ =	swait.ge [sflag:s19], $0x4000  }
0x73: {  	[sflag:s19] =	ssyncset.done $0x0  }
0x74: {  	s31 =	simm.s32 $0x180;
	[sflag:s19] =	ssyncadd.s32 $0xFFFFC000  }
0x75: {  	[spmem:s1] =	stream.indirect.scatter.add.f32 [tilespmem:s17], [sflag:$0x3], $0x80, s31, s15, $0xb8;
	[tilespmem:$0x1E0C0] =	vst v63  }
0x76: {  	_ =	swait.ge [sflag:s13], $0x4000  }
0x77: {  	s24 =	simm.s32 $0xFFFFDC00;
	s25 =	simm.s32 $0xFFFF7800;
	[sflag:s13] =	ssyncset.done $0x0  }
.LBB2_4:
0x78: {  	s26 =	sadd.s32 $0x2700, s24  }
0x79: {  	[sflag:s13] =	ssyncadd.s32 $0xFFFFC000;
	s28 =	smov.u32 s25;
	s29 =	sadd.s32 $0x800, s25  }
0x7a: {  	[tilespmem:s17], [sflag:$0x2] =	stream.indirect.gather [hbm4b:s3+s15], $0x80, s26, s15, $0xb8;
	[tilespmem:$0x1E0C0] =	vst v63  }
0x7b: {  	p1 =	sne.s32 s25, $0xFFFFF800;
	_ =	swait.ge [sflag:s18], $0x4000  }
0x7c: {  	[sflag:s18] =	ssyncset.done $0x0  }
0x7d: {  	s25 =	sadd.s32 $0x2680, s24;
	[sflag:s18] =	ssyncadd.s32 $0xFFFFC000  }
0x7e: {  	[spmem:s1] =	stream.indirect.scatter.add.f32 [tilespmem:s16], [sflag:$0x3], $0x80, s25, s15, $0xb8;
	[tilespmem:$0x1E0C0] =	vst v63  }
0x7f: {  	_ =	swait.ge [sflag:s13], $0x4000  }
0x80: {  	[sflag:s13] =	ssyncset.done $0x0  }
0x81: {  	s25 =	sadd.s32 $0x2800, s24;
	[sflag:s13] =	ssyncadd.s32 $0xFFFFC000  }
0x82: {  	[tilespmem:s16], [sflag:$0x1] =	stream.indirect.gather [hbm4b:s3+s15], $0x80, s25, s15, $0xb8;
	[tilespmem:$0x1E0C0] =	vst v63  }
0x83: {  	_ =	swait.ge [sflag:s19], $0x4000  }
.Ltmp1:
0x84: {  	[sflag:s19] =	ssyncset.done $0x0;
	(pc) =	sbr.rel @p1 .LBB2_4-.Ltmp1, $4  }
0x85: {  	s24 =	sadd.s32 $0x2780, s24;
	[sflag:s19] =	ssyncadd.s32 $0xFFFFC000  }
0x86: {  	[spmem:s1] =	stream.indirect.scatter.add.f32 [tilespmem:s17], [sflag:$0x3], $0x80, s24, s15, $0xb8;
	[tilespmem:$0x1E0C0] =	vst v63  }
0x87: {  	_ =	swait.ge [sflag:s13], $0x4000  }
0x88: {  	s25 =	smov.u32 s29;
	s24 =	sshra.s32 s28, $0x2;
	[sflag:s13] =	ssyncset.done $0x0  }
0x89: {  	s25 =	sadd.s32 $0x2700, s24;
	[sflag:s13] =	ssyncadd.s32 $0xFFFFC000  }
0x8a: {  	[tilespmem:s17], [sflag:$0x2] =	stream.indirect.gather [hbm4b:s3+s15], $0x80, s25, s15, $0xb8;
	[tilespmem:$0x1E0C0] =	vst v63  }
0x8b: {  	_ =	swait.ge [sflag:s18], $0x4000  }
0x8c: {  	[sflag:s18] =	ssyncset.done $0x0  }
0x8d: {  	s29 =	sadd.s32 $0x2680, s24;
	[sflag:s18] =	ssyncadd.s32 $0xFFFFC000  }
0x8e: {  	[spmem:s1] =	stream.indirect.scatter.add.f32 [tilespmem:s16], [sflag:$0x3], $0x80, s29, s15, $0xb8;
	[tilespmem:$0x1E0C0] =	vst v63  }
0x8f: {  	_ =	swait.ge [sflag:s13], $0x4000  }
0x90: {  	[sflag:s13] =	ssyncset.done $0x0  }
0x91: {  	s30 =	sadd.s32 $0x2800, s24;
	[sflag:s13] =	ssyncadd.s32 $0xFFFFC000  }
0x92: {  	[tilespmem:s16], [sflag:$0x1] =	stream.indirect.gather [hbm4b:s3+s15], $0x80, s30, s15, $0xb8;
	[tilespmem:$0x1E0C0] =	vst v63  }
0x93: {  	_ =	swait.ge [sflag:s19], $0x4000  }
0x94: {  	[sflag:s19] =	ssyncset.done $0x0  }
0x95: {  	s31 =	sadd.s32 $0x2780, s24;
	[sflag:s19] =	ssyncadd.s32 $0xFFFFC000  }
0x96: {  	[spmem:s1] =	stream.indirect.scatter.add.f32 [tilespmem:s17], [sflag:$0x3], $0x80, s31, s15, $0xb8;
	[tilespmem:$0x1E0C0] =	vst v63  }
0x97: {  	_ =	swait.ge [sflag:s13], $0x4000  }
0x98: {  	[sflag:s13] =	ssyncset.done $0x0  }
0x99: {  	[sflag:s13] =	ssyncadd.s32 $0xFFFFC000  }
0x9a: {  	[tilespmem:s17], [sflag:$0x2] =	stream.indirect.gather [hbm4b:s3+s15], $0x80, s20, s15, $0xb8;
	[tilespmem:$0x1E0C0] =	vst v63  }
0x9b: {  	_ =	swait.ge [sflag:s18], $0x4000  }
0x9c: {  	[sflag:s18] =	ssyncset.done $0x0  }
0x9d: {  	[sflag:s18] =	ssyncadd.s32 $0xFFFFC000  }
0x9e: {  	[spmem:s1] =	stream.indirect.scatter.add.f32 [tilespmem:s16], [sflag:$0x3], $0x80, s21, s15, $0xb8;
	[tilespmem:$0x1E0C0] =	vst v63  }
0x9f: {  	_ =	swait.ge [sflag:s13], $0x4000  }
0xa0: {  	[sflag:s13] =	ssyncset.done $0x0  }
0xa1: {  	[sflag:s13] =	ssyncadd.s32 $0xFFFFC000  }
0xa2: {  	_ =	swait.ge [sflag:s19], $0x4000  }
0xa3: {  	[sflag:s19] =	ssyncset.done $0x0  }
0xa4: {  	[sflag:s19] =	ssyncadd.s32 $0xFFFFC000  }
0xa5: {  	[spmem:s1] =	stream.indirect.scatter.add.f32 [tilespmem:s17], [sflag:$0x3], $0x80, s22, s15, $0xb8;
	[tilespmem:$0x1E0C0] =	vst v63  }
0xa6: {  	_ =	swait.ge [sflag:s13], $0x4000  }
0xa7: {  	[sflag:s13] =	ssyncset.done $0x0  }
0xa8: {  	[sflag:s13] =	ssyncadd.s32 $0xFFFFC000  }
0xa9: {  	[bflag:$0x0] =	sbarrier.arrive $0xFFFF  }
0xaa: {  	[hbm:s9], [sflag:s5] =	dma.local [spmem:s12], $0x2700  }
0xab: {  	s23 =	sadd.s32 $0x1, s23;
	_ =	swait.ge [sflag:s13], $0x2700  }
0xac: {  	p1 =	sne.s32 s23, s11;
	[sflag:s13] =	ssyncset.done $0x0  }
.Ltmp2:
0xad: {  	s24 =	simm.s32 @!p0 $0x3;
	[sflag:s13] =	ssyncadd.s32 $0xFFFFD900;
	(pc) =	sbr.rel @p1 .LBB2_1-.Ltmp2, $4  }
0xae: {  	[hbm:s10], [sflag:s5] =	dma.local @!p0 [spmem:s14], $0x100  }
0xaf: {  	_ =	swait.ge @!p0 [sflag:s24], $0x100  }
0xb0: {  	[sflag:s24] =	ssyncset.done @!p0 $0x0  }
0xb1: {  	[sflag:s24] =	ssyncadd.s32 @!p0 $0xFFFFFF00  }
0xb2: {  	_ =	sfence.sel $0x180000  }
0xb3: {  	[bflag:$0x0] =	sbarrier.arrive $0xFFFF  }
0xb4: {  	_ =	strace $0x9000004A  }
0xb5: {  	s0 =	sadd.s32 @!p0 $0x100000, s0;
	[bflag:$0x2] =	sbarrier.arrive $0xFFFF  }
0xb6: {  	[sflag:s0] =	ssyncadd.tile.s32 @!p0 $0x1;
	_ =	shalt  }
.Lfunc_end2:
_tile_overlayer_lowered:
.L_overlay_start_2:
0xb7: {  	(tag) =	ssettag $0x2  }
0xb8: {  	s0 =	rddreg [dreg:$0x0];
	s2 =	stileid.u32  }
0xb9: {  	s1 =	rddreg [dreg:$0x1];
	p0 =	sne.s32 s2, $0x0  }
0xba: {  	s3 =	rddreg [dreg:$0x2];
	[bflag:$0x3] =	sbarrier.arrive $0xFFFF;
	s2 =	simm.s32 @!p0 $0x1C03  }
0xbb: {  	[timem:s3], [sflag:s2] =	dma.local @!p0 [hbm:s0], s1  }
0xbc: {  	s0 =	simm.s32 @!p0 $0x3  }
0xbd: {  	_ =	swait.ge @!p0 [sflag:s0], s1  }
0xbe: {  	s1 =	ssub.s32 @!p0 $0x0, s1;
	[sflag:s0] =	ssyncset.done @!p0 $0x0  }
0xbf: {  	[sflag:s0] =	ssyncadd.s32 @!p0 s1  }
0xc0: {  	[bflag:$0x3] =	sbarrier.arrive $0xFFFF  }
0xc1: {  	_ =	shalt  }

// kernel: kernel.19.cloned.1.call-start
scs
__scs_entry_jumppad:
0x0: {  	(pc) =	sbr.rel $0x88, $3  }
0x1: {  	(tag) =	ssettag $0x0;
	lr =	simm.s32 $0x1  }
0x2: {  	[smem:$0x3F95] =	sst lr;
	_ =	strace $0xD0000000  }
0x3: {  	_ = 	snop  }
0x4: {  	_ = 	snop  }
0x5: {  	_ = 	snop  }
0x6: {  	_ = 	snop  }
0x7: {  	_ = 	snop  }
__scs_overlays_trampoline_lowered:
0x8: {  	[smem:$0x3FA4] =	sst s0  }
0x9: {  	[smem:$0x3FA5] =	sst s1  }
0xa: {  	[smem:$0x3FA6] =	sst s2  }
0xb: {  	[smem:$0x3FA7] =	sst s3  }
0xc: {  	[smem:$0x3FA8] =	sst s4  }
0xd: {  	[smem:$0x3FA9] =	sst s5  }
0xe: {  	[smem:$0x3FAA] =	sst s6  }
0xf: {  	[smem:$0x3FAB] =	sst s7  }
0x10: {  	[smem:$0x3FAC] =	sst s8  }
0x11: {  	[smem:$0x3FAD] =	sst s9;
	s0 =	simm.s32 @!p0 $0x0  }
0x12: {  	s1 =	sld [smem:$0x3F93];
	s0 =	simm.s32 @p0 $0x1  }
0x13: {  	[smem:$0x3FAE] =	sst s0;
	s0 =	simm.s32 @!p1 $0x0  }
0x14: {  	s2 =	sld [smem:$0x3F92];
	s0 =	simm.s32 @p1 $0x1  }
0x15: {  	[smem:$0x3FAF] =	sst s0;
	s0 =	simm.s32 @!p2 $0x0  }
0x16: {  	s3 =	sld [smem:$0x3FDB];
	s0 =	simm.s32 @p2 $0x1  }
0x17: {  	s4 =	simm.s32 $0x1BF5;
	[smem:$0x3FB1] =	sst s0  }
0x18: {  	s0 =	sld [smem:$0x3F94];
	_ =	swait.ge [sflag:s4], $0x0  }
0x19: {  	s7 =	sld [smem:$0x3F95]  }
0x1a: {  	s8 =	sadd.s32 $0xFFFFE003, lr  }
0x1b: {  	s9 =	sadd.s32 $0xFFFFFEF7, lr;
	s5 =	simm.s32 $0xFFFFFFFF;
	p2 =	slt.u32 s8, $0xFFFFF086  }
0x1c: {  	p1 =	slt.u32 s9, $0xF7A;
	s5 =	simm.s32 @!p2 $0x0  }
0x1d: {  	s5 =	simm.s32 @p1 $0x1;
	p0 =	seq.s32 s7, s2  }
0x1e: {  	s7 =	smul.u32 @!p0 $0xF7A, s2;
	p2 =	seq.s32 @!p0 s5, $0x0  }
0x1f: {  	s9 =	smul.u32 $0xF7A, s1;
	s8 =	simm.s32 @!p0 $0x1BF5;
	p2 =	por !p2, p0  }
0x20: {  	[sflag:s8] =	ssyncset.s32 @!p0 $0xFFFFF086;
	s6 =	sadd.s32 @!p0 s3, s7;
	s7 =	simm.s32 @!p0 $0x108  }
0x21: {  	s3 =	sadd.s32 s3, s9;
	s6 =	sadd.s32 @!p0 $0x88, s6;
	s7 =	simm.s32 @p2 $0x1082  }
0x22: {  	[simem:s7], [sflag:s8] =	dma.local @!p0 [hbm:s6], $0xF7A  }
0x23: {  	s9 =	sor.u32 $0xD0000000, s2;
	s6 =	simm.s32 $0x108;
	_ =	swait.ge @!p0 [sflag:s8], $0x0  }
0x24: {  	s3 =	sadd.s32 $0x88, s3;
	s6 =	simm.s32 @!p1 $0x1082;
	[sflag:s4] =	ssyncset.s32 $0xFFFFF086  }
0x25: {  	[simem:s6], [sflag:s4] =	dma.local [hbm:s3], $0xF7A  }
0x26: {  	[smem:$0x3F95] =	sst s1;
	(tag) =	ssettag s2;
	_ =	strace s9  }
0x27: {  	s1 =	sld [smem:$0x3FA5]  }
0x28: {  	s2 =	sld [smem:$0x3FA6]  }
0x29: {  	s4 =	sld [smem:$0x3FA8]  }
0x2a: {  	p0 =	seq.s32 s5, $0x0;
	s5 =	sld [smem:$0x3FA9]  }
0x2b: {  	s6 =	sld [smem:$0x3FAA]  }
0x2c: {  	s7 =	sld [smem:$0x3FAB]  }
0x2d: {  	s3 =	simm.s32 $0x108;
	s8 =	sld [smem:$0x3FAC]  }
0x2e: {  	s3 =	simm.s32 @!p0 $0x1082;
	s9 =	sld [smem:$0x3FAD]  }
0x2f: {  	lr =	sadd.s32 s0, s3;
	s0 =	sld [smem:$0x3FA4]  }
0x30: {  	s3 =	sld [smem:$0x3FA7]  }
0x31: {  	[smem:$0x3FB0] =	sst s10  }
0x32: {  	s10 =	sld [smem:$0x3FAE];
	_ =	sdelay $0x3  }
0x33: {  	p0 =	seq.s32 s10, $0x1;
	s10 =	sld [smem:$0x3FB0];
	_ =	sdelay $0x3  }
0x34: {  	[smem:$0x3FB0] =	sst s10  }
0x35: {  	s10 =	sld [smem:$0x3FAF];
	_ =	sdelay $0x3  }
0x36: {  	p1 =	seq.s32 s10, $0x1;
	s10 =	sld [smem:$0x3FB0];
	_ =	sdelay $0x3  }
0x37: {  	[smem:$0x3FB0] =	sst s10  }
0x38: {  	s10 =	sld [smem:$0x3FB1]  }
0x39: {  	_ = 	snop;
	(pc) =	sbr.ind lr, $3  }
0x3a: {  	_ = 	snop  }
0x3b: {  	_ = 	snop  }
0x3c: {  	p2 =	seq.s32 s10, $0x1;
	s10 =	sld [smem:$0x3FB0]  }
0x3d: {  	_ =	shalt  }
0x3e: {  	_ =	shalt  }
0x3f: {  	_ =	shalt  }
0x40: {  	_ =	shalt  }
0x41: {  	_ =	shalt  }
0x42: {  	_ =	shalt  }
0x43: {  	_ =	shalt  }
0x44: {  	_ =	shalt  }
0x45: {  	_ =	shalt  }
0x46: {  	_ =	shalt  }
0x47: {  	_ =	shalt  }
0x48: {  	_ =	shalt  }
0x49: {  	_ =	shalt  }
0x4a: {  	_ =	shalt  }
0x4b: {  	_ =	shalt  }
0x4c: {  	_ =	shalt  }
0x4d: {  	_ =	shalt  }
0x4e: {  	_ =	shalt  }
0x4f: {  	_ =	shalt  }
0x50: {  	_ =	shalt  }
0x51: {  	_ =	shalt  }
0x52: {  	_ =	shalt  }
0x53: {  	_ =	shalt  }
0x54: {  	_ =	shalt  }
0x55: {  	_ =	shalt  }
0x56: {  	_ =	shalt  }
0x57: {  	_ =	shalt  }
0x58: {  	_ =	shalt  }
0x59: {  	_ =	shalt  }
0x5a: {  	_ =	shalt  }
0x5b: {  	_ =	shalt  }
0x5c: {  	_ =	shalt  }
0x5d: {  	_ =	shalt  }
0x5e: {  	_ =	shalt  }
0x5f: {  	_ =	shalt  }
0x60: {  	_ =	shalt  }
0x61: {  	_ =	shalt  }
0x62: {  	_ =	shalt  }
0x63: {  	_ =	shalt  }
0x64: {  	_ =	shalt  }
0x65: {  	_ =	shalt  }
0x66: {  	_ =	shalt  }
0x67: {  	_ =	shalt  }
0x68: {  	_ =	shalt  }
0x69: {  	_ =	shalt  }
0x6a: {  	_ =	shalt  }
0x6b: {  	_ =	shalt  }
0x6c: {  	_ =	shalt  }
0x6d: {  	_ =	shalt  }
0x6e: {  	_ =	shalt  }
0x6f: {  	_ =	shalt  }
0x70: {  	_ =	shalt  }
0x71: {  	_ =	shalt  }
0x72: {  	_ =	shalt  }
0x73: {  	_ =	shalt  }
0x74: {  	_ =	shalt  }
0x75: {  	_ =	shalt  }
0x76: {  	_ =	shalt  }
0x77: {  	_ =	shalt  }
0x78: {  	_ =	shalt  }
0x79: {  	_ =	shalt  }
0x7a: {  	_ =	shalt  }
0x7b: {  	_ =	shalt  }
0x7c: {  	_ =	shalt  }
0x7d: {  	_ =	shalt  }
0x7e: {  	_ =	shalt  }
0x7f: {  	_ =	shalt  }
0x80: {  	_ =	shalt  }
0x81: {  	_ =	shalt  }
0x82: {  	_ =	shalt  }
0x83: {  	_ =	shalt  }
0x84: {  	_ =	shalt  }
0x85: {  	_ =	shalt  }
0x86: {  	_ =	shalt  }
0x87: {  	_ =	shalt  }
.Lfunc_end0:
.L_simem_size_0:
called_computation.2_lowered:
.L_overlay_start_0:
0x88: {  	s2 =	sld [smem:$0x3FD9]  }
0x89: {  	s3 =	sld [smem:$0x3FFE];
	_ =	sdelay $0x1  }
0x8a: {  	s1 =	srdreg.scid  }
0x8b: {  	s0 =	sand.u32 $0x1, s1  }
0x8c: {  	s16 =	sshll.u32 s0, $0xA;
	s2 =	sadd.s32 s3, s2  }
0x8d: {  	s2 =	sadd.s32 s2, s16  }
0x8e: {  	[smem:$0x3FBC] =	sst s2  }
0x8f: {  	_ = 	snop  }
0x90: {  	(tm) =	ssettm $0x1  }
0x91: {  	s17 =	sld [smem:$0x3FFB];
	_ =	sdelay $0x3  }
0x92: {  	_ =	strace s17  }
0x93: {  	s2 =	sld [smem:$0x3FFC];
	_ =	sdelay $0x3  }
0x94: {  	_ =	strace s2  }
0x95: {  	s2 =	sld [smem:$0x3FFD];
	_ =	sdelay $0x3  }
0x96: {  	_ =	strace s2  }
0x97: {  	_ =	strace $0x8FFFFFFF  }
0x98: {  	s18 =	sld [smem:$0x3FDB];
	_ =	sdelay $0x1  }
0x99: {  	s19 =	simm.s32 $_scs_section_size  }
0x9a: {  	s4 =	simm.s32 $_size__tile_overlayer_lowered;
	s5 =	simm.s32 $_tile_overlayer_lowered  }
0x9b: {  	s22 =	simm.s32 $0x1BFF;
	s21 =	sshll.u32 s5, $0x1;
	s2 =	sadd.s32 s19, s18  }
0x9c: {  	s6 =	simm.s32 $0x0;
	s20 =	sshll.u32 s4, $0x1;
	s4 =	sadd.s32 s21, s2  }
0x9d: {  	[timem:s6], [sflag:s22] =	dma.local [hbm:s4], s20  }
0x9e: {  	_ =	swait.ge [sflag:s22], s20  }
0x9f: {  	s3 =	ssub.s32 $0x0, s20;
	[sflag:s22] =	ssyncset.done $0x0  }
0xa0: {  	[sflag:s22] =	ssyncadd.s32 s3;
	_ =	sdelay $0x1  }
0xa1: {  	s23 =	simm.s32 $0x1B8B  }
0xa2: {  	_ =	swait.ge [sflag:s23], $0x1  }
0xa3: {  	[sflag:s23] =	ssyncset.done $0x0  }
0xa4: {  	s25 =	simm.s32 $0x1B8E;
	s24 =	sld [smem:$0x3FFE];
	[sflag:s23] =	ssyncadd.s32 $0xFFFFFFFF  }
0xa5: {  	s26 =	simm.s32 $execute0_lowered;
	[smem:$0x3FD2] =	sst s25  }
0xa6: {  	s4 =	sshll.u32 s26, $0x1;
	_ =	strace $0x8000004C;
	[dreg:$0x1] =	wrdreg $0xFFFFFFFF  }
0xa7: {  	s28 =	simm.s32 $_size_execute0_lowered;
	s2 =	sadd.s32 s2, s4;
	[dreg:$0x0] =	wrdreg $0x0  }
0xa8: {  	s4 =	sshll.u32 s28, $0x1;
	[dreg:$0x2] =	wrdreg s2  }
0xa9: {  	[dreg:$0x3] =	wrdreg s4  }
0xaa: {  	[dreg:$0x4] =	wrdreg $0xC0  }
0xab: {  	_ =	task [dreg:s6], $0x5FFFF  }
0xac: {  	[dreg:$0x1] =	wrdreg $0xFFFFFFFF  }
0xad: {  	[dreg:$0x0] =	wrdreg $0x60  }
0xae: {  	[dreg:$0x2] =	wrdreg s24  }
0xaf: {  	[dreg:$0x3] =	wrdreg $0xA8000  }
0xb0: {  	[dreg:$0x4] =	wrdreg $0x9  }
0xb1: {  	_ =	task.clear_ibuf [dreg:s6], $0x5FFFF;
	_ =	strace $0x9000004C  }
0xb2: {  	s29 =	simm.s32 $0x9;
	_ =	strace $0x8000004E  }
0xb3: {  	_ =	swait.ge [sflag:s29], $0x1  }
0xb4: {  	[sflag:s29] =	ssyncadd.s32 $0xFFFFFFFF  }
0xb5: {  	_ =	strace $0x9000004E  }
0xb6: {  	_ =	sfence  }
0xb7: {  	s30 =	sld [smem:$0x0];
	_ =	sdelay $0x2  }
0xb8: {  	s31 =	sshll.u32 s1, $0xD;
	s1 =	sshrl.u32 s1, $0x2  }
0xb9: {  	s3 =	sand.u32 $0x4000, s31;
	s1 =	sadd.s32 s1, s30  }
0xba: {  	s0 =	sor.u32 s3, s0;
	s1 =	sshll.u32 s1, $0x11  }
0xbb: {  	s0 =	sor.u32 s1, s0  }
0xbc: {  	s0 =	sadd.s32 $0x8F2B, s0  }
0xbd: {  	[sflag:s0] =	ssyncadd.remote.s32 $0x1  }
0xbe: {  	_ =	sfence.sel $0xFFFF  }
0xbf: {  	[dreg:$0x0] =	wrdreg $0xFFFFFFFF;
	(pc) =	sbr.abs _section_cstart, $3  }
0xc0: {  	[dreg:$0x1] =	wrdreg $0xFFFFFFFF  }
0xc1: {  	_ =	task.clear_ibuf [dreg:s6], $0x2FFFF;
	_ =	strace $0x9FFFFFFF  }
0xc2: {  	(tm) =	ssettm $0x7FFFFFFF  }
0xc3: {  	_ =	shalt  }
tec
execute0_lowered:
.L_overlay_start_1:
0x0: {  	(tag) =	ssettag $0x1  }
0x1: {  	s6 =	rddreg [dreg:$0x0]  }
0x2: {  	s1 =	rddreg [dreg:$0x1]  }
0x3: {  	s0 =	rddreg [dreg:$0x2];
	s2 =	simm.s32 $0x0;
	s12 =	stileid.u32  }
0x4: {  	s4 =	srdreg.scid;
	s18 =	simm.s32 $0x1;
	s19 =	simm.s32 $0x2  }
0x5: {  	s20 =	simm.s32 $0x2700;
	s21 =	simm.s32 $0x2680;
	s22 =	simm.s32 $0x2780  }
0x6: {  	s23 =	simm.s32 $0x0;
	[smem:$0x7FF] =	sst s2;
	s8 =	smul.u32 $0x13800, s12  }
0x7: {  	s3 =	sadd.s32 $0x16A00, s6;
	s5 =	sand.u32 $0x1, s4;
	s9 =	sadd.s32 $0x2A00, s6  }
0x8: {  	s11 =	sadd.s32 $0x64E00, s6;
	s28 =	sshll.u32 s12, $0x6;
	s17 =	sadd.s32 $0x138000, s1  }
0x9: {  	p0 =	sne.s32 s12, $0x0;
	_ =	strace $0x8000004D;
	s7 =	sshll.u32 s5, $0x4  }
0xa: {  	s10 =	ssub.s32 $0x2, s5;
	s16 =	smul.u32 $0x138800, s5;
	s5 =	sor.u32 $0x1C03, s28  }
0xb: {  	s25 =	sshrl.u32 s8, $0x3;
	s7 =	sor.u32 s12, s7;
	s13 =	sshrl.u32 s10, $0x1  }
0xc: {  	s15 =	sadd.s32 s8, s1;
	s4 =	sadd.s32 s25, s6;
	s14 =	smul.u32 $0xA00, s7  }
0xd: {  	s13 =	ssub.s32 s10, s13;
	s26 =	smul.u32 $0x5000, s7;
	s6 =	sadd.s32 $0x64C00, s6  }
0xe: {  	s8 =	sadd.s32 s8, s16;
	s30 =	sshrl.u32 s16, $0x3;
	s12 =	sshrl.u32 s15, $0x3  }
0xf: {  	s15 =	simm.s32 $0x80;
	s16 =	simm.s32 $0x2800;
	s4 =	sadd.s32 $0x3DC00, s4  }
0x10: {  	s29 =	sshrl.u32 s8, $0x3;
	s31 =	sadd.s32 s11, s30;
	s10 =	sshrl.u32 s26, $0x3  }
0x11: {  	s7 =	sadd.s32 s9, s14;
	s14 =	sshrl.u32 @!p0 s17, $0x3;
	s9 =	sadd.s32 s9, s10  }
0x12: {  	s17 =	simm.s32 $0x6800;
	s10 =	sadd.s32 $0x27000, s31;
	s8 =	sadd.s32 $0x500, s9  }
0x13: {  	s9 =	sadd.s32 s11, s29;
	s11 =	smax.u32 s13, $0x1;
	s13 =	simm.s32 $0x3  }
.LBB2_1:
0x14: {  	[spmem:s12], [sflag:s5] =	dma.local [hbm:s4], $0x2700  }
0x15: {  	_ =	swait.ge [sflag:s13], $0x2700  }
0x16: {  	[sflag:s13] =	ssyncset.done $0x0  }
0x17: {  	s24 =	simm.s32 @!p0 $0x3;
	[sflag:s13] =	ssyncadd.s32 $0xFFFFD900  }
0x18: {  	[spmem:s14], [sflag:s5] =	dma.local @!p0 [hbm:s6], $0x100  }
0x19: {  	_ =	swait.ge @!p0 [sflag:s24], $0x100  }
0x1a: {  	[sflag:s24] =	ssyncset.done @!p0 $0x0  }
0x1b: {  	[sflag:s24] =	ssyncadd.s32 @!p0 $0xFFFFFF00  }
0x1c: {  	[bflag:$0x0] =	sbarrier.arrive $0xFFFF  }
0x1d: {  	[tilespmem:s2], [sflag:$0x3] =	stream.linear.gather [hbm4b:s7+s2], $0x2800, $0x38;
	[tilespmem:$0x1E0C0] =	vst v63  }
0x1e: {  	_ =	swait.ge [sflag:s13], $0x2800  }
0x1f: {  	[sflag:s13] =	ssyncset.done $0x0  }
0x20: {  	[sflag:s13] =	ssyncadd.s32 $0xFFFFD800  }
0x21: {  	[tilespmem:s16], [sflag:$0x1] =	stream.indirect.gather [hbm4b:s3+s15], $0x80, s2, s15, $0xb8;
	[tilespmem:$0x1E0C0] =	vst v63  }
0x22: {  	s28 =	simm.s32 $0x100  }
0x23: {  	[tilespmem:s17], [sflag:$0x2] =	stream.indirect.gather [hbm4b:s3+s15], $0x80, s28, s15, $0xb8;
	[tilespmem:$0x1E0C0] =	vst v63  }
0x24: {  	_ =	swait.ge [sflag:s18], $0x4000  }
0x25: {  	[sflag:s18] =	ssyncset.done $0x0  }
0x26: {  	s29 =	simm.s32 $0x80;
	[sflag:s18] =	ssyncadd.s32 $0xFFFFC000  }
0x27: {  	[spmem:s1] =	stream.indirect.scatter.add.f32 [tilespmem:s16], [sflag:$0x3], $0x80, s29, s15, $0xb8;
	[tilespmem:$0x1E0C0] =	vst v63  }
0x28: {  	_ =	swait.ge [sflag:s13], $0x4000  }
0x29: {  	[sflag:s13] =	ssyncset.done $0x0  }
0x2a: {  	s30 =	simm.s32 $0x200;
	[sflag:s13] =	ssyncadd.s32 $0xFFFFC000  }
0x2b: {  	[tilespmem:s16], [sflag:$0x1] =	stream.indirect.gather [hbm4b:s3+s15], $0x80, s30, s15, $0xb8;
	[tilespmem:$0x1E0C0] =	vst v63  }
0x2c: {  	_ =	swait.ge [sflag:s19], $0x4000  }
0x2d: {  	[sflag:s19] =	ssyncset.done $0x0  }
0x2e: {  	s31 =	simm.s32 $0x180;
	[sflag:s19] =	ssyncadd.s32 $0xFFFFC000  }
0x2f: {  	[spmem:s1] =	stream.indirect.scatter.add.f32 [tilespmem:s17], [sflag:$0x3], $0x80, s31, s15, $0xb8;
	[tilespmem:$0x1E0C0] =	vst v63  }
0x30: {  	_ =	swait.ge [sflag:s13], $0x4000  }
0x31: {  	s25 =	simm.s32 $0xFFFF7800;
	s24 =	simm.s32 $0xFFFFDC00;
	[sflag:s13] =	ssyncset.done $0x0  }
.LBB2_2:
0x32: {  	s26 =	sadd.s32 $0x2700, s24  }
0x33: {  	[sflag:s13] =	ssyncadd.s32 $0xFFFFC000;
	s28 =	smov.u32 s25;
	s29 =	sadd.s32 $0x800, s25  }
0x34: {  	[tilespmem:s17], [sflag:$0x2] =	stream.indirect.gather [hbm4b:s3+s15], $0x80, s26, s15, $0xb8;
	[tilespmem:$0x1E0C0] =	vst v63  }
0x35: {  	p1 =	sne.s32 s25, $0xFFFFF800;
	_ =	swait.ge [sflag:s18], $0x4000  }
0x36: {  	[sflag:s18] =	ssyncset.done $0x0  }
0x37: {  	s25 =	sadd.s32 $0x2680, s24;
	[sflag:s18] =	ssyncadd.s32 $0xFFFFC000  }
0x38: {  	[spmem:s1] =	stream.indirect.scatter.add.f32 [tilespmem:s16], [sflag:$0x3], $0x80, s25, s15, $0xb8;
	[tilespmem:$0x1E0C0] =	vst v63  }
0x39: {  	_ =	swait.ge [sflag:s13], $0x4000  }
0x3a: {  	[sflag:s13] =	ssyncset.done $0x0  }
0x3b: {  	s25 =	sadd.s32 $0x2800, s24;
	[sflag:s13] =	ssyncadd.s32 $0xFFFFC000  }
0x3c: {  	[tilespmem:s16], [sflag:$0x1] =	stream.indirect.gather [hbm4b:s3+s15], $0x80, s25, s15, $0xb8;
	[tilespmem:$0x1E0C0] =	vst v63  }
0x3d: {  	_ =	swait.ge [sflag:s19], $0x4000  }
.Ltmp0:
0x3e: {  	[sflag:s19] =	ssyncset.done $0x0;
	(pc) =	sbr.rel @p1 .LBB2_2-.Ltmp0, $4  }
0x3f: {  	s24 =	sadd.s32 $0x2780, s24;
	[sflag:s19] =	ssyncadd.s32 $0xFFFFC000  }
0x40: {  	[spmem:s1] =	stream.indirect.scatter.add.f32 [tilespmem:s17], [sflag:$0x3], $0x80, s24, s15, $0xb8;
	[tilespmem:$0x1E0C0] =	vst v63  }
0x41: {  	_ =	swait.ge [sflag:s13], $0x4000  }
0x42: {  	s25 =	smov.u32 s29;
	s24 =	sshra.s32 s28, $0x2;
	[sflag:s13] =	ssyncset.done $0x0  }
0x43: {  	s25 =	sadd.s32 $0x2700, s24;
	[sflag:s13] =	ssyncadd.s32 $0xFFFFC000  }
0x44: {  	[tilespmem:s17], [sflag:$0x2] =	stream.indirect.gather [hbm4b:s3+s15], $0x80, s25, s15, $0xb8;
	[tilespmem:$0x1E0C0] =	vst v63  }
0x45: {  	_ =	swait.ge [sflag:s18], $0x4000  }
0x46: {  	[sflag:s18] =	ssyncset.done $0x0  }
0x47: {  	s30 =	sadd.s32 $0x2680, s24;
	[sflag:s18] =	ssyncadd.s32 $0xFFFFC000  }
0x48: {  	[spmem:s1] =	stream.indirect.scatter.add.f32 [tilespmem:s16], [sflag:$0x3], $0x80, s30, s15, $0xb8;
	[tilespmem:$0x1E0C0] =	vst v63  }
0x49: {  	_ =	swait.ge [sflag:s13], $0x4000  }
0x4a: {  	[sflag:s13] =	ssyncset.done $0x0  }
0x4b: {  	s31 =	sadd.s32 $0x2800, s24;
	[sflag:s13] =	ssyncadd.s32 $0xFFFFC000  }
0x4c: {  	[tilespmem:s16], [sflag:$0x1] =	stream.indirect.gather [hbm4b:s3+s15], $0x80, s31, s15, $0xb8;
	[tilespmem:$0x1E0C0] =	vst v63  }
0x4d: {  	_ =	swait.ge [sflag:s19], $0x4000  }
0x4e: {  	[sflag:s19] =	ssyncset.done $0x0  }
0x4f: {  	s26 =	sadd.s32 $0x2780, s24;
	[sflag:s19] =	ssyncadd.s32 $0xFFFFC000  }
0x50: {  	[spmem:s1] =	stream.indirect.scatter.add.f32 [tilespmem:s17], [sflag:$0x3], $0x80, s26, s15, $0xb8;
	[tilespmem:$0x1E0C0] =	vst v63  }
0x51: {  	_ =	swait.ge [sflag:s13], $0x4000  }
0x52: {  	[sflag:s13] =	ssyncset.done $0x0  }
0x53: {  	[sflag:s13] =	ssyncadd.s32 $0xFFFFC000  }
0x54: {  	[tilespmem:s17], [sflag:$0x2] =	stream.indirect.gather [hbm4b:s3+s15], $0x80, s20, s15, $0xb8;
	[tilespmem:$0x1E0C0] =	vst v63  }
0x55: {  	_ =	swait.ge [sflag:s18], $0x4000  }
0x56: {  	[sflag:s18] =	ssyncset.done $0x0  }
0x57: {  	[sflag:s18] =	ssyncadd.s32 $0xFFFFC000  }
0x58: {  	[spmem:s1] =	stream.indirect.scatter.add.f32 [tilespmem:s16], [sflag:$0x3], $0x80, s21, s15, $0xb8;
	[tilespmem:$0x1E0C0] =	vst v63  }
0x59: {  	_ =	swait.ge [sflag:s13], $0x4000  }
0x5a: {  	[sflag:s13] =	ssyncset.done $0x0  }
0x5b: {  	[sflag:s13] =	ssyncadd.s32 $0xFFFFC000  }
0x5c: {  	_ =	swait.ge [sflag:s19], $0x4000  }
0x5d: {  	[sflag:s19] =	ssyncset.done $0x0  }
0x5e: {  	[sflag:s19] =	ssyncadd.s32 $0xFFFFC000  }
0x5f: {  	[spmem:s1] =	stream.indirect.scatter.add.f32 [tilespmem:s17], [sflag:$0x3], $0x80, s22, s15, $0xb8;
	[tilespmem:$0x1E0C0] =	vst v63  }
0x60: {  	_ =	swait.ge [sflag:s13], $0x4000  }
0x61: {  	[sflag:s13] =	ssyncset.done $0x0  }
0x62: {  	[sflag:s13] =	ssyncadd.s32 $0xFFFFC000  }
0x63: {  	[tilespmem:s2], [sflag:$0x3] =	stream.linear.gather [hbm4b:s8+s2], $0x2800, $0x38;
	[tilespmem:$0x1E0C0] =	vst v63  }
0x64: {  	_ =	swait.ge [sflag:s13], $0x2800  }
0x65: {  	[sflag:s13] =	ssyncset.done $0x0  }
0x66: {  	[sflag:s13] =	ssyncadd.s32 $0xFFFFD800  }
0x67: {  	[tilespmem:s16], [sflag:$0x1] =	stream.indirect.gather [hbm4b:s3+s15], $0x80, s2, s15, $0xb8;
	[tilespmem:$0x1E0C0] =	vst v63  }
0x68: {  	s28 =	simm.s32 $0x100  }
0x69: {  	[tilespmem:s17], [sflag:$0x2] =	stream.indirect.gather [hbm4b:s3+s15], $0x80, s28, s15, $0xb8;
	[tilespmem:$0x1E0C0] =	vst v63  }
0x6a: {  	_ =	swait.ge [sflag:s18], $0x4000  }
0x6b: {  	[sflag:s18] =	ssyncset.done $0x0  }
0x6c: {  	s29 =	simm.s32 $0x80;
	[sflag:s18] =	ssyncadd.s32 $0xFFFFC000  }
0x6d: {  	[spmem:s1] =	stream.indirect.scatter.add.f32 [tilespmem:s16], [sflag:$0x3], $0x80, s29, s15, $0xb8;
	[tilespmem:$0x1E0C0] =	vst v63  }
0x6e: {  	_ =	swait.ge [sflag:s13], $0x4000  }
0x6f: {  	[sflag:s13] =	ssyncset.done $0x0  }
0x70: {  	s30 =	simm.s32 $0x200;
	[sflag:s13] =	ssyncadd.s32 $0xFFFFC000  }
0x71: {  	[tilespmem:s16], [sflag:$0x1] =	stream.indirect.gather [hbm4b:s3+s15], $0x80, s30, s15, $0xb8;
	[tilespmem:$0x1E0C0] =	vst v63  }
0x72: {  	_ =	swait.ge [sflag:s19], $0x4000  }
0x73: {  	[sflag:s19] =	ssyncset.done $0x0  }
0x74: {  	s31 =	simm.s32 $0x180;
	[sflag:s19] =	ssyncadd.s32 $0xFFFFC000  }
0x75: {  	[spmem:s1] =	stream.indirect.scatter.add.f32 [tilespmem:s17], [sflag:$0x3], $0x80, s31, s15, $0xb8;
	[tilespmem:$0x1E0C0] =	vst v63  }
0x76: {  	_ =	swait.ge [sflag:s13], $0x4000  }
0x77: {  	s24 =	simm.s32 $0xFFFFDC00;
	s25 =	simm.s32 $0xFFFF7800;
	[sflag:s13] =	ssyncset.done $0x0  }
.LBB2_4:
0x78: {  	s26 =	sadd.s32 $0x2700, s24  }
0x79: {  	[sflag:s13] =	ssyncadd.s32 $0xFFFFC000;
	s28 =	smov.u32 s25;
	s29 =	sadd.s32 $0x800, s25  }
0x7a: {  	[tilespmem:s17], [sflag:$0x2] =	stream.indirect.gather [hbm4b:s3+s15], $0x80, s26, s15, $0xb8;
	[tilespmem:$0x1E0C0] =	vst v63  }
0x7b: {  	p1 =	sne.s32 s25, $0xFFFFF800;
	_ =	swait.ge [sflag:s18], $0x4000  }
0x7c: {  	[sflag:s18] =	ssyncset.done $0x0  }
0x7d: {  	s25 =	sadd.s32 $0x2680, s24;
	[sflag:s18] =	ssyncadd.s32 $0xFFFFC000  }
0x7e: {  	[spmem:s1] =	stream.indirect.scatter.add.f32 [tilespmem:s16], [sflag:$0x3], $0x80, s25, s15, $0xb8;
	[tilespmem:$0x1E0C0] =	vst v63  }
0x7f: {  	_ =	swait.ge [sflag:s13], $0x4000  }
0x80: {  	[sflag:s13] =	ssyncset.done $0x0  }
0x81: {  	s25 =	sadd.s32 $0x2800, s24;
	[sflag:s13] =	ssyncadd.s32 $0xFFFFC000  }
0x82: {  	[tilespmem:s16], [sflag:$0x1] =	stream.indirect.gather [hbm4b:s3+s15], $0x80, s25, s15, $0xb8;
	[tilespmem:$0x1E0C0] =	vst v63  }
0x83: {  	_ =	swait.ge [sflag:s19], $0x4000  }
.Ltmp1:
0x84: {  	[sflag:s19] =	ssyncset.done $0x0;
	(pc) =	sbr.rel @p1 .LBB2_4-.Ltmp1, $4  }
0x85: {  	s24 =	sadd.s32 $0x2780, s24;
	[sflag:s19] =	ssyncadd.s32 $0xFFFFC000  }
0x86: {  	[spmem:s1] =	stream.indirect.scatter.add.f32 [tilespmem:s17], [sflag:$0x3], $0x80, s24, s15, $0xb8;
	[tilespmem:$0x1E0C0] =	vst v63  }
0x87: {  	_ =	swait.ge [sflag:s13], $0x4000  }
0x88: {  	s25 =	smov.u32 s29;
	s24 =	sshra.s32 s28, $0x2;
	[sflag:s13] =	ssyncset.done $0x0  }
0x89: {  	s25 =	sadd.s32 $0x2700, s24;
	[sflag:s13] =	ssyncadd.s32 $0xFFFFC000  }
0x8a: {  	[tilespmem:s17], [sflag:$0x2] =	stream.indirect.gather [hbm4b:s3+s15], $0x80, s25, s15, $0xb8;
	[tilespmem:$0x1E0C0] =	vst v63  }
0x8b: {  	_ =	swait.ge [sflag:s18], $0x4000  }
0x8c: {  	[sflag:s18] =	ssyncset.done $0x0  }
0x8d: {  	s29 =	sadd.s32 $0x2680, s24;
	[sflag:s18] =	ssyncadd.s32 $0xFFFFC000  }
0x8e: {  	[spmem:s1] =	stream.indirect.scatter.add.f32 [tilespmem:s16], [sflag:$0x3], $0x80, s29, s15, $0xb8;
	[tilespmem:$0x1E0C0] =	vst v63  }
0x8f: {  	_ =	swait.ge [sflag:s13], $0x4000  }
0x90: {  	[sflag:s13] =	ssyncset.done $0x0  }
0x91: {  	s30 =	sadd.s32 $0x2800, s24;
	[sflag:s13] =	ssyncadd.s32 $0xFFFFC000  }
0x92: {  	[tilespmem:s16], [sflag:$0x1] =	stream.indirect.gather [hbm4b:s3+s15], $0x80, s30, s15, $0xb8;
	[tilespmem:$0x1E0C0] =	vst v63  }
0x93: {  	_ =	swait.ge [sflag:s19], $0x4000  }
0x94: {  	[sflag:s19] =	ssyncset.done $0x0  }
0x95: {  	s31 =	sadd.s32 $0x2780, s24;
	[sflag:s19] =	ssyncadd.s32 $0xFFFFC000  }
0x96: {  	[spmem:s1] =	stream.indirect.scatter.add.f32 [tilespmem:s17], [sflag:$0x3], $0x80, s31, s15, $0xb8;
	[tilespmem:$0x1E0C0] =	vst v63  }
0x97: {  	_ =	swait.ge [sflag:s13], $0x4000  }
0x98: {  	[sflag:s13] =	ssyncset.done $0x0  }
0x99: {  	[sflag:s13] =	ssyncadd.s32 $0xFFFFC000  }
0x9a: {  	[tilespmem:s17], [sflag:$0x2] =	stream.indirect.gather [hbm4b:s3+s15], $0x80, s20, s15, $0xb8;
	[tilespmem:$0x1E0C0] =	vst v63  }
0x9b: {  	_ =	swait.ge [sflag:s18], $0x4000  }
0x9c: {  	[sflag:s18] =	ssyncset.done $0x0  }
0x9d: {  	[sflag:s18] =	ssyncadd.s32 $0xFFFFC000  }
0x9e: {  	[spmem:s1] =	stream.indirect.scatter.add.f32 [tilespmem:s16], [sflag:$0x3], $0x80, s21, s15, $0xb8;
	[tilespmem:$0x1E0C0] =	vst v63  }
0x9f: {  	_ =	swait.ge [sflag:s13], $0x4000  }
0xa0: {  	[sflag:s13] =	ssyncset.done $0x0  }
0xa1: {  	[sflag:s13] =	ssyncadd.s32 $0xFFFFC000  }
0xa2: {  	_ =	swait.ge [sflag:s19], $0x4000  }
0xa3: {  	[sflag:s19] =	ssyncset.done $0x0  }
0xa4: {  	[sflag:s19] =	ssyncadd.s32 $0xFFFFC000  }
0xa5: {  	[spmem:s1] =	stream.indirect.scatter.add.f32 [tilespmem:s17], [sflag:$0x3], $0x80, s22, s15, $0xb8;
	[tilespmem:$0x1E0C0] =	vst v63  }
0xa6: {  	_ =	swait.ge [sflag:s13], $0x4000  }
0xa7: {  	[sflag:s13] =	ssyncset.done $0x0  }
0xa8: {  	[sflag:s13] =	ssyncadd.s32 $0xFFFFC000  }
0xa9: {  	[bflag:$0x0] =	sbarrier.arrive $0xFFFF  }
0xaa: {  	[hbm:s9], [sflag:s5] =	dma.local [spmem:s12], $0x2700  }
0xab: {  	s23 =	sadd.s32 $0x1, s23;
	_ =	swait.ge [sflag:s13], $0x2700  }
0xac: {  	p1 =	sne.s32 s23, s11;
	[sflag:s13] =	ssyncset.done $0x0  }
.Ltmp2:
0xad: {  	s24 =	simm.s32 @!p0 $0x3;
	[sflag:s13] =	ssyncadd.s32 $0xFFFFD900;
	(pc) =	sbr.rel @p1 .LBB2_1-.Ltmp2, $4  }
0xae: {  	[hbm:s10], [sflag:s5] =	dma.local @!p0 [spmem:s14], $0x100  }
0xaf: {  	_ =	swait.ge @!p0 [sflag:s24], $0x100  }
0xb0: {  	[sflag:s24] =	ssyncset.done @!p0 $0x0  }
0xb1: {  	[sflag:s24] =	ssyncadd.s32 @!p0 $0xFFFFFF00  }
0xb2: {  	_ =	sfence.sel $0x180000  }
0xb3: {  	[bflag:$0x0] =	sbarrier.arrive $0xFFFF  }
0xb4: {  	_ =	strace $0x9000004D  }
0xb5: {  	s0 =	sadd.s32 @!p0 $0x100000, s0;
	[bflag:$0x2] =	sbarrier.arrive $0xFFFF  }
0xb6: {  	[sflag:s0] =	ssyncadd.tile.s32 @!p0 $0x1;
	_ =	shalt  }
.Lfunc_end2:
_tile_overlayer_lowered:
.L_overlay_start_2:
0xb7: {  	(tag) =	ssettag $0x2  }
0xb8: {  	s0 =	rddreg [dreg:$0x0];
	s2 =	stileid.u32  }
0xb9: {  	s1 =	rddreg [dreg:$0x1];
	p0 =	sne.s32 s2, $0x0  }
0xba: {  	s3 =	rddreg [dreg:$0x2];
	[bflag:$0x3] =	sbarrier.arrive $0xFFFF;
	s2 =	simm.s32 @!p0 $0x1C03  }
0xbb: {  	[timem:s3], [sflag:s2] =	dma.local @!p0 [hbm:s0], s1  }
0xbc: {  	s0 =	simm.s32 @!p0 $0x3  }
0xbd: {  	_ =	swait.ge @!p0 [sflag:s0], s1  }
0xbe: {  	s1 =	ssub.s32 @!p0 $0x0, s1;
	[sflag:s0] =	ssyncset.done @!p0 $0x0  }
0xbf: {  	[sflag:s0] =	ssyncadd.s32 @!p0 s1  }
0xc0: {  	[bflag:$0x3] =	sbarrier.arrive $0xFFFF  }
0xc1: {  	_ =	shalt  }

// kernel: kernel.22.cloned.1.call-start
scs
__scs_entry_jumppad:
0x0: {  	(pc) =	sbr.rel $0x88, $3  }
0x1: {  	(tag) =	ssettag $0x0;
	lr =	simm.s32 $0x1  }
0x2: {  	[smem:$0x3F95] =	sst lr;
	_ =	strace $0xD0000000  }
0x3: {  	_ = 	snop  }
0x4: {  	_ = 	snop  }
0x5: {  	_ = 	snop  }
0x6: {  	_ = 	snop  }
0x7: {  	_ = 	snop  }
__scs_overlays_trampoline_lowered:
0x8: {  	[smem:$0x3FA4] =	sst s0  }
0x9: {  	[smem:$0x3FA5] =	sst s1  }
0xa: {  	[smem:$0x3FA6] =	sst s2  }
0xb: {  	[smem:$0x3FA7] =	sst s3  }
0xc: {  	[smem:$0x3FA8] =	sst s4  }
0xd: {  	[smem:$0x3FA9] =	sst s5  }
0xe: {  	[smem:$0x3FAA] =	sst s6  }
0xf: {  	[smem:$0x3FAB] =	sst s7  }
0x10: {  	[smem:$0x3FAC] =	sst s8  }
0x11: {  	[smem:$0x3FAD] =	sst s9;
	s0 =	simm.s32 @!p0 $0x0  }
0x12: {  	s1 =	sld [smem:$0x3F93];
	s0 =	simm.s32 @p0 $0x1  }
0x13: {  	[smem:$0x3FAE] =	sst s0;
	s0 =	simm.s32 @!p1 $0x0  }
0x14: {  	s2 =	sld [smem:$0x3F92];
	s0 =	simm.s32 @p1 $0x1  }
0x15: {  	[smem:$0x3FAF] =	sst s0;
	s0 =	simm.s32 @!p2 $0x0  }
0x16: {  	s3 =	sld [smem:$0x3FDB];
	s0 =	simm.s32 @p2 $0x1  }
0x17: {  	s4 =	simm.s32 $0x1BF5;
	[smem:$0x3FB1] =	sst s0  }
0x18: {  	s0 =	sld [smem:$0x3F94];
	_ =	swait.ge [sflag:s4], $0x0  }
0x19: {  	s7 =	sld [smem:$0x3F95]  }
0x1a: {  	s8 =	sadd.s32 $0xFFFFE003, lr  }
0x1b: {  	s9 =	sadd.s32 $0xFFFFFEF7, lr;
	s5 =	simm.s32 $0xFFFFFFFF;
	p2 =	slt.u32 s8, $0xFFFFF086  }
0x1c: {  	p1 =	slt.u32 s9, $0xF7A;
	s5 =	simm.s32 @!p2 $0x0  }
0x1d: {  	s5 =	simm.s32 @p1 $0x1;
	p0 =	seq.s32 s7, s2  }
0x1e: {  	s7 =	smul.u32 @!p0 $0xF7A, s2;
	p2 =	seq.s32 @!p0 s5, $0x0  }
0x1f: {  	s9 =	smul.u32 $0xF7A, s1;
	s8 =	simm.s32 @!p0 $0x1BF5;
	p2 =	por !p2, p0  }
0x20: {  	[sflag:s8] =	ssyncset.s32 @!p0 $0xFFFFF086;
	s6 =	sadd.s32 @!p0 s3, s7;
	s7 =	simm.s32 @!p0 $0x108  }
0x21: {  	s3 =	sadd.s32 s3, s9;
	s6 =	sadd.s32 @!p0 $0x88, s6;
	s7 =	simm.s32 @p2 $0x1082  }
0x22: {  	[simem:s7], [sflag:s8] =	dma.local @!p0 [hbm:s6], $0xF7A  }
0x23: {  	s9 =	sor.u32 $0xD0000000, s2;
	s6 =	simm.s32 $0x108;
	_ =	swait.ge @!p0 [sflag:s8], $0x0  }
0x24: {  	s3 =	sadd.s32 $0x88, s3;
	s6 =	simm.s32 @!p1 $0x1082;
	[sflag:s4] =	ssyncset.s32 $0xFFFFF086  }
0x25: {  	[simem:s6], [sflag:s4] =	dma.local [hbm:s3], $0xF7A  }
0x26: {  	[smem:$0x3F95] =	sst s1;
	(tag) =	ssettag s2;
	_ =	strace s9  }
0x27: {  	s1 =	sld [smem:$0x3FA5]  }
0x28: {  	s2 =	sld [smem:$0x3FA6]  }
0x29: {  	s4 =	sld [smem:$0x3FA8]  }
0x2a: {  	p0 =	seq.s32 s5, $0x0;
	s5 =	sld [smem:$0x3FA9]  }
0x2b: {  	s6 =	sld [smem:$0x3FAA]  }
0x2c: {  	s7 =	sld [smem:$0x3FAB]  }
0x2d: {  	s3 =	simm.s32 $0x108;
	s8 =	sld [smem:$0x3FAC]  }
0x2e: {  	s3 =	simm.s32 @!p0 $0x1082;
	s9 =	sld [smem:$0x3FAD]  }
0x2f: {  	lr =	sadd.s32 s0, s3;
	s0 =	sld [smem:$0x3FA4]  }
0x30: {  	s3 =	sld [smem:$0x3FA7]  }
0x31: {  	[smem:$0x3FB0] =	sst s10  }
0x32: {  	s10 =	sld [smem:$0x3FAE];
	_ =	sdelay $0x3  }
0x33: {  	p0 =	seq.s32 s10, $0x1;
	s10 =	sld [smem:$0x3FB0];
	_ =	sdelay $0x3  }
0x34: {  	[smem:$0x3FB0] =	sst s10  }
0x35: {  	s10 =	sld [smem:$0x3FAF];
	_ =	sdelay $0x3  }
0x36: {  	p1 =	seq.s32 s10, $0x1;
	s10 =	sld [smem:$0x3FB0];
	_ =	sdelay $0x3  }
0x37: {  	[smem:$0x3FB0] =	sst s10  }
0x38: {  	s10 =	sld [smem:$0x3FB1]  }
0x39: {  	_ = 	snop;
	(pc) =	sbr.ind lr, $3  }
0x3a: {  	_ = 	snop  }
0x3b: {  	_ = 	snop  }
0x3c: {  	p2 =	seq.s32 s10, $0x1;
	s10 =	sld [smem:$0x3FB0]  }
0x3d: {  	_ =	shalt  }
0x3e: {  	_ =	shalt  }
0x3f: {  	_ =	shalt  }
0x40: {  	_ =	shalt  }
0x41: {  	_ =	shalt  }
0x42: {  	_ =	shalt  }
0x43: {  	_ =	shalt  }
0x44: {  	_ =	shalt  }
0x45: {  	_ =	shalt  }
0x46: {  	_ =	shalt  }
0x47: {  	_ =	shalt  }
0x48: {  	_ =	shalt  }
0x49: {  	_ =	shalt  }
0x4a: {  	_ =	shalt  }
0x4b: {  	_ =	shalt  }
0x4c: {  	_ =	shalt  }
0x4d: {  	_ =	shalt  }
0x4e: {  	_ =	shalt  }
0x4f: {  	_ =	shalt  }
0x50: {  	_ =	shalt  }
0x51: {  	_ =	shalt  }
0x52: {  	_ =	shalt  }
0x53: {  	_ =	shalt  }
0x54: {  	_ =	shalt  }
0x55: {  	_ =	shalt  }
0x56: {  	_ =	shalt  }
0x57: {  	_ =	shalt  }
0x58: {  	_ =	shalt  }
0x59: {  	_ =	shalt  }
0x5a: {  	_ =	shalt  }
0x5b: {  	_ =	shalt  }
0x5c: {  	_ =	shalt  }
0x5d: {  	_ =	shalt  }
0x5e: {  	_ =	shalt  }
0x5f: {  	_ =	shalt  }
0x60: {  	_ =	shalt  }
0x61: {  	_ =	shalt  }
0x62: {  	_ =	shalt  }
0x63: {  	_ =	shalt  }
0x64: {  	_ =	shalt  }
0x65: {  	_ =	shalt  }
0x66: {  	_ =	shalt  }
0x67: {  	_ =	shalt  }
0x68: {  	_ =	shalt  }
0x69: {  	_ =	shalt  }
0x6a: {  	_ =	shalt  }
0x6b: {  	_ =	shalt  }
0x6c: {  	_ =	shalt  }
0x6d: {  	_ =	shalt  }
0x6e: {  	_ =	shalt  }
0x6f: {  	_ =	shalt  }
0x70: {  	_ =	shalt  }
0x71: {  	_ =	shalt  }
0x72: {  	_ =	shalt  }
0x73: {  	_ =	shalt  }
0x74: {  	_ =	shalt  }
0x75: {  	_ =	shalt  }
0x76: {  	_ =	shalt  }
0x77: {  	_ =	shalt  }
0x78: {  	_ =	shalt  }
0x79: {  	_ =	shalt  }
0x7a: {  	_ =	shalt  }
0x7b: {  	_ =	shalt  }
0x7c: {  	_ =	shalt  }
0x7d: {  	_ =	shalt  }
0x7e: {  	_ =	shalt  }
0x7f: {  	_ =	shalt  }
0x80: {  	_ =	shalt  }
0x81: {  	_ =	shalt  }
0x82: {  	_ =	shalt  }
0x83: {  	_ =	shalt  }
0x84: {  	_ =	shalt  }
0x85: {  	_ =	shalt  }
0x86: {  	_ =	shalt  }
0x87: {  	_ =	shalt  }
.Lfunc_end0:
.L_simem_size_0:
called_computation.3_lowered:
.L_overlay_start_0:
0x88: {  	s2 =	sld [smem:$0x3FD9]  }
0x89: {  	s3 =	sld [smem:$0x3FFE];
	_ =	sdelay $0x1  }
0x8a: {  	s1 =	srdreg.scid  }
0x8b: {  	s0 =	sand.u32 $0x1, s1  }
0x8c: {  	s16 =	sshll.u32 s0, $0xA;
	s2 =	sadd.s32 s3, s2  }
0x8d: {  	s2 =	sadd.s32 s2, s16  }
0x8e: {  	[smem:$0x3FBC] =	sst s2  }
0x8f: {  	_ = 	snop  }
0x90: {  	(tm) =	ssettm $0x1  }
0x91: {  	s17 =	sld [smem:$0x3FFB];
	_ =	sdelay $0x3  }
0x92: {  	_ =	strace s17  }
0x93: {  	s2 =	sld [smem:$0x3FFC];
	_ =	sdelay $0x3  }
0x94: {  	_ =	strace s2  }
0x95: {  	s2 =	sld [smem:$0x3FFD];
	_ =	sdelay $0x3  }
0x96: {  	_ =	strace s2  }
0x97: {  	_ =	strace $0x8FFFFFFF  }
0x98: {  	s18 =	sld [smem:$0x3FDB];
	_ =	sdelay $0x1  }
0x99: {  	s19 =	simm.s32 $_scs_section_size  }
0x9a: {  	s4 =	simm.s32 $_size__tile_overlayer_lowered;
	s5 =	simm.s32 $_tile_overlayer_lowered  }
0x9b: {  	s22 =	simm.s32 $0x1BFF;
	s21 =	sshll.u32 s5, $0x1;
	s2 =	sadd.s32 s19, s18  }
0x9c: {  	s6 =	simm.s32 $0x0;
	s20 =	sshll.u32 s4, $0x1;
	s4 =	sadd.s32 s21, s2  }
0x9d: {  	[timem:s6], [sflag:s22] =	dma.local [hbm:s4], s20  }
0x9e: {  	_ =	swait.ge [sflag:s22], s20  }
0x9f: {  	s3 =	ssub.s32 $0x0, s20;
	[sflag:s22] =	ssyncset.done $0x0  }
0xa0: {  	[sflag:s22] =	ssyncadd.s32 s3;
	_ =	sdelay $0x1  }
0xa1: {  	s23 =	simm.s32 $0x1B8B  }
0xa2: {  	_ =	swait.ge [sflag:s23], $0x1  }
0xa3: {  	[sflag:s23] =	ssyncset.done $0x0  }
0xa4: {  	s25 =	simm.s32 $0x1B8E;
	s24 =	sld [smem:$0x3FFE];
	[sflag:s23] =	ssyncadd.s32 $0xFFFFFFFF  }
0xa5: {  	s26 =	simm.s32 $execute0_lowered;
	[smem:$0x3FD2] =	sst s25  }
0xa6: {  	s4 =	sshll.u32 s26, $0x1;
	_ =	strace $0x8000004F;
	[dreg:$0x1] =	wrdreg $0xFFFFFFFF  }
0xa7: {  	s28 =	simm.s32 $_size_execute0_lowered;
	s2 =	sadd.s32 s2, s4;
	[dreg:$0x0] =	wrdreg $0x0  }
0xa8: {  	s4 =	sshll.u32 s28, $0x1;
	[dreg:$0x2] =	wrdreg s2  }
0xa9: {  	[dreg:$0x3] =	wrdreg s4  }
0xaa: {  	[dreg:$0x4] =	wrdreg $0xC0  }
0xab: {  	_ =	task [dreg:s6], $0x5FFFF  }
0xac: {  	[dreg:$0x1] =	wrdreg $0xFFFFFFFF  }
0xad: {  	[dreg:$0x0] =	wrdreg $0x60  }
0xae: {  	[dreg:$0x2] =	wrdreg s24  }
0xaf: {  	[dreg:$0x3] =	wrdreg $0xA8000  }
0xb0: {  	[dreg:$0x4] =	wrdreg $0x9  }
0xb1: {  	_ =	task.clear_ibuf [dreg:s6], $0x5FFFF;
	_ =	strace $0x9000004F  }
0xb2: {  	s29 =	simm.s32 $0x9;
	_ =	strace $0x80000051  }
0xb3: {  	_ =	swait.ge [sflag:s29], $0x1  }
0xb4: {  	[sflag:s29] =	ssyncadd.s32 $0xFFFFFFFF  }
0xb5: {  	_ =	strace $0x90000051  }
0xb6: {  	_ =	sfence  }
0xb7: {  	s30 =	sld [smem:$0x0];
	_ =	sdelay $0x2  }
0xb8: {  	s31 =	sshll.u32 s1, $0xD;
	s1 =	sshrl.u32 s1, $0x2  }
0xb9: {  	s3 =	sand.u32 $0x4000, s31;
	s1 =	sadd.s32 s1, s30  }
0xba: {  	s0 =	sor.u32 s3, s0;
	s1 =	sshll.u32 s1, $0x11  }
0xbb: {  	s0 =	sor.u32 s1, s0  }
0xbc: {  	s0 =	sadd.s32 $0x8F2B, s0  }
0xbd: {  	[sflag:s0] =	ssyncadd.remote.s32 $0x1  }
0xbe: {  	_ =	sfence.sel $0xFFFF  }
0xbf: {  	[dreg:$0x0] =	wrdreg $0xFFFFFFFF;
	(pc) =	sbr.abs _section_cstart, $3  }
0xc0: {  	[dreg:$0x1] =	wrdreg $0xFFFFFFFF  }
0xc1: {  	_ =	task.clear_ibuf [dreg:s6], $0x2FFFF;
	_ =	strace $0x9FFFFFFF  }
0xc2: {  	(tm) =	ssettm $0x7FFFFFFF  }
0xc3: {  	_ =	shalt  }
tec
execute0_lowered:
.L_overlay_start_1:
0x0: {  	(tag) =	ssettag $0x1  }
0x1: {  	s6 =	rddreg [dreg:$0x0]  }
0x2: {  	s1 =	rddreg [dreg:$0x1]  }
0x3: {  	s0 =	rddreg [dreg:$0x2];
	s2 =	simm.s32 $0x0;
	s12 =	stileid.u32  }
0x4: {  	s4 =	srdreg.scid;
	s18 =	simm.s32 $0x1;
	s19 =	simm.s32 $0x2  }
0x5: {  	s20 =	simm.s32 $0x2700;
	s21 =	simm.s32 $0x2680;
	s22 =	simm.s32 $0x2780  }
0x6: {  	s23 =	simm.s32 $0x0;
	[smem:$0x7FF] =	sst s2;
	s8 =	smul.u32 $0x13800, s12  }
0x7: {  	s3 =	sadd.s32 $0x16A00, s6;
	s5 =	sand.u32 $0x1, s4;
	s9 =	sadd.s32 $0x2A00, s6  }
0x8: {  	s11 =	sadd.s32 $0x64E00, s6;
	s28 =	sshll.u32 s12, $0x6;
	s17 =	sadd.s32 $0x138000, s1  }
0x9: {  	p0 =	sne.s32 s12, $0x0;
	_ =	strace $0x80000050;
	s7 =	sshll.u32 s5, $0x4  }
0xa: {  	s10 =	ssub.s32 $0x2, s5;
	s16 =	smul.u32 $0x138800, s5;
	s5 =	sor.u32 $0x1C03, s28  }
0xb: {  	s25 =	sshrl.u32 s8, $0x3;
	s7 =	sor.u32 s12, s7;
	s13 =	sshrl.u32 s10, $0x1  }
0xc: {  	s15 =	sadd.s32 s8, s1;
	s4 =	sadd.s32 s25, s6;
	s14 =	smul.u32 $0xA00, s7  }
0xd: {  	s13 =	ssub.s32 s10, s13;
	s26 =	smul.u32 $0x5000, s7;
	s6 =	sadd.s32 $0x64C00, s6  }
0xe: {  	s8 =	sadd.s32 s8, s16;
	s30 =	sshrl.u32 s16, $0x3;
	s12 =	sshrl.u32 s15, $0x3  }
0xf: {  	s15 =	simm.s32 $0x80;
	s16 =	simm.s32 $0x2800;
	s4 =	sadd.s32 $0x3DC00, s4  }
0x10: {  	s29 =	sshrl.u32 s8, $0x3;
	s31 =	sadd.s32 s11, s30;
	s10 =	sshrl.u32 s26, $0x3  }
0x11: {  	s7 =	sadd.s32 s9, s14;
	s14 =	sshrl.u32 @!p0 s17, $0x3;
	s9 =	sadd.s32 s9, s10  }
0x12: {  	s17 =	simm.s32 $0x6800;
	s10 =	sadd.s32 $0x27000, s31;
	s8 =	sadd.s32 $0x500, s9  }
0x13: {  	s9 =	sadd.s32 s11, s29;
	s11 =	smax.u32 s13, $0x1;
	s13 =	simm.s32 $0x3  }
.LBB2_1:
0x14: {  	[spmem:s12], [sflag:s5] =	dma.local [hbm:s4], $0x2700  }
0x15: {  	_ =	swait.ge [sflag:s13], $0x2700  }
0x16: {  	[sflag:s13] =	ssyncset.done $0x0  }
0x17: {  	s24 =	simm.s32 @!p0 $0x3;
	[sflag:s13] =	ssyncadd.s32 $0xFFFFD900  }
0x18: {  	[spmem:s14], [sflag:s5] =	dma.local @!p0 [hbm:s6], $0x100  }
0x19: {  	_ =	swait.ge @!p0 [sflag:s24], $0x100  }
0x1a: {  	[sflag:s24] =	ssyncset.done @!p0 $0x0  }
0x1b: {  	[sflag:s24] =	ssyncadd.s32 @!p0 $0xFFFFFF00  }
0x1c: {  	[bflag:$0x0] =	sbarrier.arrive $0xFFFF  }
0x1d: {  	[tilespmem:s2], [sflag:$0x3] =	stream.linear.gather [hbm4b:s7+s2], $0x2800, $0x38;
	[tilespmem:$0x1E0C0] =	vst v63  }
0x1e: {  	_ =	swait.ge [sflag:s13], $0x2800  }
0x1f: {  	[sflag:s13] =	ssyncset.done $0x0  }
0x20: {  	[sflag:s13] =	ssyncadd.s32 $0xFFFFD800  }
0x21: {  	[tilespmem:s16], [sflag:$0x1] =	stream.indirect.gather [hbm4b:s3+s15], $0x80, s2, s15, $0xb8;
	[tilespmem:$0x1E0C0] =	vst v63  }
0x22: {  	s28 =	simm.s32 $0x100  }
0x23: {  	[tilespmem:s17], [sflag:$0x2] =	stream.indirect.gather [hbm4b:s3+s15], $0x80, s28, s15, $0xb8;
	[tilespmem:$0x1E0C0] =	vst v63  }
0x24: {  	_ =	swait.ge [sflag:s18], $0x4000  }
0x25: {  	[sflag:s18] =	ssyncset.done $0x0  }
0x26: {  	s29 =	simm.s32 $0x80;
	[sflag:s18] =	ssyncadd.s32 $0xFFFFC000  }
0x27: {  	[spmem:s1] =	stream.indirect.scatter.add.f32 [tilespmem:s16], [sflag:$0x3], $0x80, s29, s15, $0xb8;
	[tilespmem:$0x1E0C0] =	vst v63  }
0x28: {  	_ =	swait.ge [sflag:s13], $0x4000  }
0x29: {  	[sflag:s13] =	ssyncset.done $0x0  }
0x2a: {  	s30 =	simm.s32 $0x200;
	[sflag:s13] =	ssyncadd.s32 $0xFFFFC000  }
0x2b: {  	[tilespmem:s16], [sflag:$0x1] =	stream.indirect.gather [hbm4b:s3+s15], $0x80, s30, s15, $0xb8;
	[tilespmem:$0x1E0C0] =	vst v63  }
0x2c: {  	_ =	swait.ge [sflag:s19], $0x4000  }
0x2d: {  	[sflag:s19] =	ssyncset.done $0x0  }
0x2e: {  	s31 =	simm.s32 $0x180;
	[sflag:s19] =	ssyncadd.s32 $0xFFFFC000  }
0x2f: {  	[spmem:s1] =	stream.indirect.scatter.add.f32 [tilespmem:s17], [sflag:$0x3], $0x80, s31, s15, $0xb8;
	[tilespmem:$0x1E0C0] =	vst v63  }
0x30: {  	_ =	swait.ge [sflag:s13], $0x4000  }
0x31: {  	s25 =	simm.s32 $0xFFFF7800;
	s24 =	simm.s32 $0xFFFFDC00;
	[sflag:s13] =	ssyncset.done $0x0  }
.LBB2_2:
0x32: {  	s26 =	sadd.s32 $0x2700, s24  }
0x33: {  	[sflag:s13] =	ssyncadd.s32 $0xFFFFC000;
	s28 =	smov.u32 s25;
	s29 =	sadd.s32 $0x800, s25  }
0x34: {  	[tilespmem:s17], [sflag:$0x2] =	stream.indirect.gather [hbm4b:s3+s15], $0x80, s26, s15, $0xb8;
	[tilespmem:$0x1E0C0] =	vst v63  }
0x35: {  	p1 =	sne.s32 s25, $0xFFFFF800;
	_ =	swait.ge [sflag:s18], $0x4000  }
0x36: {  	[sflag:s18] =	ssyncset.done $0x0  }
0x37: {  	s25 =	sadd.s32 $0x2680, s24;
	[sflag:s18] =	ssyncadd.s32 $0xFFFFC000  }
0x38: {  	[spmem:s1] =	stream.indirect.scatter.add.f32 [tilespmem:s16], [sflag:$0x3], $0x80, s25, s15, $0xb8;
	[tilespmem:$0x1E0C0] =	vst v63  }
0x39: {  	_ =	swait.ge [sflag:s13], $0x4000  }
0x3a: {  	[sflag:s13] =	ssyncset.done $0x0  }
0x3b: {  	s25 =	sadd.s32 $0x2800, s24;
	[sflag:s13] =	ssyncadd.s32 $0xFFFFC000  }
0x3c: {  	[tilespmem:s16], [sflag:$0x1] =	stream.indirect.gather [hbm4b:s3+s15], $0x80, s25, s15, $0xb8;
	[tilespmem:$0x1E0C0] =	vst v63  }
0x3d: {  	_ =	swait.ge [sflag:s19], $0x4000  }
.Ltmp0:
0x3e: {  	[sflag:s19] =	ssyncset.done $0x0;
	(pc) =	sbr.rel @p1 .LBB2_2-.Ltmp0, $4  }
0x3f: {  	s24 =	sadd.s32 $0x2780, s24;
	[sflag:s19] =	ssyncadd.s32 $0xFFFFC000  }
0x40: {  	[spmem:s1] =	stream.indirect.scatter.add.f32 [tilespmem:s17], [sflag:$0x3], $0x80, s24, s15, $0xb8;
	[tilespmem:$0x1E0C0] =	vst v63  }
0x41: {  	_ =	swait.ge [sflag:s13], $0x4000  }
0x42: {  	s25 =	smov.u32 s29;
	s24 =	sshra.s32 s28, $0x2;
	[sflag:s13] =	ssyncset.done $0x0  }
0x43: {  	s25 =	sadd.s32 $0x2700, s24;
	[sflag:s13] =	ssyncadd.s32 $0xFFFFC000  }
0x44: {  	[tilespmem:s17], [sflag:$0x2] =	stream.indirect.gather [hbm4b:s3+s15], $0x80, s25, s15, $0xb8;
	[tilespmem:$0x1E0C0] =	vst v63  }
0x45: {  	_ =	swait.ge [sflag:s18], $0x4000  }
0x46: {  	[sflag:s18] =	ssyncset.done $0x0  }
0x47: {  	s30 =	sadd.s32 $0x2680, s24;
	[sflag:s18] =	ssyncadd.s32 $0xFFFFC000  }
0x48: {  	[spmem:s1] =	stream.indirect.scatter.add.f32 [tilespmem:s16], [sflag:$0x3], $0x80, s30, s15, $0xb8;
	[tilespmem:$0x1E0C0] =	vst v63  }
0x49: {  	_ =	swait.ge [sflag:s13], $0x4000  }
0x4a: {  	[sflag:s13] =	ssyncset.done $0x0  }
0x4b: {  	s31 =	sadd.s32 $0x2800, s24;
	[sflag:s13] =	ssyncadd.s32 $0xFFFFC000  }
0x4c: {  	[tilespmem:s16], [sflag:$0x1] =	stream.indirect.gather [hbm4b:s3+s15], $0x80, s31, s15, $0xb8;
	[tilespmem:$0x1E0C0] =	vst v63  }
0x4d: {  	_ =	swait.ge [sflag:s19], $0x4000  }
0x4e: {  	[sflag:s19] =	ssyncset.done $0x0  }
0x4f: {  	s26 =	sadd.s32 $0x2780, s24;
	[sflag:s19] =	ssyncadd.s32 $0xFFFFC000  }
0x50: {  	[spmem:s1] =	stream.indirect.scatter.add.f32 [tilespmem:s17], [sflag:$0x3], $0x80, s26, s15, $0xb8;
	[tilespmem:$0x1E0C0] =	vst v63  }
0x51: {  	_ =	swait.ge [sflag:s13], $0x4000  }
0x52: {  	[sflag:s13] =	ssyncset.done $0x0  }
0x53: {  	[sflag:s13] =	ssyncadd.s32 $0xFFFFC000  }
0x54: {  	[tilespmem:s17], [sflag:$0x2] =	stream.indirect.gather [hbm4b:s3+s15], $0x80, s20, s15, $0xb8;
	[tilespmem:$0x1E0C0] =	vst v63  }
0x55: {  	_ =	swait.ge [sflag:s18], $0x4000  }
0x56: {  	[sflag:s18] =	ssyncset.done $0x0  }
0x57: {  	[sflag:s18] =	ssyncadd.s32 $0xFFFFC000  }
0x58: {  	[spmem:s1] =	stream.indirect.scatter.add.f32 [tilespmem:s16], [sflag:$0x3], $0x80, s21, s15, $0xb8;
	[tilespmem:$0x1E0C0] =	vst v63  }
0x59: {  	_ =	swait.ge [sflag:s13], $0x4000  }
0x5a: {  	[sflag:s13] =	ssyncset.done $0x0  }
0x5b: {  	[sflag:s13] =	ssyncadd.s32 $0xFFFFC000  }
0x5c: {  	_ =	swait.ge [sflag:s19], $0x4000  }
0x5d: {  	[sflag:s19] =	ssyncset.done $0x0  }
0x5e: {  	[sflag:s19] =	ssyncadd.s32 $0xFFFFC000  }
0x5f: {  	[spmem:s1] =	stream.indirect.scatter.add.f32 [tilespmem:s17], [sflag:$0x3], $0x80, s22, s15, $0xb8;
	[tilespmem:$0x1E0C0] =	vst v63  }
0x60: {  	_ =	swait.ge [sflag:s13], $0x4000  }
0x61: {  	[sflag:s13] =	ssyncset.done $0x0  }
0x62: {  	[sflag:s13] =	ssyncadd.s32 $0xFFFFC000  }
0x63: {  	[tilespmem:s2], [sflag:$0x3] =	stream.linear.gather [hbm4b:s8+s2], $0x2800, $0x38;
	[tilespmem:$0x1E0C0] =	vst v63  }
0x64: {  	_ =	swait.ge [sflag:s13], $0x2800  }
0x65: {  	[sflag:s13] =	ssyncset.done $0x0  }
0x66: {  	[sflag:s13] =	ssyncadd.s32 $0xFFFFD800  }
0x67: {  	[tilespmem:s16], [sflag:$0x1] =	stream.indirect.gather [hbm4b:s3+s15], $0x80, s2, s15, $0xb8;
	[tilespmem:$0x1E0C0] =	vst v63  }
0x68: {  	s28 =	simm.s32 $0x100  }
0x69: {  	[tilespmem:s17], [sflag:$0x2] =	stream.indirect.gather [hbm4b:s3+s15], $0x80, s28, s15, $0xb8;
	[tilespmem:$0x1E0C0] =	vst v63  }
0x6a: {  	_ =	swait.ge [sflag:s18], $0x4000  }
0x6b: {  	[sflag:s18] =	ssyncset.done $0x0  }
0x6c: {  	s29 =	simm.s32 $0x80;
	[sflag:s18] =	ssyncadd.s32 $0xFFFFC000  }
0x6d: {  	[spmem:s1] =	stream.indirect.scatter.add.f32 [tilespmem:s16], [sflag:$0x3], $0x80, s29, s15, $0xb8;
	[tilespmem:$0x1E0C0] =	vst v63  }
0x6e: {  	_ =	swait.ge [sflag:s13], $0x4000  }
0x6f: {  	[sflag:s13] =	ssyncset.done $0x0  }
0x70: {  	s30 =	simm.s32 $0x200;
	[sflag:s13] =	ssyncadd.s32 $0xFFFFC000  }
0x71: {  	[tilespmem:s16], [sflag:$0x1] =	stream.indirect.gather [hbm4b:s3+s15], $0x80, s30, s15, $0xb8;
	[tilespmem:$0x1E0C0] =	vst v63  }
0x72: {  	_ =	swait.ge [sflag:s19], $0x4000  }
0x73: {  	[sflag:s19] =	ssyncset.done $0x0  }
0x74: {  	s31 =	simm.s32 $0x180;
	[sflag:s19] =	ssyncadd.s32 $0xFFFFC000  }
0x75: {  	[spmem:s1] =	stream.indirect.scatter.add.f32 [tilespmem:s17], [sflag:$0x3], $0x80, s31, s15, $0xb8;
	[tilespmem:$0x1E0C0] =	vst v63  }
0x76: {  	_ =	swait.ge [sflag:s13], $0x4000  }
0x77: {  	s24 =	simm.s32 $0xFFFFDC00;
	s25 =	simm.s32 $0xFFFF7800;
	[sflag:s13] =	ssyncset.done $0x0  }
.LBB2_4:
0x78: {  	s26 =	sadd.s32 $0x2700, s24  }
0x79: {  	[sflag:s13] =	ssyncadd.s32 $0xFFFFC000;
	s28 =	smov.u32 s25;
	s29 =	sadd.s32 $0x800, s25  }
0x7a: {  	[tilespmem:s17], [sflag:$0x2] =	stream.indirect.gather [hbm4b:s3+s15], $0x80, s26, s15, $0xb8;
	[tilespmem:$0x1E0C0] =	vst v63  }
0x7b: {  	p1 =	sne.s32 s25, $0xFFFFF800;
	_ =	swait.ge [sflag:s18], $0x4000  }
0x7c: {  	[sflag:s18] =	ssyncset.done $0x0  }
0x7d: {  	s25 =	sadd.s32 $0x2680, s24;
	[sflag:s18] =	ssyncadd.s32 $0xFFFFC000  }
0x7e: {  	[spmem:s1] =	stream.indirect.scatter.add.f32 [tilespmem:s16], [sflag:$0x3], $0x80, s25, s15, $0xb8;
	[tilespmem:$0x1E0C0] =	vst v63  }
0x7f: {  	_ =	swait.ge [sflag:s13], $0x4000  }
0x80: {  	[sflag:s13] =	ssyncset.done $0x0  }
0x81: {  	s25 =	sadd.s32 $0x2800, s24;
	[sflag:s13] =	ssyncadd.s32 $0xFFFFC000  }
0x82: {  	[tilespmem:s16], [sflag:$0x1] =	stream.indirect.gather [hbm4b:s3+s15], $0x80, s25, s15, $0xb8;
	[tilespmem:$0x1E0C0] =	vst v63  }
0x83: {  	_ =	swait.ge [sflag:s19], $0x4000  }
.Ltmp1:
0x84: {  	[sflag:s19] =	ssyncset.done $0x0;
	(pc) =	sbr.rel @p1 .LBB2_4-.Ltmp1, $4  }
0x85: {  	s24 =	sadd.s32 $0x2780, s24;
	[sflag:s19] =	ssyncadd.s32 $0xFFFFC000  }
0x86: {  	[spmem:s1] =	stream.indirect.scatter.add.f32 [tilespmem:s17], [sflag:$0x3], $0x80, s24, s15, $0xb8;
	[tilespmem:$0x1E0C0] =	vst v63  }
0x87: {  	_ =	swait.ge [sflag:s13], $0x4000  }
0x88: {  	s25 =	smov.u32 s29;
	s24 =	sshra.s32 s28, $0x2;
	[sflag:s13] =	ssyncset.done $0x0  }
0x89: {  	s25 =	sadd.s32 $0x2700, s24;
	[sflag:s13] =	ssyncadd.s32 $0xFFFFC000  }
0x8a: {  	[tilespmem:s17], [sflag:$0x2] =	stream.indirect.gather [hbm4b:s3+s15], $0x80, s25, s15, $0xb8;
	[tilespmem:$0x1E0C0] =	vst v63  }
0x8b: {  	_ =	swait.ge [sflag:s18], $0x4000  }
0x8c: {  	[sflag:s18] =	ssyncset.done $0x0  }
0x8d: {  	s29 =	sadd.s32 $0x2680, s24;
	[sflag:s18] =	ssyncadd.s32 $0xFFFFC000  }
0x8e: {  	[spmem:s1] =	stream.indirect.scatter.add.f32 [tilespmem:s16], [sflag:$0x3], $0x80, s29, s15, $0xb8;
	[tilespmem:$0x1E0C0] =	vst v63  }
0x8f: {  	_ =	swait.ge [sflag:s13], $0x4000  }
0x90: {  	[sflag:s13] =	ssyncset.done $0x0  }
0x91: {  	s30 =	sadd.s32 $0x2800, s24;
	[sflag:s13] =	ssyncadd.s32 $0xFFFFC000  }
0x92: {  	[tilespmem:s16], [sflag:$0x1] =	stream.indirect.gather [hbm4b:s3+s15], $0x80, s30, s15, $0xb8;
	[tilespmem:$0x1E0C0] =	vst v63  }
0x93: {  	_ =	swait.ge [sflag:s19], $0x4000  }
0x94: {  	[sflag:s19] =	ssyncset.done $0x0  }
0x95: {  	s31 =	sadd.s32 $0x2780, s24;
	[sflag:s19] =	ssyncadd.s32 $0xFFFFC000  }
0x96: {  	[spmem:s1] =	stream.indirect.scatter.add.f32 [tilespmem:s17], [sflag:$0x3], $0x80, s31, s15, $0xb8;
	[tilespmem:$0x1E0C0] =	vst v63  }
0x97: {  	_ =	swait.ge [sflag:s13], $0x4000  }
0x98: {  	[sflag:s13] =	ssyncset.done $0x0  }
0x99: {  	[sflag:s13] =	ssyncadd.s32 $0xFFFFC000  }
0x9a: {  	[tilespmem:s17], [sflag:$0x2] =	stream.indirect.gather [hbm4b:s3+s15], $0x80, s20, s15, $0xb8;
	[tilespmem:$0x1E0C0] =	vst v63  }
0x9b: {  	_ =	swait.ge [sflag:s18], $0x4000  }
0x9c: {  	[sflag:s18] =	ssyncset.done $0x0  }
0x9d: {  	[sflag:s18] =	ssyncadd.s32 $0xFFFFC000  }
0x9e: {  	[spmem:s1] =	stream.indirect.scatter.add.f32 [tilespmem:s16], [sflag:$0x3], $0x80, s21, s15, $0xb8;
	[tilespmem:$0x1E0C0] =	vst v63  }
0x9f: {  	_ =	swait.ge [sflag:s13], $0x4000  }
0xa0: {  	[sflag:s13] =	ssyncset.done $0x0  }
0xa1: {  	[sflag:s13] =	ssyncadd.s32 $0xFFFFC000  }
0xa2: {  	_ =	swait.ge [sflag:s19], $0x4000  }
0xa3: {  	[sflag:s19] =	ssyncset.done $0x0  }
0xa4: {  	[sflag:s19] =	ssyncadd.s32 $0xFFFFC000  }
0xa5: {  	[spmem:s1] =	stream.indirect.scatter.add.f32 [tilespmem:s17], [sflag:$0x3], $0x80, s22, s15, $0xb8;
	[tilespmem:$0x1E0C0] =	vst v63  }
0xa6: {  	_ =	swait.ge [sflag:s13], $0x4000  }
0xa7: {  	[sflag:s13] =	ssyncset.done $0x0  }
0xa8: {  	[sflag:s13] =	ssyncadd.s32 $0xFFFFC000  }
0xa9: {  	[bflag:$0x0] =	sbarrier.arrive $0xFFFF  }
0xaa: {  	[hbm:s9], [sflag:s5] =	dma.local [spmem:s12], $0x2700  }
0xab: {  	s23 =	sadd.s32 $0x1, s23;
	_ =	swait.ge [sflag:s13], $0x2700  }
0xac: {  	p1 =	sne.s32 s23, s11;
	[sflag:s13] =	ssyncset.done $0x0  }
.Ltmp2:
0xad: {  	s24 =	simm.s32 @!p0 $0x3;
	[sflag:s13] =	ssyncadd.s32 $0xFFFFD900;
	(pc) =	sbr.rel @p1 .LBB2_1-.Ltmp2, $4  }
0xae: {  	[hbm:s10], [sflag:s5] =	dma.local @!p0 [spmem:s14], $0x100  }
0xaf: {  	_ =	swait.ge @!p0 [sflag:s24], $0x100  }
0xb0: {  	[sflag:s24] =	ssyncset.done @!p0 $0x0  }
0xb1: {  	[sflag:s24] =	ssyncadd.s32 @!p0 $0xFFFFFF00  }
0xb2: {  	_ =	sfence.sel $0x180000  }
0xb3: {  	[bflag:$0x0] =	sbarrier.arrive $0xFFFF  }
0xb4: {  	_ =	strace $0x90000050  }
0xb5: {  	s0 =	sadd.s32 @!p0 $0x100000, s0;
	[bflag:$0x2] =	sbarrier.arrive $0xFFFF  }
0xb6: {  	[sflag:s0] =	ssyncadd.tile.s32 @!p0 $0x1;
	_ =	shalt  }
.Lfunc_end2:
_tile_overlayer_lowered:
.L_overlay_start_2:
0xb7: {  	(tag) =	ssettag $0x2  }
0xb8: {  	s0 =	rddreg [dreg:$0x0];
	s2 =	stileid.u32  }
0xb9: {  	s1 =	rddreg [dreg:$0x1];
	p0 =	sne.s32 s2, $0x0  }
0xba: {  	s3 =	rddreg [dreg:$0x2];
	[bflag:$0x3] =	sbarrier.arrive $0xFFFF;
	s2 =	simm.s32 @!p0 $0x1C03  }
0xbb: {  	[timem:s3], [sflag:s2] =	dma.local @!p0 [hbm:s0], s1  }
0xbc: {  	s0 =	simm.s32 @!p0 $0x3  }
0xbd: {  	_ =	swait.ge @!p0 [sflag:s0], s1  }
0xbe: {  	s1 =	ssub.s32 @!p0 $0x0, s1;
	[sflag:s0] =	ssyncset.done @!p0 $0x0  }
0xbf: {  	[sflag:s0] =	ssyncadd.s32 @!p0 s1  }
0xc0: {  	[bflag:$0x3] =	sbarrier.arrive $0xFFFF  }
0xc1: {  	_ =	shalt  }

// kernel: kernel.25.cloned.1.call-start
scs
__scs_entry_jumppad:
0x0: {  	(pc) =	sbr.rel $0x88, $3  }
0x1: {  	(tag) =	ssettag $0x0;
	lr =	simm.s32 $0x1  }
0x2: {  	[smem:$0x3F95] =	sst lr;
	_ =	strace $0xD0000000  }
0x3: {  	_ = 	snop  }
0x4: {  	_ = 	snop  }
0x5: {  	_ = 	snop  }
0x6: {  	_ = 	snop  }
0x7: {  	_ = 	snop  }
__scs_overlays_trampoline_lowered:
0x8: {  	[smem:$0x3FA4] =	sst s0  }
0x9: {  	[smem:$0x3FA5] =	sst s1  }
0xa: {  	[smem:$0x3FA6] =	sst s2  }
0xb: {  	[smem:$0x3FA7] =	sst s3  }
0xc: {  	[smem:$0x3FA8] =	sst s4  }
0xd: {  	[smem:$0x3FA9] =	sst s5  }
0xe: {  	[smem:$0x3FAA] =	sst s6  }
0xf: {  	[smem:$0x3FAB] =	sst s7  }
0x10: {  	[smem:$0x3FAC] =	sst s8  }
0x11: {  	[smem:$0x3FAD] =	sst s9;
	s0 =	simm.s32 @!p0 $0x0  }
0x12: {  	s1 =	sld [smem:$0x3F93];
	s0 =	simm.s32 @p0 $0x1  }
0x13: {  	[smem:$0x3FAE] =	sst s0;
	s0 =	simm.s32 @!p1 $0x0  }
0x14: {  	s2 =	sld [smem:$0x3F92];
	s0 =	simm.s32 @p1 $0x1  }
0x15: {  	[smem:$0x3FAF] =	sst s0;
	s0 =	simm.s32 @!p2 $0x0  }
0x16: {  	s3 =	sld [smem:$0x3FDB];
	s0 =	simm.s32 @p2 $0x1  }
0x17: {  	s4 =	simm.s32 $0x1BF5;
	[smem:$0x3FB1] =	sst s0  }
0x18: {  	s0 =	sld [smem:$0x3F94];
	_ =	swait.ge [sflag:s4], $0x0  }
0x19: {  	s7 =	sld [smem:$0x3F95]  }
0x1a: {  	s8 =	sadd.s32 $0xFFFFE003, lr  }
0x1b: {  	s9 =	sadd.s32 $0xFFFFFEF7, lr;
	s5 =	simm.s32 $0xFFFFFFFF;
	p2 =	slt.u32 s8, $0xFFFFF086  }
0x1c: {  	p1 =	slt.u32 s9, $0xF7A;
	s5 =	simm.s32 @!p2 $0x0  }
0x1d: {  	s5 =	simm.s32 @p1 $0x1;
	p0 =	seq.s32 s7, s2  }
0x1e: {  	s7 =	smul.u32 @!p0 $0xF7A, s2;
	p2 =	seq.s32 @!p0 s5, $0x0  }
0x1f: {  	s9 =	smul.u32 $0xF7A, s1;
	s8 =	simm.s32 @!p0 $0x1BF5;
	p2 =	por !p2, p0  }
0x20: {  	[sflag:s8] =	ssyncset.s32 @!p0 $0xFFFFF086;
	s6 =	sadd.s32 @!p0 s3, s7;
	s7 =	simm.s32 @!p0 $0x108  }
0x21: {  	s3 =	sadd.s32 s3, s9;
	s6 =	sadd.s32 @!p0 $0x88, s6;
	s7 =	simm.s32 @p2 $0x1082  }
0x22: {  	[simem:s7], [sflag:s8] =	dma.local @!p0 [hbm:s6], $0xF7A  }
0x23: {  	s9 =	sor.u32 $0xD0000000, s2;
	s6 =	simm.s32 $0x108;
	_ =	swait.ge @!p0 [sflag:s8], $0x0  }
0x24: {  	s3 =	sadd.s32 $0x88, s3;
	s6 =	simm.s32 @!p1 $0x1082;
	[sflag:s4] =	ssyncset.s32 $0xFFFFF086  }
0x25: {  	[simem:s6], [sflag:s4] =	dma.local [hbm:s3], $0xF7A  }
0x26: {  	[smem:$0x3F95] =	sst s1;
	(tag) =	ssettag s2;
	_ =	strace s9  }
0x27: {  	s1 =	sld [smem:$0x3FA5]  }
0x28: {  	s2 =	sld [smem:$0x3FA6]  }
0x29: {  	s4 =	sld [smem:$0x3FA8]  }
0x2a: {  	p0 =	seq.s32 s5, $0x0;
	s5 =	sld [smem:$0x3FA9]  }
0x2b: {  	s6 =	sld [smem:$0x3FAA]  }
0x2c: {  	s7 =	sld [smem:$0x3FAB]  }
0x2d: {  	s3 =	simm.s32 $0x108;
	s8 =	sld [smem:$0x3FAC]  }
0x2e: {  	s3 =	simm.s32 @!p0 $0x1082;
	s9 =	sld [smem:$0x3FAD]  }
0x2f: {  	lr =	sadd.s32 s0, s3;
	s0 =	sld [smem:$0x3FA4]  }
0x30: {  	s3 =	sld [smem:$0x3FA7]  }
0x31: {  	[smem:$0x3FB0] =	sst s10  }
0x32: {  	s10 =	sld [smem:$0x3FAE];
	_ =	sdelay $0x3  }
0x33: {  	p0 =	seq.s32 s10, $0x1;
	s10 =	sld [smem:$0x3FB0];
	_ =	sdelay $0x3  }
0x34: {  	[smem:$0x3FB0] =	sst s10  }
0x35: {  	s10 =	sld [smem:$0x3FAF];
	_ =	sdelay $0x3  }
0x36: {  	p1 =	seq.s32 s10, $0x1;
	s10 =	sld [smem:$0x3FB0];
	_ =	sdelay $0x3  }
0x37: {  	[smem:$0x3FB0] =	sst s10  }
0x38: {  	s10 =	sld [smem:$0x3FB1]  }
0x39: {  	_ = 	snop;
	(pc) =	sbr.ind lr, $3  }
0x3a: {  	_ = 	snop  }
0x3b: {  	_ = 	snop  }
0x3c: {  	p2 =	seq.s32 s10, $0x1;
	s10 =	sld [smem:$0x3FB0]  }
0x3d: {  	_ =	shalt  }
0x3e: {  	_ =	shalt  }
0x3f: {  	_ =	shalt  }
0x40: {  	_ =	shalt  }
0x41: {  	_ =	shalt  }
0x42: {  	_ =	shalt  }
0x43: {  	_ =	shalt  }
0x44: {  	_ =	shalt  }
0x45: {  	_ =	shalt  }
0x46: {  	_ =	shalt  }
0x47: {  	_ =	shalt  }
0x48: {  	_ =	shalt  }
0x49: {  	_ =	shalt  }
0x4a: {  	_ =	shalt  }
0x4b: {  	_ =	shalt  }
0x4c: {  	_ =	shalt  }
0x4d: {  	_ =	shalt  }
0x4e: {  	_ =	shalt  }
0x4f: {  	_ =	shalt  }
0x50: {  	_ =	shalt  }
0x51: {  	_ =	shalt  }
0x52: {  	_ =	shalt  }
0x53: {  	_ =	shalt  }
0x54: {  	_ =	shalt  }
0x55: {  	_ =	shalt  }
0x56: {  	_ =	shalt  }
0x57: {  	_ =	shalt  }
0x58: {  	_ =	shalt  }
0x59: {  	_ =	shalt  }
0x5a: {  	_ =	shalt  }
0x5b: {  	_ =	shalt  }
0x5c: {  	_ =	shalt  }
0x5d: {  	_ =	shalt  }
0x5e: {  	_ =	shalt  }
0x5f: {  	_ =	shalt  }
0x60: {  	_ =	shalt  }
0x61: {  	_ =	shalt  }
0x62: {  	_ =	shalt  }
0x63: {  	_ =	shalt  }
0x64: {  	_ =	shalt  }
0x65: {  	_ =	shalt  }
0x66: {  	_ =	shalt  }
0x67: {  	_ =	shalt  }
0x68: {  	_ =	shalt  }
0x69: {  	_ =	shalt  }
0x6a: {  	_ =	shalt  }
0x6b: {  	_ =	shalt  }
0x6c: {  	_ =	shalt  }
0x6d: {  	_ =	shalt  }
0x6e: {  	_ =	shalt  }
0x6f: {  	_ =	shalt  }
0x70: {  	_ =	shalt  }
0x71: {  	_ =	shalt  }
0x72: {  	_ =	shalt  }
0x73: {  	_ =	shalt  }
0x74: {  	_ =	shalt  }
0x75: {  	_ =	shalt  }
0x76: {  	_ =	shalt  }
0x77: {  	_ =	shalt  }
0x78: {  	_ =	shalt  }
0x79: {  	_ =	shalt  }
0x7a: {  	_ =	shalt  }
0x7b: {  	_ =	shalt  }
0x7c: {  	_ =	shalt  }
0x7d: {  	_ =	shalt  }
0x7e: {  	_ =	shalt  }
0x7f: {  	_ =	shalt  }
0x80: {  	_ =	shalt  }
0x81: {  	_ =	shalt  }
0x82: {  	_ =	shalt  }
0x83: {  	_ =	shalt  }
0x84: {  	_ =	shalt  }
0x85: {  	_ =	shalt  }
0x86: {  	_ =	shalt  }
0x87: {  	_ =	shalt  }
.Lfunc_end0:
.L_simem_size_0:
called_computation.4_lowered:
.L_overlay_start_0:
0x88: {  	s2 =	sld [smem:$0x3FD9]  }
0x89: {  	s3 =	sld [smem:$0x3FFE];
	_ =	sdelay $0x1  }
0x8a: {  	s1 =	srdreg.scid  }
0x8b: {  	s0 =	sand.u32 $0x1, s1  }
0x8c: {  	s17 =	sshll.u32 s0, $0xA;
	s2 =	sadd.s32 s3, s2  }
0x8d: {  	s2 =	sadd.s32 s2, s17  }
0x8e: {  	[smem:$0x3FBC] =	sst s2  }
0x8f: {  	_ = 	snop  }
0x90: {  	s2 =	sld [smem:$0x3FD0];
	(tm) =	ssettm $0x1  }
0x91: {  	s18 =	sld [smem:$0x3FFB];
	_ =	sdelay $0x3  }
0x92: {  	_ =	strace s18  }
0x93: {  	s3 =	sld [smem:$0x3FFC];
	_ =	sdelay $0x3  }
0x94: {  	_ =	strace s3  }
0x95: {  	s3 =	sld [smem:$0x3FFD];
	_ =	sdelay $0x3  }
0x96: {  	_ =	strace s3  }
0x97: {  	_ =	strace $0x8FFFFFFF  }
0x98: {  	s19 =	sld [smem:$0x3FDB];
	_ =	sdelay $0x1  }
0x99: {  	s4 =	simm.s32 $_scs_section_size  }
0x9a: {  	s5 =	simm.s32 $_size__tile_overlayer_lowered;
	s6 =	simm.s32 $_tile_overlayer_lowered  }
0x9b: {  	s22 =	simm.s32 $0x1BFF;
	s21 =	sshll.u32 s6, $0x1;
	s3 =	sadd.s32 s4, s19  }
0x9c: {  	s7 =	simm.s32 $0x0;
	s20 =	sshll.u32 s5, $0x1;
	s5 =	sadd.s32 s21, s3  }
0x9d: {  	[timem:s7], [sflag:s22] =	dma.local [hbm:s5], s20  }
0x9e: {  	_ =	swait.ge [sflag:s22], s20  }
0x9f: {  	s4 =	ssub.s32 $0x0, s20;
	[sflag:s22] =	ssyncset.done $0x0  }
0xa0: {  	[sflag:s22] =	ssyncadd.s32 s4;
	_ =	sdelay $0x1  }
0xa1: {  	s23 =	simm.s32 $0x1B8B  }
0xa2: {  	_ =	swait.ge [sflag:s23], $0x1  }
0xa3: {  	[sflag:s23] =	ssyncset.done $0x0  }
0xa4: {  	s25 =	simm.s32 $0x1B8E;
	s24 =	sld [smem:$0x3FFE];
	[sflag:s23] =	ssyncadd.s32 $0xFFFFFFFF  }
0xa5: {  	s26 =	simm.s32 $execute0_lowered;
	[smem:$0x3FD2] =	sst s25  }
0xa6: {  	s5 =	sshll.u32 s26, $0x1;
	_ =	strace $0x80000052;
	[dreg:$0x1] =	wrdreg $0xFFFFFFFF  }
0xa7: {  	s28 =	simm.s32 $_size_execute0_lowered;
	s3 =	sadd.s32 s3, s5;
	[dreg:$0x0] =	wrdreg $0x0  }
0xa8: {  	s5 =	sshll.u32 s28, $0x1;
	[dreg:$0x2] =	wrdreg s3  }
0xa9: {  	[dreg:$0x3] =	wrdreg s5  }
0xaa: {  	[dreg:$0x4] =	wrdreg $0xC0  }
0xab: {  	_ =	task [dreg:s7], $0x5FFFF  }
0xac: {  	[dreg:$0x1] =	wrdreg $0xFFFFFFFF  }
0xad: {  	[dreg:$0x0] =	wrdreg $0x60  }
0xae: {  	[dreg:$0x2] =	wrdreg s2  }
0xaf: {  	[dreg:$0x3] =	wrdreg s24  }
0xb0: {  	[dreg:$0x4] =	wrdreg $0x9  }
0xb1: {  	_ =	task.clear_ibuf [dreg:s7], $0x5FFFF;
	_ =	strace $0x90000052  }
0xb2: {  	s29 =	simm.s32 $0x9;
	_ =	strace $0x80000054  }
0xb3: {  	_ =	swait.ge [sflag:s29], $0x1  }
0xb4: {  	[sflag:s29] =	ssyncadd.s32 $0xFFFFFFFF  }
0xb5: {  	_ =	strace $0x90000054  }
0xb6: {  	_ =	sfence  }
0xb7: {  	s30 =	sld [smem:$0x0];
	_ =	sdelay $0x2  }
0xb8: {  	s31 =	sshll.u32 s1, $0xD;
	s1 =	sshrl.u32 s1, $0x2  }
0xb9: {  	s3 =	sand.u32 $0x4000, s31;
	s1 =	sadd.s32 s1, s30  }
0xba: {  	s0 =	sor.u32 s3, s0;
	s1 =	sshll.u32 s1, $0x11  }
0xbb: {  	s0 =	sor.u32 s1, s0  }
0xbc: {  	s0 =	sadd.s32 $0x8F2B, s0  }
0xbd: {  	[sflag:s0] =	ssyncadd.remote.s32 $0x1  }
0xbe: {  	_ =	sfence.sel $0xFFFF  }
0xbf: {  	[dreg:$0x0] =	wrdreg $0xFFFFFFFF;
	(pc) =	sbr.abs _section_cstart, $3  }
0xc0: {  	[dreg:$0x1] =	wrdreg $0xFFFFFFFF  }
0xc1: {  	_ =	task.clear_ibuf [dreg:s7], $0x2FFFF;
	_ =	strace $0x9FFFFFFF  }
0xc2: {  	(tm) =	ssettm $0x7FFFFFFF  }
0xc3: {  	_ =	shalt  }
tec
execute0_lowered:
.L_overlay_start_1:
0x0: {  	(tag) =	ssettag $0x1  }
0x1: {  	s0 =	srdreg.scid;
	s2 =	rddreg [dreg:$0x0]  }
0x2: {  	s5 =	rddreg [dreg:$0x1];
	s4 =	sand.u32 $0x1, s0  }
0x3: {  	s3 =	simm.s32 $0x0;
	s0 =	stileid.u32;
	s1 =	sshll.u32 s4, $0x4  }
0x4: {  	s9 =	simm.s32 $0x7800;
	s10 =	simm.s32 $0x0;
	s6 =	sor.u32 s0, s1  }
0x5: {  	[smem:$0x7FF] =	sst s3;
	s4 =	ssub.s32 $0x2, s4;
	s7 =	smul.u32 $0xA00, s6  }
0x6: {  	s1 =	rddreg [dreg:$0x2];
	s8 =	sshrl.u32 s4, $0x1;
	s6 =	smul.u32 $0x500, s6  }
0x7: {  	_ =	strace $0x80000053;
	s31 =	ssub.s32 s4, s8;
	s8 =	simm.s32 $0x5000  }
0x8: {  	s7 =	sadd.s32 s7, s5;
	s5 =	sadd.s32 s6, s5;
	s6 =	smax.u32 s31, $0x1  }
0x9: {  	v0 =	vimm.f32 $0.0e+00;
	s4 =	sadd.s32 $0x2A00, s7;
	s5 =	sadd.s32 $0x16A00, s5;
	s7 =	simm.s32 $0x1  }
.LBB2_1:
0xa: {  	[tilespmem:s3], [sflag:$0x1] =	stream.linear.gather [hbm4b:s4+s3], $0x5000, $0x38;
	[tilespmem:$0xA000] =	vst v63  }
0xb: {  	_ =	swait.ge [sflag:s7], $0x5000  }
0xc: {  	[sflag:s7] =	ssyncset.done $0x0  }
0xd: {  	[sflag:s7] =	ssyncadd.s32 $0xFFFFB000  }
0xe: {  	[tilespmem:s8], [sflag:$0x1] =	stream.linear.gather [hbm4b:s2+s3], $0x2800, $0x38;
	[tilespmem:$0xA000] =	vst v63  }
0xf: {  	_ =	swait.ge [sflag:s7], $0x2800  }
0x10: {  	[sflag:s7] =	ssyncset.done $0x0  }
0x11: {  	s11 =	simm.s32 $0x0;
	[sflag:s7] =	ssyncadd.s32 $0xFFFFD800  }
.LBB2_2:
0x12: {  	p0 =	sne.s32 s11, $0x9FC0  }
.Ltmp0:
0x13: {  	_ = 	snop;
	(pc) =	sbr.rel @p0 .LBB2_2-.Ltmp0, $3  }
0x14: {  	_ =	sdelay $0x1  }
0x15: {  	s12 =	sshra.s32 s11, $0x2  }
0x16: {  	s11 =	sadd.s32 $0x40, s11;
	[tilespmem:s12+$0x7800] =	vst v0  }
0x17: {  	s11 =	simm.s32 $0x0  }
.LBB2_4:
0x18: {  	s12 =	sshra.s32 s11, $0x2  }
0x19: {  	v1 =	vld [tilespmem:s12+$0x0];
	_ =	sdelay $0x4  }
0x1a: {  	v2 =	vld [tilespmem:s12+$0x80];
	_ =	sdelay $0x2  }
0x1b: {  	v1 =	vld.idx.msk [tilespmem:v1+s8+$0x0], $0xffff;
	_ =	sdelay $0x4  }
0x1c: {  	[tilespmem:v2+s9+$0x0] =	vst.idx.add.f32.msk $0xffff, v1  }
0x1d: {  	v1 =	vld [tilespmem:s12+$0x10];
	_ =	sdelay $0x4  }
0x1e: {  	v2 =	vld [tilespmem:s12+$0x90];
	_ =	sdelay $0x2  }
0x1f: {  	v1 =	vld.idx.msk [tilespmem:v1+s8+$0x0], $0xffff;
	_ =	sdelay $0x4  }
0x20: {  	[tilespmem:v2+s9+$0x0] =	vst.idx.add.f32.msk $0xffff, v1  }
0x21: {  	v1 =	vld [tilespmem:s12+$0x20];
	_ =	sdelay $0x4  }
0x22: {  	v2 =	vld [tilespmem:s12+$0xA0];
	_ =	sdelay $0x2  }
0x23: {  	v1 =	vld.idx.msk [tilespmem:v1+s8+$0x0], $0xffff;
	_ =	sdelay $0x4  }
0x24: {  	[tilespmem:v2+s9+$0x0] =	vst.idx.add.f32.msk $0xffff, v1  }
0x25: {  	v1 =	vld [tilespmem:s12+$0x30];
	_ =	sdelay $0x4  }
0x26: {  	v2 =	vld [tilespmem:s12+$0xB0];
	_ =	sdelay $0x2  }
0x27: {  	v1 =	vld.idx.msk [tilespmem:v1+s8+$0x0], $0xffff;
	_ =	sdelay $0x4  }
0x28: {  	[tilespmem:v2+s9+$0x0] =	vst.idx.add.f32.msk $0xffff, v1  }
0x29: {  	v1 =	vld [tilespmem:s12+$0x40];
	_ =	sdelay $0x4  }
0x2a: {  	v2 =	vld [tilespmem:s12+$0xC0];
	_ =	sdelay $0x2  }
0x2b: {  	v1 =	vld.idx.msk [tilespmem:v1+s8+$0x0], $0xffff;
	_ =	sdelay $0x4  }
0x2c: {  	[tilespmem:v2+s9+$0x0] =	vst.idx.add.f32.msk $0xffff, v1  }
0x2d: {  	v1 =	vld [tilespmem:s12+$0x50];
	_ =	sdelay $0x4  }
0x2e: {  	v2 =	vld [tilespmem:s12+$0xD0];
	_ =	sdelay $0x2  }
0x2f: {  	v1 =	vld.idx.msk [tilespmem:v1+s8+$0x0], $0xffff;
	_ =	sdelay $0x4  }
0x30: {  	[tilespmem:v2+s9+$0x0] =	vst.idx.add.f32.msk $0xffff, v1  }
0x31: {  	v1 =	vld [tilespmem:s12+$0x60];
	_ =	sdelay $0x4  }
0x32: {  	v2 =	vld [tilespmem:s12+$0xE0];
	_ =	sdelay $0x2  }
0x33: {  	v1 =	vld.idx.msk [tilespmem:v1+s8+$0x0], $0xffff;
	_ =	sdelay $0x4  }
0x34: {  	[tilespmem:v2+s9+$0x0] =	vst.idx.add.f32.msk $0xffff, v1  }
0x35: {  	v1 =	vld [tilespmem:s12+$0x70];
	_ =	sdelay $0x4  }
0x36: {  	v2 =	vld [tilespmem:s12+$0xF0];
	_ =	sdelay $0x2  }
0x37: {  	p0 =	sne.s32 s11, $0x13C00;
	v1 =	vld.idx.msk [tilespmem:v1+s8+$0x0], $0xffff  }
.Ltmp1:
0x38: {  	_ = 	snop;
	(pc) =	sbr.rel @p0 .LBB2_4-.Ltmp1, $2  }
0x39: {  	_ =	sdelay $0x2  }
0x3a: {  	s11 =	sadd.s32 $0x400, s11;
	[tilespmem:v2+s9+$0x0] =	vst.idx.add.f32.msk $0xffff, v1  }
0x3b: {  	s10 =	sadd.s32 $0x1, s10  }
0x3c: {  	p0 =	sne.s32 s10, s6  }
.Ltmp2:
0x3d: {  	_ = 	snop;
	(pc) =	sbr.rel @p0 .LBB2_1-.Ltmp2, $4  }
0x3e: {  	[hbm4b:s5+s3] =	stream.linear.scatter [tilespmem:s9], [sflag:$0x1], $0x2800, $0x38;
	[tilespmem:$0xA000] =	vst v63  }
0x3f: {  	_ =	swait.ge [sflag:s7], $0x2800  }
0x40: {  	[sflag:s7] =	ssyncset.done $0x0  }
0x41: {  	[sflag:s7] =	ssyncadd.s32 $0xFFFFD800  }
0x42: {  	_ =	sfence.sel $0x180000  }
0x43: {  	[bflag:$0x0] =	sbarrier.arrive $0xFFFF  }
0x44: {  	p0 =	sne.s32 s0, $0x0;
	_ =	strace $0x90000053  }
0x45: {  	s0 =	sadd.s32 @!p0 $0x100000, s1;
	[bflag:$0x2] =	sbarrier.arrive $0xFFFF  }
0x46: {  	[sflag:s0] =	ssyncadd.tile.s32 @!p0 $0x1;
	_ =	shalt  }
.Lfunc_end2:
_tile_overlayer_lowered:
.L_overlay_start_2:
0x47: {  	(tag) =	ssettag $0x2  }
0x48: {  	s0 =	rddreg [dreg:$0x0];
	s2 =	stileid.u32  }
0x49: {  	s1 =	rddreg [dreg:$0x1];
	p0 =	sne.s32 s2, $0x0  }
0x4a: {  	s3 =	rddreg [dreg:$0x2];
	[bflag:$0x3] =	sbarrier.arrive $0xFFFF;
	s2 =	simm.s32 @!p0 $0x1C01  }
0x4b: {  	[timem:s3], [sflag:s2] =	dma.local @!p0 [hbm:s0], s1  }
0x4c: {  	s0 =	simm.s32 @!p0 $0x1  }
0x4d: {  	_ =	swait.ge @!p0 [sflag:s0], s1  }
0x4e: {  	s1 =	ssub.s32 @!p0 $0x0, s1;
	[sflag:s0] =	ssyncset.done @!p0 $0x0  }
0x4f: {  	[sflag:s0] =	ssyncadd.s32 @!p0 s1  }
0x50: {  	[bflag:$0x3] =	sbarrier.arrive $0xFFFF  }
0x51: {  	_ =	shalt  }

</sc_bundles>
